<compile_context>
chip_gen: v7x
topology: tpu7x:2x2x1
jax: 0.10.2.dev20260603
libtpu: 0.0.44.dev20260713+nightly
codegen_flags: <defaults>
</compile_context>

<pallas_src>
import functools

import jax
import jax.numpy as jnp
from jax import lax
from jax.experimental import pallas as pl
from jax.experimental.pallas import tpu as pltpu
from jax.experimental.pallas import tpu_sc as plsc

NUM_T = 100
B = 32
L = 512
LANES = 16
NC, NS = 2, 16
JCHUNKS = L // LANES
ROW_BYTES = L * 4


def _pair_bias_body(zs_hbm, emb_hbm, out_hbm, zs_v, tab_v, rtab_v, sem):
    b = lax.axis_index("s") * NC + lax.axis_index("c")

    pltpu.sync_copy(zs_hbm.at[b], zs_v)
    pltpu.sync_copy(emb_hbm, tab_v)

    zch = [zs_v[pl.ds(c * LANES, LANES)] for c in range(JCHUNKS)]

    @plsc.parallel_loop(0, NUM_T, unroll=4)
    def v_body(v):
        base = v * NUM_T
        for c in range(JCHUNKS):
            vals = plsc.load_gather(tab_v, [zch[c] + base])
            rtab_v[pl.ds(v * L + c * LANES, LANES)] = vals

    def group_copies(g):
        rows = zs_v[pl.ds(g * LANES, LANES)]
        for r in range(LANES):
            v = rows[r]
            yield pltpu.make_async_copy(
                rtab_v.at[pl.ds(v * L, L)],
                out_hbm.at[b, g * LANES + r],
                sem,
            )

    def issue_group(g):
        for cp in group_copies(g):
            cp.start()

    def wait_group(g):
        del g
        for _ in range(LANES):
            pltpu.make_async_copy(
                rtab_v.at[pl.ds(0, L)], out_hbm.at[b, 0], sem
            ).wait()

    issue_group(0)
    issue_group(1)

    def g_body(g, _):
        issue_group(g)
        wait_group(g - 2)
        return 0

    lax.fori_loop(2, L // LANES, g_body, 0)
    wait_group(L // LANES - 2)
    wait_group(L // LANES - 1)


@functools.partial(jax.jit, static_argnames=())
def kernel(zs, pair_emb):
    zs32 = zs.astype(jnp.int32)
    emb = pair_emb.reshape(NUM_T * NUM_T)

    mesh = plsc.VectorSubcoreMesh(core_axis_name="c", subcore_axis_name="s")
    run = pl.kernel(
        _pair_bias_body,
        out_type=jax.ShapeDtypeStruct((B, L, L), jnp.float32),
        mesh=mesh,
        compiler_params=pltpu.CompilerParams(needs_layout_passes=False),
        scratch_types=[
            pltpu.VMEM((L,), jnp.int32),
            pltpu.VMEM((NUM_T * NUM_T,), jnp.float32),
            pltpu.VMEM((NUM_T * L,), jnp.float32),
            pltpu.SemaphoreType.DMA,
        ],
    )
    return run(zs32, emb)

# --- scband reference (transcript-rebuilt; emitter-appended) ---
"""Pipeline reference for scband-element-pair-bias-25958782337713 (READ-ONLY COPY).

The authoritative reference and input builder live on the scoring server;
editing this copy changes nothing except your own understanding.
"""

import jax, jax.numpy as jnp
import numpy as np

NUM_TYPES = 100

def setup_inputs(seed: int = 0) -> dict:
    key = jax.random.key(seed)
    k1, k2 = jax.random.split(key)
    zs = jax.random.randint(k1, (32, 512), 0, NUM_TYPES, dtype=jnp.int64) if jax.config.jax_enable_x64 else jax.random.randint(k1, (32, 512), 0, NUM_TYPES, dtype=jnp.int32)
    pair_emb = jax.random.normal(k2, (NUM_TYPES * NUM_TYPES, 1), dtype=jnp.float32)
    return {"zs": zs, "pair_emb": pair_emb}

def reference(zs, pair_emb):
    # zi[b,i,j] = zs[b,i]; zj[b,i,j] = zs[b,j]
    zi = zs[:, :, None]
    zj = zs[:, None, :]
    idx = zi * NUM_TYPES + zj  # [B, L, L]
    out = jnp.take(pair_emb, idx, axis=0)  # [B, L, L, 1]
    return out[..., 0]

if __name__ == "__main__":
    import jax
    _d = setup_inputs()
    print(jax.jit(kernel)(*tuple(_d.values())))

</pallas_src>

<mosaic_0001>
#map = affine_map<(d0, d1) -> (0, 0)>
#map1 = affine_map<(d0, d1) -> (0)>
#map2 = affine_map<(d0, d1) -> (0, 0, 0)>
module attributes {stable_mosaic.version = 14 : i64} {
  func.func @_pair_bias_body(%arg0: i32, %arg1: i32, %arg2: memref<32x512xi32, #tpu.memory_space<hbm>>, %arg3: memref<10000xf32, #tpu.memory_space<hbm>>, %arg4: memref<32x512x512xf32, #tpu.memory_space<hbm>>, %arg5: memref<512xi32, #tpu.memory_space<vmem>>, %arg6: memref<10000xf32, #tpu.memory_space<vmem>>, %arg7: memref<51200xf32, #tpu.memory_space<vmem>>, %arg8: memref<!tpu.dma_semaphore, #tpu.memory_space<semaphore_mem>>) attributes {dimension_semantics = [#tpu.dimension_semantics<core_parallel>, #tpu.dimension_semantics<subcore_parallel>], iteration_bounds = array<i64: 2, 16>, scalar_prefetch = 0 : i64, scratch_operands = 4 : i64, tpu.core_type = #tpu.core_type<sc_vector_subcore>, window_params = [{transform_indices = #map}, {transform_indices = #map1}, {transform_indices = #map2}]} {
    %mul3A = arith.constant 2 : i32
    %mul3A_0 = arith.muli %arg1, %mul3A : i32
    %add3A = arith.addi %mul3A_0, %arg0 : i32
    "tpu.region"() ({
      %run_scoped3A = tpu.sem_alloc : memref<!tpu.dma_semaphore, #tpu.memory_space<semaphore_mem>>
      %dma_start3A_840 = arith.constant 0 : i32
      %dma_start3A_841 = tpu.memref_slice %arg2[%add3A, %dma_start3A_840] : memref<32x512xi32, #tpu.memory_space<hbm>> -> memref<1x512xi32, #tpu.memory_space<hbm>>
      %dma_start3A_842 = tpu.memref_squeeze %dma_start3A_841 : memref<1x512xi32, #tpu.memory_space<hbm>> -> memref<512xi32, #tpu.memory_space<hbm>>
      %dma_start3A_843 = arith.constant 0 : i32
      %dma_start3A_844 = tpu.memref_slice %arg2[%add3A, %dma_start3A_843] : memref<32x512xi32, #tpu.memory_space<hbm>> -> memref<1x512xi32, #tpu.memory_space<hbm>>
      %dma_start3A_845 = tpu.memref_squeeze %dma_start3A_844 : memref<1x512xi32, #tpu.memory_space<hbm>> -> memref<512xi32, #tpu.memory_space<hbm>>
      tpu.enqueue_dma source(%dma_start3A_845 : memref<512xi32, #tpu.memory_space<hbm>>) target(%arg5 : memref<512xi32, #tpu.memory_space<vmem>>) target_semaphore(%run_scoped3A : memref<!tpu.dma_semaphore, #tpu.memory_space<semaphore_mem>>)
      %dma_wait3A_846 = arith.constant 0 : i32
      %dma_wait3A_847 = tpu.memref_slice %arg2[%add3A, %dma_wait3A_846] : memref<32x512xi32, #tpu.memory_space<hbm>> -> memref<1x512xi32, #tpu.memory_space<hbm>>
      %dma_wait3A_848 = tpu.memref_squeeze %dma_wait3A_847 : memref<1x512xi32, #tpu.memory_space<hbm>> -> memref<512xi32, #tpu.memory_space<hbm>>
      %dma_wait3A_849 = arith.constant 0 : i32
      %dma_wait3A_850 = tpu.memref_slice %arg2[%add3A, %dma_wait3A_849] : memref<32x512xi32, #tpu.memory_space<hbm>> -> memref<1x512xi32, #tpu.memory_space<hbm>>
      %dma_wait3A_851 = tpu.memref_squeeze %dma_wait3A_850 : memref<1x512xi32, #tpu.memory_space<hbm>> -> memref<512xi32, #tpu.memory_space<hbm>>
      tpu.wait_dma2 semaphore(%run_scoped3A : memref<!tpu.dma_semaphore, #tpu.memory_space<semaphore_mem>>) src(%dma_wait3A_851 : memref<512xi32, #tpu.memory_space<hbm>>) dst(%arg5 : memref<512xi32, #tpu.memory_space<vmem>>)
      tpu.yield
    }) : () -> ()
    "tpu.region"() ({
      %run_scoped3A = tpu.sem_alloc : memref<!tpu.dma_semaphore, #tpu.memory_space<semaphore_mem>>
      tpu.enqueue_dma source(%arg3 : memref<10000xf32, #tpu.memory_space<hbm>>) target(%arg6 : memref<10000xf32, #tpu.memory_space<vmem>>) target_semaphore(%run_scoped3A : memref<!tpu.dma_semaphore, #tpu.memory_space<semaphore_mem>>)
      tpu.wait_dma2 semaphore(%run_scoped3A : memref<!tpu.dma_semaphore, #tpu.memory_space<semaphore_mem>>) src(%arg3 : memref<10000xf32, #tpu.memory_space<hbm>>) dst(%arg6 : memref<10000xf32, #tpu.memory_space<vmem>>)
      tpu.yield
    }) : () -> ()
    %get3A = arith.constant 0 : index
    %get3A_1 = tpu.vector_load %arg5[%get3A] {strides = array<i32>} : memref<512xi32, #tpu.memory_space<vmem>>, vector<16xi32>,
    %get3A_2 = arith.constant 16 : index
    %get3A_3 = tpu.vector_load %arg5[%get3A_2] {strides = array<i32>} : memref<512xi32, #tpu.memory_space<vmem>>, vector<16xi32>,
    %get3A_4 = arith.constant 32 : index
    %get3A_5 = tpu.vector_load %arg5[%get3A_4] {strides = array<i32>} : memref<512xi32, #tpu.memory_space<vmem>>, vector<16xi32>,
    %get3A_6 = arith.constant 48 : index
    %get3A_7 = tpu.vector_load %arg5[%get3A_6] {strides = array<i32>} : memref<512xi32, #tpu.memory_space<vmem>>, vector<16xi32>,
    %get3A_8 = arith.constant 64 : index
    %get3A_9 = tpu.vector_load %arg5[%get3A_8] {strides = array<i32>} : memref<512xi32, #tpu.memory_space<vmem>>, vector<16xi32>,
    %get3A_10 = arith.constant 80 : index
    %get3A_11 = tpu.vector_load %arg5[%get3A_10] {strides = array<i32>} : memref<512xi32, #tpu.memory_space<vmem>>, vector<16xi32>,
    %get3A_12 = arith.constant 96 : index
    %get3A_13 = tpu.vector_load %arg5[%get3A_12] {strides = array<i32>} : memref<512xi32, #tpu.memory_space<vmem>>, vector<16xi32>,
    %get3A_14 = arith.constant 112 : index
    %get3A_15 = tpu.vector_load %arg5[%get3A_14] {strides = array<i32>} : memref<512xi32, #tpu.memory_space<vmem>>, vector<16xi32>,
    %get3A_16 = arith.constant 128 : index
    %get3A_17 = tpu.vector_load %arg5[%get3A_16] {strides = array<i32>} : memref<512xi32, #tpu.memory_space<vmem>>, vector<16xi32>,
    %get3A_18 = arith.constant 144 : index
    %get3A_19 = tpu.vector_load %arg5[%get3A_18] {strides = array<i32>} : memref<512xi32, #tpu.memory_space<vmem>>, vector<16xi32>,
    %get3A_20 = arith.constant 160 : index
    %get3A_21 = tpu.vector_load %arg5[%get3A_20] {strides = array<i32>} : memref<512xi32, #tpu.memory_space<vmem>>, vector<16xi32>,
    %get3A_22 = arith.constant 176 : index
    %get3A_23 = tpu.vector_load %arg5[%get3A_22] {strides = array<i32>} : memref<512xi32, #tpu.memory_space<vmem>>, vector<16xi32>,
    %get3A_24 = arith.constant 192 : index
    %get3A_25 = tpu.vector_load %arg5[%get3A_24] {strides = array<i32>} : memref<512xi32, #tpu.memory_space<vmem>>, vector<16xi32>,
    %get3A_26 = arith.constant 208 : index
    %get3A_27 = tpu.vector_load %arg5[%get3A_26] {strides = array<i32>} : memref<512xi32, #tpu.memory_space<vmem>>, vector<16xi32>,
    %get3A_28 = arith.constant 224 : index
    %get3A_29 = tpu.vector_load %arg5[%get3A_28] {strides = array<i32>} : memref<512xi32, #tpu.memory_space<vmem>>, vector<16xi32>,
    %get3A_30 = arith.constant 240 : index
    %get3A_31 = tpu.vector_load %arg5[%get3A_30] {strides = array<i32>} : memref<512xi32, #tpu.memory_space<vmem>>, vector<16xi32>,
    %get3A_32 = arith.constant 256 : index
    %get3A_33 = tpu.vector_load %arg5[%get3A_32] {strides = array<i32>} : memref<512xi32, #tpu.memory_space<vmem>>, vector<16xi32>,
    %get3A_34 = arith.constant 272 : index
    %get3A_35 = tpu.vector_load %arg5[%get3A_34] {strides = array<i32>} : memref<512xi32, #tpu.memory_space<vmem>>, vector<16xi32>,
    %get3A_36 = arith.constant 288 : index
    %get3A_37 = tpu.vector_load %arg5[%get3A_36] {strides = array<i32>} : memref<512xi32, #tpu.memory_space<vmem>>, vector<16xi32>,
    %get3A_38 = arith.constant 304 : index
    %get3A_39 = tpu.vector_load %arg5[%get3A_38] {strides = array<i32>} : memref<512xi32, #tpu.memory_space<vmem>>, vector<16xi32>,
    %get3A_40 = arith.constant 320 : index
    %get3A_41 = tpu.vector_load %arg5[%get3A_40] {strides = array<i32>} : memref<512xi32, #tpu.memory_space<vmem>>, vector<16xi32>,
    %get3A_42 = arith.constant 336 : index
    %get3A_43 = tpu.vector_load %arg5[%get3A_42] {strides = array<i32>} : memref<512xi32, #tpu.memory_space<vmem>>, vector<16xi32>,
    %get3A_44 = arith.constant 352 : index
    %get3A_45 = tpu.vector_load %arg5[%get3A_44] {strides = array<i32>} : memref<512xi32, #tpu.memory_space<vmem>>, vector<16xi32>,
    %get3A_46 = arith.constant 368 : index
    %get3A_47 = tpu.vector_load %arg5[%get3A_46] {strides = array<i32>} : memref<512xi32, #tpu.memory_space<vmem>>, vector<16xi32>,
    %get3A_48 = arith.constant 384 : index
    %get3A_49 = tpu.vector_load %arg5[%get3A_48] {strides = array<i32>} : memref<512xi32, #tpu.memory_space<vmem>>, vector<16xi32>,
    %get3A_50 = arith.constant 400 : index
    %get3A_51 = tpu.vector_load %arg5[%get3A_50] {strides = array<i32>} : memref<512xi32, #tpu.memory_space<vmem>>, vector<16xi32>,
    %get3A_52 = arith.constant 416 : index
    %get3A_53 = tpu.vector_load %arg5[%get3A_52] {strides = array<i32>} : memref<512xi32, #tpu.memory_space<vmem>>, vector<16xi32>,
    %get3A_54 = arith.constant 432 : index
    %get3A_55 = tpu.vector_load %arg5[%get3A_54] {strides = array<i32>} : memref<512xi32, #tpu.memory_space<vmem>>, vector<16xi32>,
    %get3A_56 = arith.constant 448 : index
    %get3A_57 = tpu.vector_load %arg5[%get3A_56] {strides = array<i32>} : memref<512xi32, #tpu.memory_space<vmem>>, vector<16xi32>,
    %get3A_58 = arith.constant 464 : index
    %get3A_59 = tpu.vector_load %arg5[%get3A_58] {strides = array<i32>} : memref<512xi32, #tpu.memory_space<vmem>>, vector<16xi32>,
    %get3A_60 = arith.constant 480 : index
    %get3A_61 = tpu.vector_load %arg5[%get3A_60] {strides = array<i32>} : memref<512xi32, #tpu.memory_space<vmem>>, vector<16xi32>,
    %get3A_62 = arith.constant 496 : index
    %get3A_63 = tpu.vector_load %arg5[%get3A_62] {strides = array<i32>} : memref<512xi32, #tpu.memory_space<vmem>>, vector<16xi32>,
    %parallel_loop3A = arith.constant 0 : i32
    %parallel_loop3A_64 = arith.constant 100 : i32
    %parallel_loop3A_65 = arith.constant 1 : i32
    scf.for %parallel_loop3A_840 = %parallel_loop3A to %parallel_loop3A_64 step %parallel_loop3A_65  : i32 {
      %parallel_loop3A_841 = arith.constant 100 : i32
      %parallel_loop3A_842 = arith.muli %parallel_loop3A_840, %parallel_loop3A_841 : i32
      %parallel_loop3A_843 = vector.broadcast %parallel_loop3A_842 : i32 to vector<16xi32>
      %parallel_loop3A_844 = arith.addi %get3A_1, %parallel_loop3A_843 : vector<16xi32>
      %parallel_loop3A_845 = tpu.vector_load_idx %arg6[%parallel_loop3A_844] : memref<10000xf32, #tpu.memory_space<vmem>>[vector<16xi32>], vector<16xf32>,
      %parallel_loop3A_846 = arith.constant 512 : i32
      %parallel_loop3A_847 = arith.muli %parallel_loop3A_840, %parallel_loop3A_846 : i32
      %parallel_loop3A_848 = arith.constant 0 : i32
      %parallel_loop3A_849 = arith.addi %parallel_loop3A_847, %parallel_loop3A_848 : i32
      %parallel_loop3A_850 = arith.index_cast %parallel_loop3A_849 : i32 to index
      %parallel_loop3A_851 = tpu.vector_load %arg7[%parallel_loop3A_850] {strides = array<i32>} : memref<51200xf32, #tpu.memory_space<vmem>>, vector<16xf32>,
      tpu.vector_store %arg7[%parallel_loop3A_850], %parallel_loop3A_845 {strides = array<i32>} : memref<51200xf32, #tpu.memory_space<vmem>>, vector<16xf32>,
      %parallel_loop3A_852 = vector.broadcast %parallel_loop3A_842 : i32 to vector<16xi32>
      %parallel_loop3A_853 = arith.addi %get3A_3, %parallel_loop3A_852 : vector<16xi32>
      %parallel_loop3A_854 = tpu.vector_load_idx %arg6[%parallel_loop3A_853] : memref<10000xf32, #tpu.memory_space<vmem>>[vector<16xi32>], vector<16xf32>,
      %parallel_loop3A_855 = arith.constant 512 : i32
      %parallel_loop3A_856 = arith.muli %parallel_loop3A_840, %parallel_loop3A_855 : i32
      %parallel_loop3A_857 = arith.constant 16 : i32
      %parallel_loop3A_858 = arith.addi %parallel_loop3A_856, %parallel_loop3A_857 : i32
      %parallel_loop3A_859 = arith.index_cast %parallel_loop3A_858 : i32 to index
      %parallel_loop3A_860 = tpu.vector_load %arg7[%parallel_loop3A_859] {strides = array<i32>} : memref<51200xf32, #tpu.memory_space<vmem>>, vector<16xf32>,
      tpu.vector_store %arg7[%parallel_loop3A_859], %parallel_loop3A_854 {strides = array<i32>} : memref<51200xf32, #tpu.memory_space<vmem>>, vector<16xf32>,
      %parallel_loop3A_861 = vector.broadcast %parallel_loop3A_842 : i32 to vector<16xi32>
      %parallel_loop3A_862 = arith.addi %get3A_5, %parallel_loop3A_861 : vector<16xi32>
      %parallel_loop3A_863 = tpu.vector_load_idx %arg6[%parallel_loop3A_862] : memref<10000xf32, #tpu.memory_space<vmem>>[vector<16xi32>], vector<16xf32>,
      %parallel_loop3A_864 = arith.constant 512 : i32
      %parallel_loop3A_865 = arith.muli %parallel_loop3A_840, %parallel_loop3A_864 : i32
      %parallel_loop3A_866 = arith.constant 32 : i32
      %parallel_loop3A_867 = arith.addi %parallel_loop3A_865, %parallel_loop3A_866 : i32
      %parallel_loop3A_868 = arith.index_cast %parallel_loop3A_867 : i32 to index
      %parallel_loop3A_869 = tpu.vector_load %arg7[%parallel_loop3A_868] {strides = array<i32>} : memref<51200xf32, #tpu.memory_space<vmem>>, vector<16xf32>,
      tpu.vector_store %arg7[%parallel_loop3A_868], %parallel_loop3A_863 {strides = array<i32>} : memref<51200xf32, #tpu.memory_space<vmem>>, vector<16xf32>,
      %parallel_loop3A_870 = vector.broadcast %parallel_loop3A_842 : i32 to vector<16xi32>
      %parallel_loop3A_871 = arith.addi %get3A_7, %parallel_loop3A_870 : vector<16xi32>
      %parallel_loop3A_872 = tpu.vector_load_idx %arg6[%parallel_loop3A_871] : memref<10000xf32, #tpu.memory_space<vmem>>[vector<16xi32>], vector<16xf32>,
      %parallel_loop3A_873 = arith.constant 512 : i32
      %parallel_loop3A_874 = arith.muli %parallel_loop3A_840, %parallel_loop3A_873 : i32
      %parallel_loop3A_875 = arith.constant 48 : i32
      %parallel_loop3A_876 = arith.addi %parallel_loop3A_874, %parallel_loop3A_875 : i32
      %parallel_loop3A_877 = arith.index_cast %parallel_loop3A_876 : i32 to index
      %parallel_loop3A_878 = tpu.vector_load %arg7[%parallel_loop3A_877] {strides = array<i32>} : memref<51200xf32, #tpu.memory_space<vmem>>, vector<16xf32>,
      tpu.vector_store %arg7[%parallel_loop3A_877], %parallel_loop3A_872 {strides = array<i32>} : memref<51200xf32, #tpu.memory_space<vmem>>, vector<16xf32>,
      %parallel_loop3A_879 = vector.broadcast %parallel_loop3A_842 : i32 to vector<16xi32>
      %parallel_loop3A_880 = arith.addi %get3A_9, %parallel_loop3A_879 : vector<16xi32>
      %parallel_loop3A_881 = tpu.vector_load_idx %arg6[%parallel_loop3A_880] : memref<10000xf32, #tpu.memory_space<vmem>>[vector<16xi32>], vector<16xf32>,
      %parallel_loop3A_882 = arith.constant 512 : i32
      %parallel_loop3A_883 = arith.muli %parallel_loop3A_840, %parallel_loop3A_882 : i32
      %parallel_loop3A_884 = arith.constant 64 : i32
      %parallel_loop3A_885 = arith.addi %parallel_loop3A_883, %parallel_loop3A_884 : i32
      %parallel_loop3A_886 = arith.index_cast %parallel_loop3A_885 : i32 to index
      %parallel_loop3A_887 = tpu.vector_load %arg7[%parallel_loop3A_886] {strides = array<i32>} : memref<51200xf32, #tpu.memory_space<vmem>>, vector<16xf32>,
      tpu.vector_store %arg7[%parallel_loop3A_886], %parallel_loop3A_881 {strides = array<i32>} : memref<51200xf32, #tpu.memory_space<vmem>>, vector<16xf32>,
      %parallel_loop3A_888 = vector.broadcast %parallel_loop3A_842 : i32 to vector<16xi32>
      %parallel_loop3A_889 = arith.addi %get3A_11, %parallel_loop3A_888 : vector<16xi32>
      %parallel_loop3A_890 = tpu.vector_load_idx %arg6[%parallel_loop3A_889] : memref<10000xf32, #tpu.memory_space<vmem>>[vector<16xi32>], vector<16xf32>,
      %parallel_loop3A_891 = arith.constant 512 : i32
      %parallel_loop3A_892 = arith.muli %parallel_loop3A_840, %parallel_loop3A_891 : i32
      %parallel_loop3A_893 = arith.constant 80 : i32
      %parallel_loop3A_894 = arith.addi %parallel_loop3A_892, %parallel_loop3A_893 : i32
      %parallel_loop3A_895 = arith.index_cast %parallel_loop3A_894 : i32 to index
      %parallel_loop3A_896 = tpu.vector_load %arg7[%parallel_loop3A_895] {strides = array<i32>} : memref<51200xf32, #tpu.memory_space<vmem>>, vector<16xf32>,
      tpu.vector_store %arg7[%parallel_loop3A_895], %parallel_loop3A_890 {strides = array<i32>} : memref<51200xf32, #tpu.memory_space<vmem>>, vector<16xf32>,
      %parallel_loop3A_897 = vector.broadcast %parallel_loop3A_842 : i32 to vector<16xi32>
      %parallel_loop3A_898 = arith.addi %get3A_13, %parallel_loop3A_897 : vector<16xi32>
      %parallel_loop3A_899 = tpu.vector_load_idx %arg6[%parallel_loop3A_898] : memref<10000xf32, #tpu.memory_space<vmem>>[vector<16xi32>], vector<16xf32>,
      %parallel_loop3A_900 = arith.constant 512 : i32
      %parallel_loop3A_901 = arith.muli %parallel_loop3A_840, %parallel_loop3A_900 : i32
      %parallel_loop3A_902 = arith.constant 96 : i32
      %parallel_loop3A_903 = arith.addi %parallel_loop3A_901, %parallel_loop3A_902 : i32
      %parallel_loop3A_904 = arith.index_cast %parallel_loop3A_903 : i32 to index
      %parallel_loop3A_905 = tpu.vector_load %arg7[%parallel_loop3A_904] {strides = array<i32>} : memref<51200xf32, #tpu.memory_space<vmem>>, vector<16xf32>,
      tpu.vector_store %arg7[%parallel_loop3A_904], %parallel_loop3A_899 {strides = array<i32>} : memref<51200xf32, #tpu.memory_space<vmem>>, vector<16xf32>,
      %parallel_loop3A_906 = vector.broadcast %parallel_loop3A_842 : i32 to vector<16xi32>
      %parallel_loop3A_907 = arith.addi %get3A_15, %parallel_loop3A_906 : vector<16xi32>
      %parallel_loop3A_908 = tpu.vector_load_idx %arg6[%parallel_loop3A_907] : memref<10000xf32, #tpu.memory_space<vmem>>[vector<16xi32>], vector<16xf32>,
      %parallel_loop3A_909 = arith.constant 512 : i32
      %parallel_loop3A_910 = arith.muli %parallel_loop3A_840, %parallel_loop3A_909 : i32
      %parallel_loop3A_911 = arith.constant 112 : i32
      %parallel_loop3A_912 = arith.addi %parallel_loop3A_910, %parallel_loop3A_911 : i32
      %parallel_loop3A_913 = arith.index_cast %parallel_loop3A_912 : i32 to index
      %parallel_loop3A_914 = tpu.vector_load %arg7[%parallel_loop3A_913] {strides = array<i32>} : memref<51200xf32, #tpu.memory_space<vmem>>, vector<16xf32>,
      tpu.vector_store %arg7[%parallel_loop3A_913], %parallel_loop3A_908 {strides = array<i32>} : memref<51200xf32, #tpu.memory_space<vmem>>, vector<16xf32>,
      %parallel_loop3A_915 = vector.broadcast %parallel_loop3A_842 : i32 to vector<16xi32>
      %parallel_loop3A_916 = arith.addi %get3A_17, %parallel_loop3A_915 : vector<16xi32>
      %parallel_loop3A_917 = tpu.vector_load_idx %arg6[%parallel_loop3A_916] : memref<10000xf32, #tpu.memory_space<vmem>>[vector<16xi32>], vector<16xf32>,
      %parallel_loop3A_918 = arith.constant 512 : i32
      %parallel_loop3A_919 = arith.muli %parallel_loop3A_840, %parallel_loop3A_918 : i32
      %parallel_loop3A_920 = arith.constant 128 : i32
      %parallel_loop3A_921 = arith.addi %parallel_loop3A_919, %parallel_loop3A_920 : i32
      %parallel_loop3A_922 = arith.index_cast %parallel_loop3A_921 : i32 to index
      %parallel_loop3A_923 = tpu.vector_load %arg7[%parallel_loop3A_922] {strides = array<i32>} : memref<51200xf32, #tpu.memory_space<vmem>>, vector<16xf32>,
      tpu.vector_store %arg7[%parallel_loop3A_922], %parallel_loop3A_917 {strides = array<i32>} : memref<51200xf32, #tpu.memory_space<vmem>>, vector<16xf32>,
      %parallel_loop3A_924 = vector.broadcast %parallel_loop3A_842 : i32 to vector<16xi32>
      %parallel_loop3A_925 = arith.addi %get3A_19, %parallel_loop3A_924 : vector<16xi32>
      %parallel_loop3A_926 = tpu.vector_load_idx %arg6[%parallel_loop3A_925] : memref<10000xf32, #tpu.memory_space<vmem>>[vector<16xi32>], vector<16xf32>,
      %parallel_loop3A_927 = arith.constant 512 : i32
      %parallel_loop3A_928 = arith.muli %parallel_loop3A_840, %parallel_loop3A_927 : i32
      %parallel_loop3A_929 = arith.constant 144 : i32
      %parallel_loop3A_930 = arith.addi %parallel_loop3A_928, %parallel_loop3A_929 : i32
      %parallel_loop3A_931 = arith.index_cast %parallel_loop3A_930 : i32 to index
      %parallel_loop3A_932 = tpu.vector_load %arg7[%parallel_loop3A_931] {strides = array<i32>} : memref<51200xf32, #tpu.memory_space<vmem>>, vector<16xf32>,
      tpu.vector_store %arg7[%parallel_loop3A_931], %parallel_loop3A_926 {strides = array<i32>} : memref<51200xf32, #tpu.memory_space<vmem>>, vector<16xf32>,
      %parallel_loop3A_933 = vector.broadcast %parallel_loop3A_842 : i32 to vector<16xi32>
      %parallel_loop3A_934 = arith.addi %get3A_21, %parallel_loop3A_933 : vector<16xi32>
      %parallel_loop3A_935 = tpu.vector_load_idx %arg6[%parallel_loop3A_934] : memref<10000xf32, #tpu.memory_space<vmem>>[vector<16xi32>], vector<16xf32>,
      %parallel_loop3A_936 = arith.constant 512 : i32
      %parallel_loop3A_937 = arith.muli %parallel_loop3A_840, %parallel_loop3A_936 : i32
      %parallel_loop3A_938 = arith.constant 160 : i32
      %parallel_loop3A_939 = arith.addi %parallel_loop3A_937, %parallel_loop3A_938 : i32
      %parallel_loop3A_940 = arith.index_cast %parallel_loop3A_939 : i32 to index
      %parallel_loop3A_941 = tpu.vector_load %arg7[%parallel_loop3A_940] {strides = array<i32>} : memref<51200xf32, #tpu.memory_space<vmem>>, vector<16xf32>,
      tpu.vector_store %arg7[%parallel_loop3A_940], %parallel_loop3A_935 {strides = array<i32>} : memref<51200xf32, #tpu.memory_space<vmem>>, vector<16xf32>,
      %parallel_loop3A_942 = vector.broadcast %parallel_loop3A_842 : i32 to vector<16xi32>
      %parallel_loop3A_943 = arith.addi %get3A_23, %parallel_loop3A_942 : vector<16xi32>
      %parallel_loop3A_944 = tpu.vector_load_idx %arg6[%parallel_loop3A_943] : memref<10000xf32, #tpu.memory_space<vmem>>[vector<16xi32>], vector<16xf32>,
      %parallel_loop3A_945 = arith.constant 512 : i32
      %parallel_loop3A_946 = arith.muli %parallel_loop3A_840, %parallel_loop3A_945 : i32
      %parallel_loop3A_947 = arith.constant 176 : i32
      %parallel_loop3A_948 = arith.addi %parallel_loop3A_946, %parallel_loop3A_947 : i32
      %parallel_loop3A_949 = arith.index_cast %parallel_loop3A_948 : i32 to index
      %parallel_loop3A_950 = tpu.vector_load %arg7[%parallel_loop3A_949] {strides = array<i32>} : memref<51200xf32, #tpu.memory_space<vmem>>, vector<16xf32>,
      tpu.vector_store %arg7[%parallel_loop3A_949], %parallel_loop3A_944 {strides = array<i32>} : memref<51200xf32, #tpu.memory_space<vmem>>, vector<16xf32>,
      %parallel_loop3A_951 = vector.broadcast %parallel_loop3A_842 : i32 to vector<16xi32>
      %parallel_loop3A_952 = arith.addi %get3A_25, %parallel_loop3A_951 : vector<16xi32>
      %parallel_loop3A_953 = tpu.vector_load_idx %arg6[%parallel_loop3A_952] : memref<10000xf32, #tpu.memory_space<vmem>>[vector<16xi32>], vector<16xf32>,
      %parallel_loop3A_954 = arith.constant 512 : i32
      %parallel_loop3A_955 = arith.muli %parallel_loop3A_840, %parallel_loop3A_954 : i32
      %parallel_loop3A_956 = arith.constant 192 : i32
      %parallel_loop3A_957 = arith.addi %parallel_loop3A_955, %parallel_loop3A_956 : i32
      %parallel_loop3A_958 = arith.index_cast %parallel_loop3A_957 : i32 to index
      %parallel_loop3A_959 = tpu.vector_load %arg7[%parallel_loop3A_958] {strides = array<i32>} : memref<51200xf32, #tpu.memory_space<vmem>>, vector<16xf32>,
      tpu.vector_store %arg7[%parallel_loop3A_958], %parallel_loop3A_953 {strides = array<i32>} : memref<51200xf32, #tpu.memory_space<vmem>>, vector<16xf32>,
      %parallel_loop3A_960 = vector.broadcast %parallel_loop3A_842 : i32 to vector<16xi32>
      %parallel_loop3A_961 = arith.addi %get3A_27, %parallel_loop3A_960 : vector<16xi32>
      %parallel_loop3A_962 = tpu.vector_load_idx %arg6[%parallel_loop3A_961] : memref<10000xf32, #tpu.memory_space<vmem>>[vector<16xi32>], vector<16xf32>,
      %parallel_loop3A_963 = arith.constant 512 : i32
      %parallel_loop3A_964 = arith.muli %parallel_loop3A_840, %parallel_loop3A_963 : i32
      %parallel_loop3A_965 = arith.constant 208 : i32
      %parallel_loop3A_966 = arith.addi %parallel_loop3A_964, %parallel_loop3A_965 : i32
      %parallel_loop3A_967 = arith.index_cast %parallel_loop3A_966 : i32 to index
      %parallel_loop3A_968 = tpu.vector_load %arg7[%parallel_loop3A_967] {strides = array<i32>} : memref<51200xf32, #tpu.memory_space<vmem>>, vector<16xf32>,
      tpu.vector_store %arg7[%parallel_loop3A_967], %parallel_loop3A_962 {strides = array<i32>} : memref<51200xf32, #tpu.memory_space<vmem>>, vector<16xf32>,
      %parallel_loop3A_969 = vector.broadcast %parallel_loop3A_842 : i32 to vector<16xi32>
      %parallel_loop3A_970 = arith.addi %get3A_29, %parallel_loop3A_969 : vector<16xi32>
      %parallel_loop3A_971 = tpu.vector_load_idx %arg6[%parallel_loop3A_970] : memref<10000xf32, #tpu.memory_space<vmem>>[vector<16xi32>], vector<16xf32>,
      %parallel_loop3A_972 = arith.constant 512 : i32
      %parallel_loop3A_973 = arith.muli %parallel_loop3A_840, %parallel_loop3A_972 : i32
      %parallel_loop3A_974 = arith.constant 224 : i32
      %parallel_loop3A_975 = arith.addi %parallel_loop3A_973, %parallel_loop3A_974 : i32
      %parallel_loop3A_976 = arith.index_cast %parallel_loop3A_975 : i32 to index
      %parallel_loop3A_977 = tpu.vector_load %arg7[%parallel_loop3A_976] {strides = array<i32>} : memref<51200xf32, #tpu.memory_space<vmem>>, vector<16xf32>,
      tpu.vector_store %arg7[%parallel_loop3A_976], %parallel_loop3A_971 {strides = array<i32>} : memref<51200xf32, #tpu.memory_space<vmem>>, vector<16xf32>,
      %parallel_loop3A_978 = vector.broadcast %parallel_loop3A_842 : i32 to vector<16xi32>
      %parallel_loop3A_979 = arith.addi %get3A_31, %parallel_loop3A_978 : vector<16xi32>
      %parallel_loop3A_980 = tpu.vector_load_idx %arg6[%parallel_loop3A_979] : memref<10000xf32, #tpu.memory_space<vmem>>[vector<16xi32>], vector<16xf32>,
      %parallel_loop3A_981 = arith.constant 512 : i32
      %parallel_loop3A_982 = arith.muli %parallel_loop3A_840, %parallel_loop3A_981 : i32
      %parallel_loop3A_983 = arith.constant 240 : i32
      %parallel_loop3A_984 = arith.addi %parallel_loop3A_982, %parallel_loop3A_983 : i32
      %parallel_loop3A_985 = arith.index_cast %parallel_loop3A_984 : i32 to index
      %parallel_loop3A_986 = tpu.vector_load %arg7[%parallel_loop3A_985] {strides = array<i32>} : memref<51200xf32, #tpu.memory_space<vmem>>, vector<16xf32>,
      tpu.vector_store %arg7[%parallel_loop3A_985], %parallel_loop3A_980 {strides = array<i32>} : memref<51200xf32, #tpu.memory_space<vmem>>, vector<16xf32>,
      %parallel_loop3A_987 = vector.broadcast %parallel_loop3A_842 : i32 to vector<16xi32>
      %parallel_loop3A_988 = arith.addi %get3A_33, %parallel_loop3A_987 : vector<16xi32>
      %parallel_loop3A_989 = tpu.vector_load_idx %arg6[%parallel_loop3A_988] : memref<10000xf32, #tpu.memory_space<vmem>>[vector<16xi32>], vector<16xf32>,
      %parallel_loop3A_990 = arith.constant 512 : i32
      %parallel_loop3A_991 = arith.muli %parallel_loop3A_840, %parallel_loop3A_990 : i32
      %parallel_loop3A_992 = arith.constant 256 : i32
      %parallel_loop3A_993 = arith.addi %parallel_loop3A_991, %parallel_loop3A_992 : i32
      %parallel_loop3A_994 = arith.index_cast %parallel_loop3A_993 : i32 to index
      %parallel_loop3A_995 = tpu.vector_load %arg7[%parallel_loop3A_994] {strides = array<i32>} : memref<51200xf32, #tpu.memory_space<vmem>>, vector<16xf32>,
      tpu.vector_store %arg7[%parallel_loop3A_994], %parallel_loop3A_989 {strides = array<i32>} : memref<51200xf32, #tpu.memory_space<vmem>>, vector<16xf32>,
      %parallel_loop3A_996 = vector.broadcast %parallel_loop3A_842 : i32 to vector<16xi32>
      %parallel_loop3A_997 = arith.addi %get3A_35, %parallel_loop3A_996 : vector<16xi32>
      %parallel_loop3A_998 = tpu.vector_load_idx %arg6[%parallel_loop3A_997] : memref<10000xf32, #tpu.memory_space<vmem>>[vector<16xi32>], vector<16xf32>,
      %parallel_loop3A_999 = arith.constant 512 : i32
      %parallel_loop3A_1000 = arith.muli %parallel_loop3A_840, %parallel_loop3A_999 : i32
      %parallel_loop3A_1001 = arith.constant 272 : i32
      %parallel_loop3A_1002 = arith.addi %parallel_loop3A_1000, %parallel_loop3A_1001 : i32
      %parallel_loop3A_1003 = arith.index_cast %parallel_loop3A_1002 : i32 to index
      %parallel_loop3A_1004 = tpu.vector_load %arg7[%parallel_loop3A_1003] {strides = array<i32>} : memref<51200xf32, #tpu.memory_space<vmem>>, vector<16xf32>,
      tpu.vector_store %arg7[%parallel_loop3A_1003], %parallel_loop3A_998 {strides = array<i32>} : memref<51200xf32, #tpu.memory_space<vmem>>, vector<16xf32>,
      %parallel_loop3A_1005 = vector.broadcast %parallel_loop3A_842 : i32 to vector<16xi32>
      %parallel_loop3A_1006 = arith.addi %get3A_37, %parallel_loop3A_1005 : vector<16xi32>
      %parallel_loop3A_1007 = tpu.vector_load_idx %arg6[%parallel_loop3A_1006] : memref<10000xf32, #tpu.memory_space<vmem>>[vector<16xi32>], vector<16xf32>,
      %parallel_loop3A_1008 = arith.constant 512 : i32
      %parallel_loop3A_1009 = arith.muli %parallel_loop3A_840, %parallel_loop3A_1008 : i32
      %parallel_loop3A_1010 = arith.constant 288 : i32
      %parallel_loop3A_1011 = arith.addi %parallel_loop3A_1009, %parallel_loop3A_1010 : i32
      %parallel_loop3A_1012 = arith.index_cast %parallel_loop3A_1011 : i32 to index
      %parallel_loop3A_1013 = tpu.vector_load %arg7[%parallel_loop3A_1012] {strides = array<i32>} : memref<51200xf32, #tpu.memory_space<vmem>>, vector<16xf32>,
      tpu.vector_store %arg7[%parallel_loop3A_1012], %parallel_loop3A_1007 {strides = array<i32>} : memref<51200xf32, #tpu.memory_space<vmem>>, vector<16xf32>,
      %parallel_loop3A_1014 = vector.broadcast %parallel_loop3A_842 : i32 to vector<16xi32>
      %parallel_loop3A_1015 = arith.addi %get3A_39, %parallel_loop3A_1014 : vector<16xi32>
      %parallel_loop3A_1016 = tpu.vector_load_idx %arg6[%parallel_loop3A_1015] : memref<10000xf32, #tpu.memory_space<vmem>>[vector<16xi32>], vector<16xf32>,
      %parallel_loop3A_1017 = arith.constant 512 : i32
      %parallel_loop3A_1018 = arith.muli %parallel_loop3A_840, %parallel_loop3A_1017 : i32
      %parallel_loop3A_1019 = arith.constant 304 : i32
      %parallel_loop3A_1020 = arith.addi %parallel_loop3A_1018, %parallel_loop3A_1019 : i32
      %parallel_loop3A_1021 = arith.index_cast %parallel_loop3A_1020 : i32 to index
      %parallel_loop3A_1022 = tpu.vector_load %arg7[%parallel_loop3A_1021] {strides = array<i32>} : memref<51200xf32, #tpu.memory_space<vmem>>, vector<16xf32>,
      tpu.vector_store %arg7[%parallel_loop3A_1021], %parallel_loop3A_1016 {strides = array<i32>} : memref<51200xf32, #tpu.memory_space<vmem>>, vector<16xf32>,
      %parallel_loop3A_1023 = vector.broadcast %parallel_loop3A_842 : i32 to vector<16xi32>
      %parallel_loop3A_1024 = arith.addi %get3A_41, %parallel_loop3A_1023 : vector<16xi32>
      %parallel_loop3A_1025 = tpu.vector_load_idx %arg6[%parallel_loop3A_1024] : memref<10000xf32, #tpu.memory_space<vmem>>[vector<16xi32>], vector<16xf32>,
      %parallel_loop3A_1026 = arith.constant 512 : i32
      %parallel_loop3A_1027 = arith.muli %parallel_loop3A_840, %parallel_loop3A_1026 : i32
      %parallel_loop3A_1028 = arith.constant 320 : i32
      %parallel_loop3A_1029 = arith.addi %parallel_loop3A_1027, %parallel_loop3A_1028 : i32
      %parallel_loop3A_1030 = arith.index_cast %parallel_loop3A_1029 : i32 to index
      %parallel_loop3A_1031 = tpu.vector_load %arg7[%parallel_loop3A_1030] {strides = array<i32>} : memref<51200xf32, #tpu.memory_space<vmem>>, vector<16xf32>,
      tpu.vector_store %arg7[%parallel_loop3A_1030], %parallel_loop3A_1025 {strides = array<i32>} : memref<51200xf32, #tpu.memory_space<vmem>>, vector<16xf32>,
      %parallel_loop3A_1032 = vector.broadcast %parallel_loop3A_842 : i32 to vector<16xi32>
      %parallel_loop3A_1033 = arith.addi %get3A_43, %parallel_loop3A_1032 : vector<16xi32>
      %parallel_loop3A_1034 = tpu.vector_load_idx %arg6[%parallel_loop3A_1033] : memref<10000xf32, #tpu.memory_space<vmem>>[vector<16xi32>], vector<16xf32>,
      %parallel_loop3A_1035 = arith.constant 512 : i32
      %parallel_loop3A_1036 = arith.muli %parallel_loop3A_840, %parallel_loop3A_1035 : i32
      %parallel_loop3A_1037 = arith.constant 336 : i32
      %parallel_loop3A_1038 = arith.addi %parallel_loop3A_1036, %parallel_loop3A_1037 : i32
      %parallel_loop3A_1039 = arith.index_cast %parallel_loop3A_1038 : i32 to index
      %parallel_loop3A_1040 = tpu.vector_load %arg7[%parallel_loop3A_1039] {strides = array<i32>} : memref<51200xf32, #tpu.memory_space<vmem>>, vector<16xf32>,
      tpu.vector_store %arg7[%parallel_loop3A_1039], %parallel_loop3A_1034 {strides = array<i32>} : memref<51200xf32, #tpu.memory_space<vmem>>, vector<16xf32>,
      %parallel_loop3A_1041 = vector.broadcast %parallel_loop3A_842 : i32 to vector<16xi32>
      %parallel_loop3A_1042 = arith.addi %get3A_45, %parallel_loop3A_1041 : vector<16xi32>
      %parallel_loop3A_1043 = tpu.vector_load_idx %arg6[%parallel_loop3A_1042] : memref<10000xf32, #tpu.memory_space<vmem>>[vector<16xi32>], vector<16xf32>,
      %parallel_loop3A_1044 = arith.constant 512 : i32
      %parallel_loop3A_1045 = arith.muli %parallel_loop3A_840, %parallel_loop3A_1044 : i32
      %parallel_loop3A_1046 = arith.constant 352 : i32
      %parallel_loop3A_1047 = arith.addi %parallel_loop3A_1045, %parallel_loop3A_1046 : i32
      %parallel_loop3A_1048 = arith.index_cast %parallel_loop3A_1047 : i32 to index
      %parallel_loop3A_1049 = tpu.vector_load %arg7[%parallel_loop3A_1048] {strides = array<i32>} : memref<51200xf32, #tpu.memory_space<vmem>>, vector<16xf32>,
      tpu.vector_store %arg7[%parallel_loop3A_1048], %parallel_loop3A_1043 {strides = array<i32>} : memref<51200xf32, #tpu.memory_space<vmem>>, vector<16xf32>,
      %parallel_loop3A_1050 = vector.broadcast %parallel_loop3A_842 : i32 to vector<16xi32>
      %parallel_loop3A_1051 = arith.addi %get3A_47, %parallel_loop3A_1050 : vector<16xi32>
      %parallel_loop3A_1052 = tpu.vector_load_idx %arg6[%parallel_loop3A_1051] : memref<10000xf32, #tpu.memory_space<vmem>>[vector<16xi32>], vector<16xf32>,
      %parallel_loop3A_1053 = arith.constant 512 : i32
      %parallel_loop3A_1054 = arith.muli %parallel_loop3A_840, %parallel_loop3A_1053 : i32
      %parallel_loop3A_1055 = arith.constant 368 : i32
      %parallel_loop3A_1056 = arith.addi %parallel_loop3A_1054, %parallel_loop3A_1055 : i32
      %parallel_loop3A_1057 = arith.index_cast %parallel_loop3A_1056 : i32 to index
      %parallel_loop3A_1058 = tpu.vector_load %arg7[%parallel_loop3A_1057] {strides = array<i32>} : memref<51200xf32, #tpu.memory_space<vmem>>, vector<16xf32>,
      tpu.vector_store %arg7[%parallel_loop3A_1057], %parallel_loop3A_1052 {strides = array<i32>} : memref<51200xf32, #tpu.memory_space<vmem>>, vector<16xf32>,
      %parallel_loop3A_1059 = vector.broadcast %parallel_loop3A_842 : i32 to vector<16xi32>
      %parallel_loop3A_1060 = arith.addi %get3A_49, %parallel_loop3A_1059 : vector<16xi32>
      %parallel_loop3A_1061 = tpu.vector_load_idx %arg6[%parallel_loop3A_1060] : memref<10000xf32, #tpu.memory_space<vmem>>[vector<16xi32>], vector<16xf32>,
      %parallel_loop3A_1062 = arith.constant 512 : i32
      %parallel_loop3A_1063 = arith.muli %parallel_loop3A_840, %parallel_loop3A_1062 : i32
      %parallel_loop3A_1064 = arith.constant 384 : i32
      %parallel_loop3A_1065 = arith.addi %parallel_loop3A_1063, %parallel_loop3A_1064 : i32
      %parallel_loop3A_1066 = arith.index_cast %parallel_loop3A_1065 : i32 to index
      %parallel_loop3A_1067 = tpu.vector_load %arg7[%parallel_loop3A_1066] {strides = array<i32>} : memref<51200xf32, #tpu.memory_space<vmem>>, vector<16xf32>,
      tpu.vector_store %arg7[%parallel_loop3A_1066], %parallel_loop3A_1061 {strides = array<i32>} : memref<51200xf32, #tpu.memory_space<vmem>>, vector<16xf32>,
      %parallel_loop3A_1068 = vector.broadcast %parallel_loop3A_842 : i32 to vector<16xi32>
      %parallel_loop3A_1069 = arith.addi %get3A_51, %parallel_loop3A_1068 : vector<16xi32>
      %parallel_loop3A_1070 = tpu.vector_load_idx %arg6[%parallel_loop3A_1069] : memref<10000xf32, #tpu.memory_space<vmem>>[vector<16xi32>], vector<16xf32>,
      %parallel_loop3A_1071 = arith.constant 512 : i32
      %parallel_loop3A_1072 = arith.muli %parallel_loop3A_840, %parallel_loop3A_1071 : i32
      %parallel_loop3A_1073 = arith.constant 400 : i32
      %parallel_loop3A_1074 = arith.addi %parallel_loop3A_1072, %parallel_loop3A_1073 : i32
      %parallel_loop3A_1075 = arith.index_cast %parallel_loop3A_1074 : i32 to index
      %parallel_loop3A_1076 = tpu.vector_load %arg7[%parallel_loop3A_1075] {strides = array<i32>} : memref<51200xf32, #tpu.memory_space<vmem>>, vector<16xf32>,
      tpu.vector_store %arg7[%parallel_loop3A_1075], %parallel_loop3A_1070 {strides = array<i32>} : memref<51200xf32, #tpu.memory_space<vmem>>, vector<16xf32>,
      %parallel_loop3A_1077 = vector.broadcast %parallel_loop3A_842 : i32 to vector<16xi32>
      %parallel_loop3A_1078 = arith.addi %get3A_53, %parallel_loop3A_1077 : vector<16xi32>
      %parallel_loop3A_1079 = tpu.vector_load_idx %arg6[%parallel_loop3A_1078] : memref<10000xf32, #tpu.memory_space<vmem>>[vector<16xi32>], vector<16xf32>,
      %parallel_loop3A_1080 = arith.constant 512 : i32
      %parallel_loop3A_1081 = arith.muli %parallel_loop3A_840, %parallel_loop3A_1080 : i32
      %parallel_loop3A_1082 = arith.constant 416 : i32
      %parallel_loop3A_1083 = arith.addi %parallel_loop3A_1081, %parallel_loop3A_1082 : i32
      %parallel_loop3A_1084 = arith.index_cast %parallel_loop3A_1083 : i32 to index
      %parallel_loop3A_1085 = tpu.vector_load %arg7[%parallel_loop3A_1084] {strides = array<i32>} : memref<51200xf32, #tpu.memory_space<vmem>>, vector<16xf32>,
      tpu.vector_store %arg7[%parallel_loop3A_1084], %parallel_loop3A_1079 {strides = array<i32>} : memref<51200xf32, #tpu.memory_space<vmem>>, vector<16xf32>,
      %parallel_loop3A_1086 = vector.broadcast %parallel_loop3A_842 : i32 to vector<16xi32>
      %parallel_loop3A_1087 = arith.addi %get3A_55, %parallel_loop3A_1086 : vector<16xi32>
      %parallel_loop3A_1088 = tpu.vector_load_idx %arg6[%parallel_loop3A_1087] : memref<10000xf32, #tpu.memory_space<vmem>>[vector<16xi32>], vector<16xf32>,
      %parallel_loop3A_1089 = arith.constant 512 : i32
      %parallel_loop3A_1090 = arith.muli %parallel_loop3A_840, %parallel_loop3A_1089 : i32
      %parallel_loop3A_1091 = arith.constant 432 : i32
      %parallel_loop3A_1092 = arith.addi %parallel_loop3A_1090, %parallel_loop3A_1091 : i32
      %parallel_loop3A_1093 = arith.index_cast %parallel_loop3A_1092 : i32 to index
      %parallel_loop3A_1094 = tpu.vector_load %arg7[%parallel_loop3A_1093] {strides = array<i32>} : memref<51200xf32, #tpu.memory_space<vmem>>, vector<16xf32>,
      tpu.vector_store %arg7[%parallel_loop3A_1093], %parallel_loop3A_1088 {strides = array<i32>} : memref<51200xf32, #tpu.memory_space<vmem>>, vector<16xf32>,
      %parallel_loop3A_1095 = vector.broadcast %parallel_loop3A_842 : i32 to vector<16xi32>
      %parallel_loop3A_1096 = arith.addi %get3A_57, %parallel_loop3A_1095 : vector<16xi32>
      %parallel_loop3A_1097 = tpu.vector_load_idx %arg6[%parallel_loop3A_1096] : memref<10000xf32, #tpu.memory_space<vmem>>[vector<16xi32>], vector<16xf32>,
      %parallel_loop3A_1098 = arith.constant 512 : i32
      %parallel_loop3A_1099 = arith.muli %parallel_loop3A_840, %parallel_loop3A_1098 : i32
      %parallel_loop3A_1100 = arith.constant 448 : i32
      %parallel_loop3A_1101 = arith.addi %parallel_loop3A_1099, %parallel_loop3A_1100 : i32
      %parallel_loop3A_1102 = arith.index_cast %parallel_loop3A_1101 : i32 to index
      %parallel_loop3A_1103 = tpu.vector_load %arg7[%parallel_loop3A_1102] {strides = array<i32>} : memref<51200xf32, #tpu.memory_space<vmem>>, vector<16xf32>,
      tpu.vector_store %arg7[%parallel_loop3A_1102], %parallel_loop3A_1097 {strides = array<i32>} : memref<51200xf32, #tpu.memory_space<vmem>>, vector<16xf32>,
      %parallel_loop3A_1104 = vector.broadcast %parallel_loop3A_842 : i32 to vector<16xi32>
      %parallel_loop3A_1105 = arith.addi %get3A_59, %parallel_loop3A_1104 : vector<16xi32>
      %parallel_loop3A_1106 = tpu.vector_load_idx %arg6[%parallel_loop3A_1105] : memref<10000xf32, #tpu.memory_space<vmem>>[vector<16xi32>], vector<16xf32>,
      %parallel_loop3A_1107 = arith.constant 512 : i32
      %parallel_loop3A_1108 = arith.muli %parallel_loop3A_840, %parallel_loop3A_1107 : i32
      %parallel_loop3A_1109 = arith.constant 464 : i32
      %parallel_loop3A_1110 = arith.addi %parallel_loop3A_1108, %parallel_loop3A_1109 : i32
      %parallel_loop3A_1111 = arith.index_cast %parallel_loop3A_1110 : i32 to index
      %parallel_loop3A_1112 = tpu.vector_load %arg7[%parallel_loop3A_1111] {strides = array<i32>} : memref<51200xf32, #tpu.memory_space<vmem>>, vector<16xf32>,
      tpu.vector_store %arg7[%parallel_loop3A_1111], %parallel_loop3A_1106 {strides = array<i32>} : memref<51200xf32, #tpu.memory_space<vmem>>, vector<16xf32>,
      %parallel_loop3A_1113 = vector.broadcast %parallel_loop3A_842 : i32 to vector<16xi32>
      %parallel_loop3A_1114 = arith.addi %get3A_61, %parallel_loop3A_1113 : vector<16xi32>
      %parallel_loop3A_1115 = tpu.vector_load_idx %arg6[%parallel_loop3A_1114] : memref<10000xf32, #tpu.memory_space<vmem>>[vector<16xi32>], vector<16xf32>,
      %parallel_loop3A_1116 = arith.constant 512 : i32
      %parallel_loop3A_1117 = arith.muli %parallel_loop3A_840, %parallel_loop3A_1116 : i32
      %parallel_loop3A_1118 = arith.constant 480 : i32
      %parallel_loop3A_1119 = arith.addi %parallel_loop3A_1117, %parallel_loop3A_1118 : i32
      %parallel_loop3A_1120 = arith.index_cast %parallel_loop3A_1119 : i32 to index
      %parallel_loop3A_1121 = tpu.vector_load %arg7[%parallel_loop3A_1120] {strides = array<i32>} : memref<51200xf32, #tpu.memory_space<vmem>>, vector<16xf32>,
      tpu.vector_store %arg7[%parallel_loop3A_1120], %parallel_loop3A_1115 {strides = array<i32>} : memref<51200xf32, #tpu.memory_space<vmem>>, vector<16xf32>,
      %parallel_loop3A_1122 = vector.broadcast %parallel_loop3A_842 : i32 to vector<16xi32>
      %parallel_loop3A_1123 = arith.addi %get3A_63, %parallel_loop3A_1122 : vector<16xi32>
      %parallel_loop3A_1124 = tpu.vector_load_idx %arg6[%parallel_loop3A_1123] : memref<10000xf32, #tpu.memory_space<vmem>>[vector<16xi32>], vector<16xf32>,
      %parallel_loop3A_1125 = arith.constant 512 : i32
      %parallel_loop3A_1126 = arith.muli %parallel_loop3A_840, %parallel_loop3A_1125 : i32
      %parallel_loop3A_1127 = arith.constant 496 : i32
      %parallel_loop3A_1128 = arith.addi %parallel_loop3A_1126, %parallel_loop3A_1127 : i32
      %parallel_loop3A_1129 = arith.index_cast %parallel_loop3A_1128 : i32 to index
      %parallel_loop3A_1130 = tpu.vector_load %arg7[%parallel_loop3A_1129] {strides = array<i32>} : memref<51200xf32, #tpu.memory_space<vmem>>, vector<16xf32>,
      tpu.vector_store %arg7[%parallel_loop3A_1129], %parallel_loop3A_1124 {strides = array<i32>} : memref<51200xf32, #tpu.memory_space<vmem>>, vector<16xf32>,
    } {sc.loop_unroll_factor = 4 : i64, sc.parallel_access}
    %get3A_66 = arith.constant 0 : index
    %get3A_67 = tpu.vector_load %arg5[%get3A_66] {strides = array<i32>} : memref<512xi32, #tpu.memory_space<vmem>>, vector<16xi32>,
    %slice3A = vector.extract_strided_slice %get3A_67 {offsets = [0], sizes = [1], strides = [1]} : vector<16xi32> to vector<1xi32>
    %squeeze3A = vector.extract %slice3A[0] : i32 from vector<1xi32>
    %mul3A_68 = arith.constant 512 : i32
    %mul3A_69 = arith.muli %squeeze3A, %mul3A_68 : i32
    %dma_start3A = arith.constant 0 : i32
    %dma_start3A_70 = tpu.memref_slice %arg7[%mul3A_69] : memref<51200xf32, #tpu.memory_space<vmem>> -> memref<512xf32, #tpu.memory_space<vmem>>
    %dma_start3A_71 = arith.constant 0 : i32
    %dma_start3A_72 = tpu.memref_slice %arg4[%add3A, %dma_start3A, %dma_start3A_71] : memref<32x512x512xf32, #tpu.memory_space<hbm>> -> memref<1x1x512xf32, #tpu.memory_space<hbm>>
    %dma_start3A_73 = tpu.memref_squeeze %dma_start3A_72 : memref<1x1x512xf32, #tpu.memory_space<hbm>> -> memref<512xf32, #tpu.memory_space<hbm>>
    %dma_start3A_74 = arith.constant 0 : i32
    %dma_start3A_75 = tpu.memref_slice %arg4[%add3A, %dma_start3A, %dma_start3A_74] : memref<32x512x512xf32, #tpu.memory_space<hbm>> -> memref<1x1x512xf32, #tpu.memory_space<hbm>>
    %dma_start3A_76 = tpu.memref_squeeze %dma_start3A_75 : memref<1x1x512xf32, #tpu.memory_space<hbm>> -> memref<512xf32, #tpu.memory_space<hbm>>
    %dma_start3A_77 = tpu.memref_slice %arg7[%mul3A_69] : memref<51200xf32, #tpu.memory_space<vmem>> -> memref<512xf32, #tpu.memory_space<vmem>>
    tpu.enqueue_dma source(%dma_start3A_77 : memref<512xf32, #tpu.memory_space<vmem>>) target(%dma_start3A_76 : memref<512xf32, #tpu.memory_space<hbm>>) target_semaphore(%arg8 : memref<!tpu.dma_semaphore, #tpu.memory_space<semaphore_mem>>)
    %slice3A_78 = vector.extract_strided_slice %get3A_67 {offsets = [1], sizes = [1], strides = [1]} : vector<16xi32> to vector<1xi32>
    %squeeze3A_79 = vector.extract %slice3A_78[0] : i32 from vector<1xi32>
    %mul3A_80 = arith.constant 512 : i32
    %mul3A_81 = arith.muli %squeeze3A_79, %mul3A_80 : i32
    %dma_start3A_82 = arith.constant 1 : i32
    %dma_start3A_83 = tpu.memref_slice %arg7[%mul3A_81] : memref<51200xf32, #tpu.memory_space<vmem>> -> memref<512xf32, #tpu.memory_space<vmem>>
    %dma_start3A_84 = arith.constant 0 : i32
    %dma_start3A_85 = tpu.memref_slice %arg4[%add3A, %dma_start3A_82, %dma_start3A_84] : memref<32x512x512xf32, #tpu.memory_space<hbm>> -> memref<1x1x512xf32, #tpu.memory_space<hbm>>
    %dma_start3A_86 = tpu.memref_squeeze %dma_start3A_85 : memref<1x1x512xf32, #tpu.memory_space<hbm>> -> memref<512xf32, #tpu.memory_space<hbm>>
    %dma_start3A_87 = arith.constant 0 : i32
    %dma_start3A_88 = tpu.memref_slice %arg4[%add3A, %dma_start3A_82, %dma_start3A_87] : memref<32x512x512xf32, #tpu.memory_space<hbm>> -> memref<1x1x512xf32, #tpu.memory_space<hbm>>
    %dma_start3A_89 = tpu.memref_squeeze %dma_start3A_88 : memref<1x1x512xf32, #tpu.memory_space<hbm>> -> memref<512xf32, #tpu.memory_space<hbm>>
    %dma_start3A_90 = tpu.memref_slice %arg7[%mul3A_81] : memref<51200xf32, #tpu.memory_space<vmem>> -> memref<512xf32, #tpu.memory_space<vmem>>
    tpu.enqueue_dma source(%dma_start3A_90 : memref<512xf32, #tpu.memory_space<vmem>>) target(%dma_start3A_89 : memref<512xf32, #tpu.memory_space<hbm>>) target_semaphore(%arg8 : memref<!tpu.dma_semaphore, #tpu.memory_space<semaphore_mem>>)
    %slice3A_91 = vector.extract_strided_slice %get3A_67 {offsets = [2], sizes = [1], strides = [1]} : vector<16xi32> to vector<1xi32>
    %squeeze3A_92 = vector.extract %slice3A_91[0] : i32 from vector<1xi32>
    %mul3A_93 = arith.constant 512 : i32
    %mul3A_94 = arith.muli %squeeze3A_92, %mul3A_93 : i32
    %dma_start3A_95 = arith.constant 2 : i32
    %dma_start3A_96 = tpu.memref_slice %arg7[%mul3A_94] : memref<51200xf32, #tpu.memory_space<vmem>> -> memref<512xf32, #tpu.memory_space<vmem>>
    %dma_start3A_97 = arith.constant 0 : i32
    %dma_start3A_98 = tpu.memref_slice %arg4[%add3A, %dma_start3A_95, %dma_start3A_97] : memref<32x512x512xf32, #tpu.memory_space<hbm>> -> memref<1x1x512xf32, #tpu.memory_space<hbm>>
    %dma_start3A_99 = tpu.memref_squeeze %dma_start3A_98 : memref<1x1x512xf32, #tpu.memory_space<hbm>> -> memref<512xf32, #tpu.memory_space<hbm>>
    %dma_start3A_100 = arith.constant 0 : i32
    %dma_start3A_101 = tpu.memref_slice %arg4[%add3A, %dma_start3A_95, %dma_start3A_100] : memref<32x512x512xf32, #tpu.memory_space<hbm>> -> memref<1x1x512xf32, #tpu.memory_space<hbm>>
    %dma_start3A_102 = tpu.memref_squeeze %dma_start3A_101 : memref<1x1x512xf32, #tpu.memory_space<hbm>> -> memref<512xf32, #tpu.memory_space<hbm>>
    %dma_start3A_103 = tpu.memref_slice %arg7[%mul3A_94] : memref<51200xf32, #tpu.memory_space<vmem>> -> memref<512xf32, #tpu.memory_space<vmem>>
    tpu.enqueue_dma source(%dma_start3A_103 : memref<512xf32, #tpu.memory_space<vmem>>) target(%dma_start3A_102 : memref<512xf32, #tpu.memory_space<hbm>>) target_semaphore(%arg8 : memref<!tpu.dma_semaphore, #tpu.memory_space<semaphore_mem>>)
    %slice3A_104 = vector.extract_strided_slice %get3A_67 {offsets = [3], sizes = [1], strides = [1]} : vector<16xi32> to vector<1xi32>
    %squeeze3A_105 = vector.extract %slice3A_104[0] : i32 from vector<1xi32>
    %mul3A_106 = arith.constant 512 : i32
    %mul3A_107 = arith.muli %squeeze3A_105, %mul3A_106 : i32
    %dma_start3A_108 = arith.constant 3 : i32
    %dma_start3A_109 = tpu.memref_slice %arg7[%mul3A_107] : memref<51200xf32, #tpu.memory_space<vmem>> -> memref<512xf32, #tpu.memory_space<vmem>>
    %dma_start3A_110 = arith.constant 0 : i32
    %dma_start3A_111 = tpu.memref_slice %arg4[%add3A, %dma_start3A_108, %dma_start3A_110] : memref<32x512x512xf32, #tpu.memory_space<hbm>> -> memref<1x1x512xf32, #tpu.memory_space<hbm>>
    %dma_start3A_112 = tpu.memref_squeeze %dma_start3A_111 : memref<1x1x512xf32, #tpu.memory_space<hbm>> -> memref<512xf32, #tpu.memory_space<hbm>>
    %dma_start3A_113 = arith.constant 0 : i32
    %dma_start3A_114 = tpu.memref_slice %arg4[%add3A, %dma_start3A_108, %dma_start3A_113] : memref<32x512x512xf32, #tpu.memory_space<hbm>> -> memref<1x1x512xf32, #tpu.memory_space<hbm>>
    %dma_start3A_115 = tpu.memref_squeeze %dma_start3A_114 : memref<1x1x512xf32, #tpu.memory_space<hbm>> -> memref<512xf32, #tpu.memory_space<hbm>>
    %dma_start3A_116 = tpu.memref_slice %arg7[%mul3A_107] : memref<51200xf32, #tpu.memory_space<vmem>> -> memref<512xf32, #tpu.memory_space<vmem>>
    tpu.enqueue_dma source(%dma_start3A_116 : memref<512xf32, #tpu.memory_space<vmem>>) target(%dma_start3A_115 : memref<512xf32, #tpu.memory_space<hbm>>) target_semaphore(%arg8 : memref<!tpu.dma_semaphore, #tpu.memory_space<semaphore_mem>>)
    %slice3A_117 = vector.extract_strided_slice %get3A_67 {offsets = [4], sizes = [1], strides = [1]} : vector<16xi32> to vector<1xi32>
    %squeeze3A_118 = vector.extract %slice3A_117[0] : i32 from vector<1xi32>
    %mul3A_119 = arith.constant 512 : i32
    %mul3A_120 = arith.muli %squeeze3A_118, %mul3A_119 : i32
    %dma_start3A_121 = arith.constant 4 : i32
    %dma_start3A_122 = tpu.memref_slice %arg7[%mul3A_120] : memref<51200xf32, #tpu.memory_space<vmem>> -> memref<512xf32, #tpu.memory_space<vmem>>
    %dma_start3A_123 = arith.constant 0 : i32
    %dma_start3A_124 = tpu.memref_slice %arg4[%add3A, %dma_start3A_121, %dma_start3A_123] : memref<32x512x512xf32, #tpu.memory_space<hbm>> -> memref<1x1x512xf32, #tpu.memory_space<hbm>>
    %dma_start3A_125 = tpu.memref_squeeze %dma_start3A_124 : memref<1x1x512xf32, #tpu.memory_space<hbm>> -> memref<512xf32, #tpu.memory_space<hbm>>
    %dma_start3A_126 = arith.constant 0 : i32
    %dma_start3A_127 = tpu.memref_slice %arg4[%add3A, %dma_start3A_121, %dma_start3A_126] : memref<32x512x512xf32, #tpu.memory_space<hbm>> -> memref<1x1x512xf32, #tpu.memory_space<hbm>>
    %dma_start3A_128 = tpu.memref_squeeze %dma_start3A_127 : memref<1x1x512xf32, #tpu.memory_space<hbm>> -> memref<512xf32, #tpu.memory_space<hbm>>
    %dma_start3A_129 = tpu.memref_slice %arg7[%mul3A_120] : memref<51200xf32, #tpu.memory_space<vmem>> -> memref<512xf32, #tpu.memory_space<vmem>>
    tpu.enqueue_dma source(%dma_start3A_129 : memref<512xf32, #tpu.memory_space<vmem>>) target(%dma_start3A_128 : memref<512xf32, #tpu.memory_space<hbm>>) target_semaphore(%arg8 : memref<!tpu.dma_semaphore, #tpu.memory_space<semaphore_mem>>)
    %slice3A_130 = vector.extract_strided_slice %get3A_67 {offsets = [5], sizes = [1], strides = [1]} : vector<16xi32> to vector<1xi32>
    %squeeze3A_131 = vector.extract %slice3A_130[0] : i32 from vector<1xi32>
    %mul3A_132 = arith.constant 512 : i32
    %mul3A_133 = arith.muli %squeeze3A_131, %mul3A_132 : i32
    %dma_start3A_134 = arith.constant 5 : i32
    %dma_start3A_135 = tpu.memref_slice %arg7[%mul3A_133] : memref<51200xf32, #tpu.memory_space<vmem>> -> memref<512xf32, #tpu.memory_space<vmem>>
    %dma_start3A_136 = arith.constant 0 : i32
    %dma_start3A_137 = tpu.memref_slice %arg4[%add3A, %dma_start3A_134, %dma_start3A_136] : memref<32x512x512xf32, #tpu.memory_space<hbm>> -> memref<1x1x512xf32, #tpu.memory_space<hbm>>
    %dma_start3A_138 = tpu.memref_squeeze %dma_start3A_137 : memref<1x1x512xf32, #tpu.memory_space<hbm>> -> memref<512xf32, #tpu.memory_space<hbm>>
    %dma_start3A_139 = arith.constant 0 : i32
    %dma_start3A_140 = tpu.memref_slice %arg4[%add3A, %dma_start3A_134, %dma_start3A_139] : memref<32x512x512xf32, #tpu.memory_space<hbm>> -> memref<1x1x512xf32, #tpu.memory_space<hbm>>
    %dma_start3A_141 = tpu.memref_squeeze %dma_start3A_140 : memref<1x1x512xf32, #tpu.memory_space<hbm>> -> memref<512xf32, #tpu.memory_space<hbm>>
    %dma_start3A_142 = tpu.memref_slice %arg7[%mul3A_133] : memref<51200xf32, #tpu.memory_space<vmem>> -> memref<512xf32, #tpu.memory_space<vmem>>
    tpu.enqueue_dma source(%dma_start3A_142 : memref<512xf32, #tpu.memory_space<vmem>>) target(%dma_start3A_141 : memref<512xf32, #tpu.memory_space<hbm>>) target_semaphore(%arg8 : memref<!tpu.dma_semaphore, #tpu.memory_space<semaphore_mem>>)
    %slice3A_143 = vector.extract_strided_slice %get3A_67 {offsets = [6], sizes = [1], strides = [1]} : vector<16xi32> to vector<1xi32>
    %squeeze3A_144 = vector.extract %slice3A_143[0] : i32 from vector<1xi32>
    %mul3A_145 = arith.constant 512 : i32
    %mul3A_146 = arith.muli %squeeze3A_144, %mul3A_145 : i32
    %dma_start3A_147 = arith.constant 6 : i32
    %dma_start3A_148 = tpu.memref_slice %arg7[%mul3A_146] : memref<51200xf32, #tpu.memory_space<vmem>> -> memref<512xf32, #tpu.memory_space<vmem>>
    %dma_start3A_149 = arith.constant 0 : i32
    %dma_start3A_150 = tpu.memref_slice %arg4[%add3A, %dma_start3A_147, %dma_start3A_149] : memref<32x512x512xf32, #tpu.memory_space<hbm>> -> memref<1x1x512xf32, #tpu.memory_space<hbm>>
    %dma_start3A_151 = tpu.memref_squeeze %dma_start3A_150 : memref<1x1x512xf32, #tpu.memory_space<hbm>> -> memref<512xf32, #tpu.memory_space<hbm>>
    %dma_start3A_152 = arith.constant 0 : i32
    %dma_start3A_153 = tpu.memref_slice %arg4[%add3A, %dma_start3A_147, %dma_start3A_152] : memref<32x512x512xf32, #tpu.memory_space<hbm>> -> memref<1x1x512xf32, #tpu.memory_space<hbm>>
    %dma_start3A_154 = tpu.memref_squeeze %dma_start3A_153 : memref<1x1x512xf32, #tpu.memory_space<hbm>> -> memref<512xf32, #tpu.memory_space<hbm>>
    %dma_start3A_155 = tpu.memref_slice %arg7[%mul3A_146] : memref<51200xf32, #tpu.memory_space<vmem>> -> memref<512xf32, #tpu.memory_space<vmem>>
    tpu.enqueue_dma source(%dma_start3A_155 : memref<512xf32, #tpu.memory_space<vmem>>) target(%dma_start3A_154 : memref<512xf32, #tpu.memory_space<hbm>>) target_semaphore(%arg8 : memref<!tpu.dma_semaphore, #tpu.memory_space<semaphore_mem>>)
    %slice3A_156 = vector.extract_strided_slice %get3A_67 {offsets = [7], sizes = [1], strides = [1]} : vector<16xi32> to vector<1xi32>
    %squeeze3A_157 = vector.extract %slice3A_156[0] : i32 from vector<1xi32>
    %mul3A_158 = arith.constant 512 : i32
    %mul3A_159 = arith.muli %squeeze3A_157, %mul3A_158 : i32
    %dma_start3A_160 = arith.constant 7 : i32
    %dma_start3A_161 = tpu.memref_slice %arg7[%mul3A_159] : memref<51200xf32, #tpu.memory_space<vmem>> -> memref<512xf32, #tpu.memory_space<vmem>>
    %dma_start3A_162 = arith.constant 0 : i32
    %dma_start3A_163 = tpu.memref_slice %arg4[%add3A, %dma_start3A_160, %dma_start3A_162] : memref<32x512x512xf32, #tpu.memory_space<hbm>> -> memref<1x1x512xf32, #tpu.memory_space<hbm>>
    %dma_start3A_164 = tpu.memref_squeeze %dma_start3A_163 : memref<1x1x512xf32, #tpu.memory_space<hbm>> -> memref<512xf32, #tpu.memory_space<hbm>>
    %dma_start3A_165 = arith.constant 0 : i32
    %dma_start3A_166 = tpu.memref_slice %arg4[%add3A, %dma_start3A_160, %dma_start3A_165] : memref<32x512x512xf32, #tpu.memory_space<hbm>> -> memref<1x1x512xf32, #tpu.memory_space<hbm>>
    %dma_start3A_167 = tpu.memref_squeeze %dma_start3A_166 : memref<1x1x512xf32, #tpu.memory_space<hbm>> -> memref<512xf32, #tpu.memory_space<hbm>>
    %dma_start3A_168 = tpu.memref_slice %arg7[%mul3A_159] : memref<51200xf32, #tpu.memory_space<vmem>> -> memref<512xf32, #tpu.memory_space<vmem>>
    tpu.enqueue_dma source(%dma_start3A_168 : memref<512xf32, #tpu.memory_space<vmem>>) target(%dma_start3A_167 : memref<512xf32, #tpu.memory_space<hbm>>) target_semaphore(%arg8 : memref<!tpu.dma_semaphore, #tpu.memory_space<semaphore_mem>>)
    %slice3A_169 = vector.extract_strided_slice %get3A_67 {offsets = [8], sizes = [1], strides = [1]} : vector<16xi32> to vector<1xi32>
    %squeeze3A_170 = vector.extract %slice3A_169[0] : i32 from vector<1xi32>
    %mul3A_171 = arith.constant 512 : i32
    %mul3A_172 = arith.muli %squeeze3A_170, %mul3A_171 : i32
    %dma_start3A_173 = arith.constant 8 : i32
    %dma_start3A_174 = tpu.memref_slice %arg7[%mul3A_172] : memref<51200xf32, #tpu.memory_space<vmem>> -> memref<512xf32, #tpu.memory_space<vmem>>
    %dma_start3A_175 = arith.constant 0 : i32
    %dma_start3A_176 = tpu.memref_slice %arg4[%add3A, %dma_start3A_173, %dma_start3A_175] : memref<32x512x512xf32, #tpu.memory_space<hbm>> -> memref<1x1x512xf32, #tpu.memory_space<hbm>>
    %dma_start3A_177 = tpu.memref_squeeze %dma_start3A_176 : memref<1x1x512xf32, #tpu.memory_space<hbm>> -> memref<512xf32, #tpu.memory_space<hbm>>
    %dma_start3A_178 = arith.constant 0 : i32
    %dma_start3A_179 = tpu.memref_slice %arg4[%add3A, %dma_start3A_173, %dma_start3A_178] : memref<32x512x512xf32, #tpu.memory_space<hbm>> -> memref<1x1x512xf32, #tpu.memory_space<hbm>>
    %dma_start3A_180 = tpu.memref_squeeze %dma_start3A_179 : memref<1x1x512xf32, #tpu.memory_space<hbm>> -> memref<512xf32, #tpu.memory_space<hbm>>
    %dma_start3A_181 = tpu.memref_slice %arg7[%mul3A_172] : memref<51200xf32, #tpu.memory_space<vmem>> -> memref<512xf32, #tpu.memory_space<vmem>>
    tpu.enqueue_dma source(%dma_start3A_181 : memref<512xf32, #tpu.memory_space<vmem>>) target(%dma_start3A_180 : memref<512xf32, #tpu.memory_space<hbm>>) target_semaphore(%arg8 : memref<!tpu.dma_semaphore, #tpu.memory_space<semaphore_mem>>)
    %slice3A_182 = vector.extract_strided_slice %get3A_67 {offsets = [9], sizes = [1], strides = [1]} : vector<16xi32> to vector<1xi32>
    %squeeze3A_183 = vector.extract %slice3A_182[0] : i32 from vector<1xi32>
    %mul3A_184 = arith.constant 512 : i32
    %mul3A_185 = arith.muli %squeeze3A_183, %mul3A_184 : i32
    %dma_start3A_186 = arith.constant 9 : i32
    %dma_start3A_187 = tpu.memref_slice %arg7[%mul3A_185] : memref<51200xf32, #tpu.memory_space<vmem>> -> memref<512xf32, #tpu.memory_space<vmem>>
    %dma_start3A_188 = arith.constant 0 : i32
    %dma_start3A_189 = tpu.memref_slice %arg4[%add3A, %dma_start3A_186, %dma_start3A_188] : memref<32x512x512xf32, #tpu.memory_space<hbm>> -> memref<1x1x512xf32, #tpu.memory_space<hbm>>
    %dma_start3A_190 = tpu.memref_squeeze %dma_start3A_189 : memref<1x1x512xf32, #tpu.memory_space<hbm>> -> memref<512xf32, #tpu.memory_space<hbm>>
    %dma_start3A_191 = arith.constant 0 : i32
    %dma_start3A_192 = tpu.memref_slice %arg4[%add3A, %dma_start3A_186, %dma_start3A_191] : memref<32x512x512xf32, #tpu.memory_space<hbm>> -> memref<1x1x512xf32, #tpu.memory_space<hbm>>
    %dma_start3A_193 = tpu.memref_squeeze %dma_start3A_192 : memref<1x1x512xf32, #tpu.memory_space<hbm>> -> memref<512xf32, #tpu.memory_space<hbm>>
    %dma_start3A_194 = tpu.memref_slice %arg7[%mul3A_185] : memref<51200xf32, #tpu.memory_space<vmem>> -> memref<512xf32, #tpu.memory_space<vmem>>
    tpu.enqueue_dma source(%dma_start3A_194 : memref<512xf32, #tpu.memory_space<vmem>>) target(%dma_start3A_193 : memref<512xf32, #tpu.memory_space<hbm>>) target_semaphore(%arg8 : memref<!tpu.dma_semaphore, #tpu.memory_space<semaphore_mem>>)
    %slice3A_195 = vector.extract_strided_slice %get3A_67 {offsets = [10], sizes = [1], strides = [1]} : vector<16xi32> to vector<1xi32>
    %squeeze3A_196 = vector.extract %slice3A_195[0] : i32 from vector<1xi32>
    %mul3A_197 = arith.constant 512 : i32
    %mul3A_198 = arith.muli %squeeze3A_196, %mul3A_197 : i32
    %dma_start3A_199 = arith.constant 10 : i32
    %dma_start3A_200 = tpu.memref_slice %arg7[%mul3A_198] : memref<51200xf32, #tpu.memory_space<vmem>> -> memref<512xf32, #tpu.memory_space<vmem>>
    %dma_start3A_201 = arith.constant 0 : i32
    %dma_start3A_202 = tpu.memref_slice %arg4[%add3A, %dma_start3A_199, %dma_start3A_201] : memref<32x512x512xf32, #tpu.memory_space<hbm>> -> memref<1x1x512xf32, #tpu.memory_space<hbm>>
    %dma_start3A_203 = tpu.memref_squeeze %dma_start3A_202 : memref<1x1x512xf32, #tpu.memory_space<hbm>> -> memref<512xf32, #tpu.memory_space<hbm>>
    %dma_start3A_204 = arith.constant 0 : i32
    %dma_start3A_205 = tpu.memref_slice %arg4[%add3A, %dma_start3A_199, %dma_start3A_204] : memref<32x512x512xf32, #tpu.memory_space<hbm>> -> memref<1x1x512xf32, #tpu.memory_space<hbm>>
    %dma_start3A_206 = tpu.memref_squeeze %dma_start3A_205 : memref<1x1x512xf32, #tpu.memory_space<hbm>> -> memref<512xf32, #tpu.memory_space<hbm>>
    %dma_start3A_207 = tpu.memref_slice %arg7[%mul3A_198] : memref<51200xf32, #tpu.memory_space<vmem>> -> memref<512xf32, #tpu.memory_space<vmem>>
    tpu.enqueue_dma source(%dma_start3A_207 : memref<512xf32, #tpu.memory_space<vmem>>) target(%dma_start3A_206 : memref<512xf32, #tpu.memory_space<hbm>>) target_semaphore(%arg8 : memref<!tpu.dma_semaphore, #tpu.memory_space<semaphore_mem>>)
    %slice3A_208 = vector.extract_strided_slice %get3A_67 {offsets = [11], sizes = [1], strides = [1]} : vector<16xi32> to vector<1xi32>
    %squeeze3A_209 = vector.extract %slice3A_208[0] : i32 from vector<1xi32>
    %mul3A_210 = arith.constant 512 : i32
    %mul3A_211 = arith.muli %squeeze3A_209, %mul3A_210 : i32
    %dma_start3A_212 = arith.constant 11 : i32
    %dma_start3A_213 = tpu.memref_slice %arg7[%mul3A_211] : memref<51200xf32, #tpu.memory_space<vmem>> -> memref<512xf32, #tpu.memory_space<vmem>>
    %dma_start3A_214 = arith.constant 0 : i32
    %dma_start3A_215 = tpu.memref_slice %arg4[%add3A, %dma_start3A_212, %dma_start3A_214] : memref<32x512x512xf32, #tpu.memory_space<hbm>> -> memref<1x1x512xf32, #tpu.memory_space<hbm>>
    %dma_start3A_216 = tpu.memref_squeeze %dma_start3A_215 : memref<1x1x512xf32, #tpu.memory_space<hbm>> -> memref<512xf32, #tpu.memory_space<hbm>>
    %dma_start3A_217 = arith.constant 0 : i32
    %dma_start3A_218 = tpu.memref_slice %arg4[%add3A, %dma_start3A_212, %dma_start3A_217] : memref<32x512x512xf32, #tpu.memory_space<hbm>> -> memref<1x1x512xf32, #tpu.memory_space<hbm>>
    %dma_start3A_219 = tpu.memref_squeeze %dma_start3A_218 : memref<1x1x512xf32, #tpu.memory_space<hbm>> -> memref<512xf32, #tpu.memory_space<hbm>>
    %dma_start3A_220 = tpu.memref_slice %arg7[%mul3A_211] : memref<51200xf32, #tpu.memory_space<vmem>> -> memref<512xf32, #tpu.memory_space<vmem>>
    tpu.enqueue_dma source(%dma_start3A_220 : memref<512xf32, #tpu.memory_space<vmem>>) target(%dma_start3A_219 : memref<512xf32, #tpu.memory_space<hbm>>) target_semaphore(%arg8 : memref<!tpu.dma_semaphore, #tpu.memory_space<semaphore_mem>>)
    %slice3A_221 = vector.extract_strided_slice %get3A_67 {offsets = [12], sizes = [1], strides = [1]} : vector<16xi32> to vector<1xi32>
    %squeeze3A_222 = vector.extract %slice3A_221[0] : i32 from vector<1xi32>
    %mul3A_223 = arith.constant 512 : i32
    %mul3A_224 = arith.muli %squeeze3A_222, %mul3A_223 : i32
    %dma_start3A_225 = arith.constant 12 : i32
    %dma_start3A_226 = tpu.memref_slice %arg7[%mul3A_224] : memref<51200xf32, #tpu.memory_space<vmem>> -> memref<512xf32, #tpu.memory_space<vmem>>
    %dma_start3A_227 = arith.constant 0 : i32
    %dma_start3A_228 = tpu.memref_slice %arg4[%add3A, %dma_start3A_225, %dma_start3A_227] : memref<32x512x512xf32, #tpu.memory_space<hbm>> -> memref<1x1x512xf32, #tpu.memory_space<hbm>>
    %dma_start3A_229 = tpu.memref_squeeze %dma_start3A_228 : memref<1x1x512xf32, #tpu.memory_space<hbm>> -> memref<512xf32, #tpu.memory_space<hbm>>
    %dma_start3A_230 = arith.constant 0 : i32
    %dma_start3A_231 = tpu.memref_slice %arg4[%add3A, %dma_start3A_225, %dma_start3A_230] : memref<32x512x512xf32, #tpu.memory_space<hbm>> -> memref<1x1x512xf32, #tpu.memory_space<hbm>>
    %dma_start3A_232 = tpu.memref_squeeze %dma_start3A_231 : memref<1x1x512xf32, #tpu.memory_space<hbm>> -> memref<512xf32, #tpu.memory_space<hbm>>
    %dma_start3A_233 = tpu.memref_slice %arg7[%mul3A_224] : memref<51200xf32, #tpu.memory_space<vmem>> -> memref<512xf32, #tpu.memory_space<vmem>>
    tpu.enqueue_dma source(%dma_start3A_233 : memref<512xf32, #tpu.memory_space<vmem>>) target(%dma_start3A_232 : memref<512xf32, #tpu.memory_space<hbm>>) target_semaphore(%arg8 : memref<!tpu.dma_semaphore, #tpu.memory_space<semaphore_mem>>)
    %slice3A_234 = vector.extract_strided_slice %get3A_67 {offsets = [13], sizes = [1], strides = [1]} : vector<16xi32> to vector<1xi32>
    %squeeze3A_235 = vector.extract %slice3A_234[0] : i32 from vector<1xi32>
    %mul3A_236 = arith.constant 512 : i32
    %mul3A_237 = arith.muli %squeeze3A_235, %mul3A_236 : i32
    %dma_start3A_238 = arith.constant 13 : i32
    %dma_start3A_239 = tpu.memref_slice %arg7[%mul3A_237] : memref<51200xf32, #tpu.memory_space<vmem>> -> memref<512xf32, #tpu.memory_space<vmem>>
    %dma_start3A_240 = arith.constant 0 : i32
    %dma_start3A_241 = tpu.memref_slice %arg4[%add3A, %dma_start3A_238, %dma_start3A_240] : memref<32x512x512xf32, #tpu.memory_space<hbm>> -> memref<1x1x512xf32, #tpu.memory_space<hbm>>
    %dma_start3A_242 = tpu.memref_squeeze %dma_start3A_241 : memref<1x1x512xf32, #tpu.memory_space<hbm>> -> memref<512xf32, #tpu.memory_space<hbm>>
    %dma_start3A_243 = arith.constant 0 : i32
    %dma_start3A_244 = tpu.memref_slice %arg4[%add3A, %dma_start3A_238, %dma_start3A_243] : memref<32x512x512xf32, #tpu.memory_space<hbm>> -> memref<1x1x512xf32, #tpu.memory_space<hbm>>
    %dma_start3A_245 = tpu.memref_squeeze %dma_start3A_244 : memref<1x1x512xf32, #tpu.memory_space<hbm>> -> memref<512xf32, #tpu.memory_space<hbm>>
    %dma_start3A_246 = tpu.memref_slice %arg7[%mul3A_237] : memref<51200xf32, #tpu.memory_space<vmem>> -> memref<512xf32, #tpu.memory_space<vmem>>
    tpu.enqueue_dma source(%dma_start3A_246 : memref<512xf32, #tpu.memory_space<vmem>>) target(%dma_start3A_245 : memref<512xf32, #tpu.memory_space<hbm>>) target_semaphore(%arg8 : memref<!tpu.dma_semaphore, #tpu.memory_space<semaphore_mem>>)
    %slice3A_247 = vector.extract_strided_slice %get3A_67 {offsets = [14], sizes = [1], strides = [1]} : vector<16xi32> to vector<1xi32>
    %squeeze3A_248 = vector.extract %slice3A_247[0] : i32 from vector<1xi32>
    %mul3A_249 = arith.constant 512 : i32
    %mul3A_250 = arith.muli %squeeze3A_248, %mul3A_249 : i32
    %dma_start3A_251 = arith.constant 14 : i32
    %dma_start3A_252 = tpu.memref_slice %arg7[%mul3A_250] : memref<51200xf32, #tpu.memory_space<vmem>> -> memref<512xf32, #tpu.memory_space<vmem>>
    %dma_start3A_253 = arith.constant 0 : i32
    %dma_start3A_254 = tpu.memref_slice %arg4[%add3A, %dma_start3A_251, %dma_start3A_253] : memref<32x512x512xf32, #tpu.memory_space<hbm>> -> memref<1x1x512xf32, #tpu.memory_space<hbm>>
    %dma_start3A_255 = tpu.memref_squeeze %dma_start3A_254 : memref<1x1x512xf32, #tpu.memory_space<hbm>> -> memref<512xf32, #tpu.memory_space<hbm>>
    %dma_start3A_256 = arith.constant 0 : i32
    %dma_start3A_257 = tpu.memref_slice %arg4[%add3A, %dma_start3A_251, %dma_start3A_256] : memref<32x512x512xf32, #tpu.memory_space<hbm>> -> memref<1x1x512xf32, #tpu.memory_space<hbm>>
    %dma_start3A_258 = tpu.memref_squeeze %dma_start3A_257 : memref<1x1x512xf32, #tpu.memory_space<hbm>> -> memref<512xf32, #tpu.memory_space<hbm>>
    %dma_start3A_259 = tpu.memref_slice %arg7[%mul3A_250] : memref<51200xf32, #tpu.memory_space<vmem>> -> memref<512xf32, #tpu.memory_space<vmem>>
    tpu.enqueue_dma source(%dma_start3A_259 : memref<512xf32, #tpu.memory_space<vmem>>) target(%dma_start3A_258 : memref<512xf32, #tpu.memory_space<hbm>>) target_semaphore(%arg8 : memref<!tpu.dma_semaphore, #tpu.memory_space<semaphore_mem>>)
    %slice3A_260 = vector.extract_strided_slice %get3A_67 {offsets = [15], sizes = [1], strides = [1]} : vector<16xi32> to vector<1xi32>
    %squeeze3A_261 = vector.extract %slice3A_260[0] : i32 from vector<1xi32>
    %mul3A_262 = arith.constant 512 : i32
    %mul3A_263 = arith.muli %squeeze3A_261, %mul3A_262 : i32
    %dma_start3A_264 = arith.constant 15 : i32
    %dma_start3A_265 = tpu.memref_slice %arg7[%mul3A_263] : memref<51200xf32, #tpu.memory_space<vmem>> -> memref<512xf32, #tpu.memory_space<vmem>>
    %dma_start3A_266 = arith.constant 0 : i32
    %dma_start3A_267 = tpu.memref_slice %arg4[%add3A, %dma_start3A_264, %dma_start3A_266] : memref<32x512x512xf32, #tpu.memory_space<hbm>> -> memref<1x1x512xf32, #tpu.memory_space<hbm>>
    %dma_start3A_268 = tpu.memref_squeeze %dma_start3A_267 : memref<1x1x512xf32, #tpu.memory_space<hbm>> -> memref<512xf32, #tpu.memory_space<hbm>>
    %dma_start3A_269 = arith.constant 0 : i32
    %dma_start3A_270 = tpu.memref_slice %arg4[%add3A, %dma_start3A_264, %dma_start3A_269] : memref<32x512x512xf32, #tpu.memory_space<hbm>> -> memref<1x1x512xf32, #tpu.memory_space<hbm>>
    %dma_start3A_271 = tpu.memref_squeeze %dma_start3A_270 : memref<1x1x512xf32, #tpu.memory_space<hbm>> -> memref<512xf32, #tpu.memory_space<hbm>>
    %dma_start3A_272 = tpu.memref_slice %arg7[%mul3A_263] : memref<51200xf32, #tpu.memory_space<vmem>> -> memref<512xf32, #tpu.memory_space<vmem>>
    tpu.enqueue_dma source(%dma_start3A_272 : memref<512xf32, #tpu.memory_space<vmem>>) target(%dma_start3A_271 : memref<512xf32, #tpu.memory_space<hbm>>) target_semaphore(%arg8 : memref<!tpu.dma_semaphore, #tpu.memory_space<semaphore_mem>>)
    %get3A_273 = arith.constant 16 : index
    %get3A_274 = tpu.vector_load %arg5[%get3A_273] {strides = array<i32>} : memref<512xi32, #tpu.memory_space<vmem>>, vector<16xi32>,
    %slice3A_275 = vector.extract_strided_slice %get3A_274 {offsets = [0], sizes = [1], strides = [1]} : vector<16xi32> to vector<1xi32>
    %squeeze3A_276 = vector.extract %slice3A_275[0] : i32 from vector<1xi32>
    %mul3A_277 = arith.constant 512 : i32
    %mul3A_278 = arith.muli %squeeze3A_276, %mul3A_277 : i32
    %dma_start3A_279 = arith.constant 16 : i32
    %dma_start3A_280 = tpu.memref_slice %arg7[%mul3A_278] : memref<51200xf32, #tpu.memory_space<vmem>> -> memref<512xf32, #tpu.memory_space<vmem>>
    %dma_start3A_281 = arith.constant 0 : i32
    %dma_start3A_282 = tpu.memref_slice %arg4[%add3A, %dma_start3A_279, %dma_start3A_281] : memref<32x512x512xf32, #tpu.memory_space<hbm>> -> memref<1x1x512xf32, #tpu.memory_space<hbm>>
    %dma_start3A_283 = tpu.memref_squeeze %dma_start3A_282 : memref<1x1x512xf32, #tpu.memory_space<hbm>> -> memref<512xf32, #tpu.memory_space<hbm>>
    %dma_start3A_284 = arith.constant 0 : i32
    %dma_start3A_285 = tpu.memref_slice %arg4[%add3A, %dma_start3A_279, %dma_start3A_284] : memref<32x512x512xf32, #tpu.memory_space<hbm>> -> memref<1x1x512xf32, #tpu.memory_space<hbm>>
    %dma_start3A_286 = tpu.memref_squeeze %dma_start3A_285 : memref<1x1x512xf32, #tpu.memory_space<hbm>> -> memref<512xf32, #tpu.memory_space<hbm>>
    %dma_start3A_287 = tpu.memref_slice %arg7[%mul3A_278] : memref<51200xf32, #tpu.memory_space<vmem>> -> memref<512xf32, #tpu.memory_space<vmem>>
    tpu.enqueue_dma source(%dma_start3A_287 : memref<512xf32, #tpu.memory_space<vmem>>) target(%dma_start3A_286 : memref<512xf32, #tpu.memory_space<hbm>>) target_semaphore(%arg8 : memref<!tpu.dma_semaphore, #tpu.memory_space<semaphore_mem>>)
    %slice3A_288 = vector.extract_strided_slice %get3A_274 {offsets = [1], sizes = [1], strides = [1]} : vector<16xi32> to vector<1xi32>
    %squeeze3A_289 = vector.extract %slice3A_288[0] : i32 from vector<1xi32>
    %mul3A_290 = arith.constant 512 : i32
    %mul3A_291 = arith.muli %squeeze3A_289, %mul3A_290 : i32
    %dma_start3A_292 = arith.constant 17 : i32
    %dma_start3A_293 = tpu.memref_slice %arg7[%mul3A_291] : memref<51200xf32, #tpu.memory_space<vmem>> -> memref<512xf32, #tpu.memory_space<vmem>>
    %dma_start3A_294 = arith.constant 0 : i32
    %dma_start3A_295 = tpu.memref_slice %arg4[%add3A, %dma_start3A_292, %dma_start3A_294] : memref<32x512x512xf32, #tpu.memory_space<hbm>> -> memref<1x1x512xf32, #tpu.memory_space<hbm>>
    %dma_start3A_296 = tpu.memref_squeeze %dma_start3A_295 : memref<1x1x512xf32, #tpu.memory_space<hbm>> -> memref<512xf32, #tpu.memory_space<hbm>>
    %dma_start3A_297 = arith.constant 0 : i32
    %dma_start3A_298 = tpu.memref_slice %arg4[%add3A, %dma_start3A_292, %dma_start3A_297] : memref<32x512x512xf32, #tpu.memory_space<hbm>> -> memref<1x1x512xf32, #tpu.memory_space<hbm>>
    %dma_start3A_299 = tpu.memref_squeeze %dma_start3A_298 : memref<1x1x512xf32, #tpu.memory_space<hbm>> -> memref<512xf32, #tpu.memory_space<hbm>>
    %dma_start3A_300 = tpu.memref_slice %arg7[%mul3A_291] : memref<51200xf32, #tpu.memory_space<vmem>> -> memref<512xf32, #tpu.memory_space<vmem>>
    tpu.enqueue_dma source(%dma_start3A_300 : memref<512xf32, #tpu.memory_space<vmem>>) target(%dma_start3A_299 : memref<512xf32, #tpu.memory_space<hbm>>) target_semaphore(%arg8 : memref<!tpu.dma_semaphore, #tpu.memory_space<semaphore_mem>>)
    %slice3A_301 = vector.extract_strided_slice %get3A_274 {offsets = [2], sizes = [1], strides = [1]} : vector<16xi32> to vector<1xi32>
    %squeeze3A_302 = vector.extract %slice3A_301[0] : i32 from vector<1xi32>
    %mul3A_303 = arith.constant 512 : i32
    %mul3A_304 = arith.muli %squeeze3A_302, %mul3A_303 : i32
    %dma_start3A_305 = arith.constant 18 : i32
    %dma_start3A_306 = tpu.memref_slice %arg7[%mul3A_304] : memref<51200xf32, #tpu.memory_space<vmem>> -> memref<512xf32, #tpu.memory_space<vmem>>
    %dma_start3A_307 = arith.constant 0 : i32
    %dma_start3A_308 = tpu.memref_slice %arg4[%add3A, %dma_start3A_305, %dma_start3A_307] : memref<32x512x512xf32, #tpu.memory_space<hbm>> -> memref<1x1x512xf32, #tpu.memory_space<hbm>>
    %dma_start3A_309 = tpu.memref_squeeze %dma_start3A_308 : memref<1x1x512xf32, #tpu.memory_space<hbm>> -> memref<512xf32, #tpu.memory_space<hbm>>
    %dma_start3A_310 = arith.constant 0 : i32
    %dma_start3A_311 = tpu.memref_slice %arg4[%add3A, %dma_start3A_305, %dma_start3A_310] : memref<32x512x512xf32, #tpu.memory_space<hbm>> -> memref<1x1x512xf32, #tpu.memory_space<hbm>>
    %dma_start3A_312 = tpu.memref_squeeze %dma_start3A_311 : memref<1x1x512xf32, #tpu.memory_space<hbm>> -> memref<512xf32, #tpu.memory_space<hbm>>
    %dma_start3A_313 = tpu.memref_slice %arg7[%mul3A_304] : memref<51200xf32, #tpu.memory_space<vmem>> -> memref<512xf32, #tpu.memory_space<vmem>>
    tpu.enqueue_dma source(%dma_start3A_313 : memref<512xf32, #tpu.memory_space<vmem>>) target(%dma_start3A_312 : memref<512xf32, #tpu.memory_space<hbm>>) target_semaphore(%arg8 : memref<!tpu.dma_semaphore, #tpu.memory_space<semaphore_mem>>)
    %slice3A_314 = vector.extract_strided_slice %get3A_274 {offsets = [3], sizes = [1], strides = [1]} : vector<16xi32> to vector<1xi32>
    %squeeze3A_315 = vector.extract %slice3A_314[0] : i32 from vector<1xi32>
    %mul3A_316 = arith.constant 512 : i32
    %mul3A_317 = arith.muli %squeeze3A_315, %mul3A_316 : i32
    %dma_start3A_318 = arith.constant 19 : i32
    %dma_start3A_319 = tpu.memref_slice %arg7[%mul3A_317] : memref<51200xf32, #tpu.memory_space<vmem>> -> memref<512xf32, #tpu.memory_space<vmem>>
    %dma_start3A_320 = arith.constant 0 : i32
    %dma_start3A_321 = tpu.memref_slice %arg4[%add3A, %dma_start3A_318, %dma_start3A_320] : memref<32x512x512xf32, #tpu.memory_space<hbm>> -> memref<1x1x512xf32, #tpu.memory_space<hbm>>
    %dma_start3A_322 = tpu.memref_squeeze %dma_start3A_321 : memref<1x1x512xf32, #tpu.memory_space<hbm>> -> memref<512xf32, #tpu.memory_space<hbm>>
    %dma_start3A_323 = arith.constant 0 : i32
    %dma_start3A_324 = tpu.memref_slice %arg4[%add3A, %dma_start3A_318, %dma_start3A_323] : memref<32x512x512xf32, #tpu.memory_space<hbm>> -> memref<1x1x512xf32, #tpu.memory_space<hbm>>
    %dma_start3A_325 = tpu.memref_squeeze %dma_start3A_324 : memref<1x1x512xf32, #tpu.memory_space<hbm>> -> memref<512xf32, #tpu.memory_space<hbm>>
    %dma_start3A_326 = tpu.memref_slice %arg7[%mul3A_317] : memref<51200xf32, #tpu.memory_space<vmem>> -> memref<512xf32, #tpu.memory_space<vmem>>
    tpu.enqueue_dma source(%dma_start3A_326 : memref<512xf32, #tpu.memory_space<vmem>>) target(%dma_start3A_325 : memref<512xf32, #tpu.memory_space<hbm>>) target_semaphore(%arg8 : memref<!tpu.dma_semaphore, #tpu.memory_space<semaphore_mem>>)
    %slice3A_327 = vector.extract_strided_slice %get3A_274 {offsets = [4], sizes = [1], strides = [1]} : vector<16xi32> to vector<1xi32>
    %squeeze3A_328 = vector.extract %slice3A_327[0] : i32 from vector<1xi32>
    %mul3A_329 = arith.constant 512 : i32
    %mul3A_330 = arith.muli %squeeze3A_328, %mul3A_329 : i32
    %dma_start3A_331 = arith.constant 20 : i32
    %dma_start3A_332 = tpu.memref_slice %arg7[%mul3A_330] : memref<51200xf32, #tpu.memory_space<vmem>> -> memref<512xf32, #tpu.memory_space<vmem>>
    %dma_start3A_333 = arith.constant 0 : i32
    %dma_start3A_334 = tpu.memref_slice %arg4[%add3A, %dma_start3A_331, %dma_start3A_333] : memref<32x512x512xf32, #tpu.memory_space<hbm>> -> memref<1x1x512xf32, #tpu.memory_space<hbm>>
    %dma_start3A_335 = tpu.memref_squeeze %dma_start3A_334 : memref<1x1x512xf32, #tpu.memory_space<hbm>> -> memref<512xf32, #tpu.memory_space<hbm>>
    %dma_start3A_336 = arith.constant 0 : i32
    %dma_start3A_337 = tpu.memref_slice %arg4[%add3A, %dma_start3A_331, %dma_start3A_336] : memref<32x512x512xf32, #tpu.memory_space<hbm>> -> memref<1x1x512xf32, #tpu.memory_space<hbm>>
    %dma_start3A_338 = tpu.memref_squeeze %dma_start3A_337 : memref<1x1x512xf32, #tpu.memory_space<hbm>> -> memref<512xf32, #tpu.memory_space<hbm>>
    %dma_start3A_339 = tpu.memref_slice %arg7[%mul3A_330] : memref<51200xf32, #tpu.memory_space<vmem>> -> memref<512xf32, #tpu.memory_space<vmem>>
    tpu.enqueue_dma source(%dma_start3A_339 : memref<512xf32, #tpu.memory_space<vmem>>) target(%dma_start3A_338 : memref<512xf32, #tpu.memory_space<hbm>>) target_semaphore(%arg8 : memref<!tpu.dma_semaphore, #tpu.memory_space<semaphore_mem>>)
    %slice3A_340 = vector.extract_strided_slice %get3A_274 {offsets = [5], sizes = [1], strides = [1]} : vector<16xi32> to vector<1xi32>
    %squeeze3A_341 = vector.extract %slice3A_340[0] : i32 from vector<1xi32>
    %mul3A_342 = arith.constant 512 : i32
    %mul3A_343 = arith.muli %squeeze3A_341, %mul3A_342 : i32
    %dma_start3A_344 = arith.constant 21 : i32
    %dma_start3A_345 = tpu.memref_slice %arg7[%mul3A_343] : memref<51200xf32, #tpu.memory_space<vmem>> -> memref<512xf32, #tpu.memory_space<vmem>>
    %dma_start3A_346 = arith.constant 0 : i32
    %dma_start3A_347 = tpu.memref_slice %arg4[%add3A, %dma_start3A_344, %dma_start3A_346] : memref<32x512x512xf32, #tpu.memory_space<hbm>> -> memref<1x1x512xf32, #tpu.memory_space<hbm>>
    %dma_start3A_348 = tpu.memref_squeeze %dma_start3A_347 : memref<1x1x512xf32, #tpu.memory_space<hbm>> -> memref<512xf32, #tpu.memory_space<hbm>>
    %dma_start3A_349 = arith.constant 0 : i32
    %dma_start3A_350 = tpu.memref_slice %arg4[%add3A, %dma_start3A_344, %dma_start3A_349] : memref<32x512x512xf32, #tpu.memory_space<hbm>> -> memref<1x1x512xf32, #tpu.memory_space<hbm>>
    %dma_start3A_351 = tpu.memref_squeeze %dma_start3A_350 : memref<1x1x512xf32, #tpu.memory_space<hbm>> -> memref<512xf32, #tpu.memory_space<hbm>>
    %dma_start3A_352 = tpu.memref_slice %arg7[%mul3A_343] : memref<51200xf32, #tpu.memory_space<vmem>> -> memref<512xf32, #tpu.memory_space<vmem>>
    tpu.enqueue_dma source(%dma_start3A_352 : memref<512xf32, #tpu.memory_space<vmem>>) target(%dma_start3A_351 : memref<512xf32, #tpu.memory_space<hbm>>) target_semaphore(%arg8 : memref<!tpu.dma_semaphore, #tpu.memory_space<semaphore_mem>>)
    %slice3A_353 = vector.extract_strided_slice %get3A_274 {offsets = [6], sizes = [1], strides = [1]} : vector<16xi32> to vector<1xi32>
    %squeeze3A_354 = vector.extract %slice3A_353[0] : i32 from vector<1xi32>
    %mul3A_355 = arith.constant 512 : i32
    %mul3A_356 = arith.muli %squeeze3A_354, %mul3A_355 : i32
    %dma_start3A_357 = arith.constant 22 : i32
    %dma_start3A_358 = tpu.memref_slice %arg7[%mul3A_356] : memref<51200xf32, #tpu.memory_space<vmem>> -> memref<512xf32, #tpu.memory_space<vmem>>
    %dma_start3A_359 = arith.constant 0 : i32
    %dma_start3A_360 = tpu.memref_slice %arg4[%add3A, %dma_start3A_357, %dma_start3A_359] : memref<32x512x512xf32, #tpu.memory_space<hbm>> -> memref<1x1x512xf32, #tpu.memory_space<hbm>>
    %dma_start3A_361 = tpu.memref_squeeze %dma_start3A_360 : memref<1x1x512xf32, #tpu.memory_space<hbm>> -> memref<512xf32, #tpu.memory_space<hbm>>
    %dma_start3A_362 = arith.constant 0 : i32
    %dma_start3A_363 = tpu.memref_slice %arg4[%add3A, %dma_start3A_357, %dma_start3A_362] : memref<32x512x512xf32, #tpu.memory_space<hbm>> -> memref<1x1x512xf32, #tpu.memory_space<hbm>>
    %dma_start3A_364 = tpu.memref_squeeze %dma_start3A_363 : memref<1x1x512xf32, #tpu.memory_space<hbm>> -> memref<512xf32, #tpu.memory_space<hbm>>
    %dma_start3A_365 = tpu.memref_slice %arg7[%mul3A_356] : memref<51200xf32, #tpu.memory_space<vmem>> -> memref<512xf32, #tpu.memory_space<vmem>>
    tpu.enqueue_dma source(%dma_start3A_365 : memref<512xf32, #tpu.memory_space<vmem>>) target(%dma_start3A_364 : memref<512xf32, #tpu.memory_space<hbm>>) target_semaphore(%arg8 : memref<!tpu.dma_semaphore, #tpu.memory_space<semaphore_mem>>)
    %slice3A_366 = vector.extract_strided_slice %get3A_274 {offsets = [7], sizes = [1], strides = [1]} : vector<16xi32> to vector<1xi32>
    %squeeze3A_367 = vector.extract %slice3A_366[0] : i32 from vector<1xi32>
    %mul3A_368 = arith.constant 512 : i32
    %mul3A_369 = arith.muli %squeeze3A_367, %mul3A_368 : i32
    %dma_start3A_370 = arith.constant 23 : i32
    %dma_start3A_371 = tpu.memref_slice %arg7[%mul3A_369] : memref<51200xf32, #tpu.memory_space<vmem>> -> memref<512xf32, #tpu.memory_space<vmem>>
    %dma_start3A_372 = arith.constant 0 : i32
    %dma_start3A_373 = tpu.memref_slice %arg4[%add3A, %dma_start3A_370, %dma_start3A_372] : memref<32x512x512xf32, #tpu.memory_space<hbm>> -> memref<1x1x512xf32, #tpu.memory_space<hbm>>
    %dma_start3A_374 = tpu.memref_squeeze %dma_start3A_373 : memref<1x1x512xf32, #tpu.memory_space<hbm>> -> memref<512xf32, #tpu.memory_space<hbm>>
    %dma_start3A_375 = arith.constant 0 : i32
    %dma_start3A_376 = tpu.memref_slice %arg4[%add3A, %dma_start3A_370, %dma_start3A_375] : memref<32x512x512xf32, #tpu.memory_space<hbm>> -> memref<1x1x512xf32, #tpu.memory_space<hbm>>
    %dma_start3A_377 = tpu.memref_squeeze %dma_start3A_376 : memref<1x1x512xf32, #tpu.memory_space<hbm>> -> memref<512xf32, #tpu.memory_space<hbm>>
    %dma_start3A_378 = tpu.memref_slice %arg7[%mul3A_369] : memref<51200xf32, #tpu.memory_space<vmem>> -> memref<512xf32, #tpu.memory_space<vmem>>
    tpu.enqueue_dma source(%dma_start3A_378 : memref<512xf32, #tpu.memory_space<vmem>>) target(%dma_start3A_377 : memref<512xf32, #tpu.memory_space<hbm>>) target_semaphore(%arg8 : memref<!tpu.dma_semaphore, #tpu.memory_space<semaphore_mem>>)
    %slice3A_379 = vector.extract_strided_slice %get3A_274 {offsets = [8], sizes = [1], strides = [1]} : vector<16xi32> to vector<1xi32>
    %squeeze3A_380 = vector.extract %slice3A_379[0] : i32 from vector<1xi32>
    %mul3A_381 = arith.constant 512 : i32
    %mul3A_382 = arith.muli %squeeze3A_380, %mul3A_381 : i32
    %dma_start3A_383 = arith.constant 24 : i32
    %dma_start3A_384 = tpu.memref_slice %arg7[%mul3A_382] : memref<51200xf32, #tpu.memory_space<vmem>> -> memref<512xf32, #tpu.memory_space<vmem>>
    %dma_start3A_385 = arith.constant 0 : i32
    %dma_start3A_386 = tpu.memref_slice %arg4[%add3A, %dma_start3A_383, %dma_start3A_385] : memref<32x512x512xf32, #tpu.memory_space<hbm>> -> memref<1x1x512xf32, #tpu.memory_space<hbm>>
    %dma_start3A_387 = tpu.memref_squeeze %dma_start3A_386 : memref<1x1x512xf32, #tpu.memory_space<hbm>> -> memref<512xf32, #tpu.memory_space<hbm>>
    %dma_start3A_388 = arith.constant 0 : i32
    %dma_start3A_389 = tpu.memref_slice %arg4[%add3A, %dma_start3A_383, %dma_start3A_388] : memref<32x512x512xf32, #tpu.memory_space<hbm>> -> memref<1x1x512xf32, #tpu.memory_space<hbm>>
    %dma_start3A_390 = tpu.memref_squeeze %dma_start3A_389 : memref<1x1x512xf32, #tpu.memory_space<hbm>> -> memref<512xf32, #tpu.memory_space<hbm>>
    %dma_start3A_391 = tpu.memref_slice %arg7[%mul3A_382] : memref<51200xf32, #tpu.memory_space<vmem>> -> memref<512xf32, #tpu.memory_space<vmem>>
    tpu.enqueue_dma source(%dma_start3A_391 : memref<512xf32, #tpu.memory_space<vmem>>) target(%dma_start3A_390 : memref<512xf32, #tpu.memory_space<hbm>>) target_semaphore(%arg8 : memref<!tpu.dma_semaphore, #tpu.memory_space<semaphore_mem>>)
    %slice3A_392 = vector.extract_strided_slice %get3A_274 {offsets = [9], sizes = [1], strides = [1]} : vector<16xi32> to vector<1xi32>
    %squeeze3A_393 = vector.extract %slice3A_392[0] : i32 from vector<1xi32>
    %mul3A_394 = arith.constant 512 : i32
    %mul3A_395 = arith.muli %squeeze3A_393, %mul3A_394 : i32
    %dma_start3A_396 = arith.constant 25 : i32
    %dma_start3A_397 = tpu.memref_slice %arg7[%mul3A_395] : memref<51200xf32, #tpu.memory_space<vmem>> -> memref<512xf32, #tpu.memory_space<vmem>>
    %dma_start3A_398 = arith.constant 0 : i32
    %dma_start3A_399 = tpu.memref_slice %arg4[%add3A, %dma_start3A_396, %dma_start3A_398] : memref<32x512x512xf32, #tpu.memory_space<hbm>> -> memref<1x1x512xf32, #tpu.memory_space<hbm>>
    %dma_start3A_400 = tpu.memref_squeeze %dma_start3A_399 : memref<1x1x512xf32, #tpu.memory_space<hbm>> -> memref<512xf32, #tpu.memory_space<hbm>>
    %dma_start3A_401 = arith.constant 0 : i32
    %dma_start3A_402 = tpu.memref_slice %arg4[%add3A, %dma_start3A_396, %dma_start3A_401] : memref<32x512x512xf32, #tpu.memory_space<hbm>> -> memref<1x1x512xf32, #tpu.memory_space<hbm>>
    %dma_start3A_403 = tpu.memref_squeeze %dma_start3A_402 : memref<1x1x512xf32, #tpu.memory_space<hbm>> -> memref<512xf32, #tpu.memory_space<hbm>>
    %dma_start3A_404 = tpu.memref_slice %arg7[%mul3A_395] : memref<51200xf32, #tpu.memory_space<vmem>> -> memref<512xf32, #tpu.memory_space<vmem>>
    tpu.enqueue_dma source(%dma_start3A_404 : memref<512xf32, #tpu.memory_space<vmem>>) target(%dma_start3A_403 : memref<512xf32, #tpu.memory_space<hbm>>) target_semaphore(%arg8 : memref<!tpu.dma_semaphore, #tpu.memory_space<semaphore_mem>>)
    %slice3A_405 = vector.extract_strided_slice %get3A_274 {offsets = [10], sizes = [1], strides = [1]} : vector<16xi32> to vector<1xi32>
    %squeeze3A_406 = vector.extract %slice3A_405[0] : i32 from vector<1xi32>
    %mul3A_407 = arith.constant 512 : i32
    %mul3A_408 = arith.muli %squeeze3A_406, %mul3A_407 : i32
    %dma_start3A_409 = arith.constant 26 : i32
    %dma_start3A_410 = tpu.memref_slice %arg7[%mul3A_408] : memref<51200xf32, #tpu.memory_space<vmem>> -> memref<512xf32, #tpu.memory_space<vmem>>
    %dma_start3A_411 = arith.constant 0 : i32
    %dma_start3A_412 = tpu.memref_slice %arg4[%add3A, %dma_start3A_409, %dma_start3A_411] : memref<32x512x512xf32, #tpu.memory_space<hbm>> -> memref<1x1x512xf32, #tpu.memory_space<hbm>>
    %dma_start3A_413 = tpu.memref_squeeze %dma_start3A_412 : memref<1x1x512xf32, #tpu.memory_space<hbm>> -> memref<512xf32, #tpu.memory_space<hbm>>
    %dma_start3A_414 = arith.constant 0 : i32
    %dma_start3A_415 = tpu.memref_slice %arg4[%add3A, %dma_start3A_409, %dma_start3A_414] : memref<32x512x512xf32, #tpu.memory_space<hbm>> -> memref<1x1x512xf32, #tpu.memory_space<hbm>>
    %dma_start3A_416 = tpu.memref_squeeze %dma_start3A_415 : memref<1x1x512xf32, #tpu.memory_space<hbm>> -> memref<512xf32, #tpu.memory_space<hbm>>
    %dma_start3A_417 = tpu.memref_slice %arg7[%mul3A_408] : memref<51200xf32, #tpu.memory_space<vmem>> -> memref<512xf32, #tpu.memory_space<vmem>>
    tpu.enqueue_dma source(%dma_start3A_417 : memref<512xf32, #tpu.memory_space<vmem>>) target(%dma_start3A_416 : memref<512xf32, #tpu.memory_space<hbm>>) target_semaphore(%arg8 : memref<!tpu.dma_semaphore, #tpu.memory_space<semaphore_mem>>)
    %slice3A_418 = vector.extract_strided_slice %get3A_274 {offsets = [11], sizes = [1], strides = [1]} : vector<16xi32> to vector<1xi32>
    %squeeze3A_419 = vector.extract %slice3A_418[0] : i32 from vector<1xi32>
    %mul3A_420 = arith.constant 512 : i32
    %mul3A_421 = arith.muli %squeeze3A_419, %mul3A_420 : i32
    %dma_start3A_422 = arith.constant 27 : i32
    %dma_start3A_423 = tpu.memref_slice %arg7[%mul3A_421] : memref<51200xf32, #tpu.memory_space<vmem>> -> memref<512xf32, #tpu.memory_space<vmem>>
    %dma_start3A_424 = arith.constant 0 : i32
    %dma_start3A_425 = tpu.memref_slice %arg4[%add3A, %dma_start3A_422, %dma_start3A_424] : memref<32x512x512xf32, #tpu.memory_space<hbm>> -> memref<1x1x512xf32, #tpu.memory_space<hbm>>
    %dma_start3A_426 = tpu.memref_squeeze %dma_start3A_425 : memref<1x1x512xf32, #tpu.memory_space<hbm>> -> memref<512xf32, #tpu.memory_space<hbm>>
    %dma_start3A_427 = arith.constant 0 : i32
    %dma_start3A_428 = tpu.memref_slice %arg4[%add3A, %dma_start3A_422, %dma_start3A_427] : memref<32x512x512xf32, #tpu.memory_space<hbm>> -> memref<1x1x512xf32, #tpu.memory_space<hbm>>
    %dma_start3A_429 = tpu.memref_squeeze %dma_start3A_428 : memref<1x1x512xf32, #tpu.memory_space<hbm>> -> memref<512xf32, #tpu.memory_space<hbm>>
    %dma_start3A_430 = tpu.memref_slice %arg7[%mul3A_421] : memref<51200xf32, #tpu.memory_space<vmem>> -> memref<512xf32, #tpu.memory_space<vmem>>
    tpu.enqueue_dma source(%dma_start3A_430 : memref<512xf32, #tpu.memory_space<vmem>>) target(%dma_start3A_429 : memref<512xf32, #tpu.memory_space<hbm>>) target_semaphore(%arg8 : memref<!tpu.dma_semaphore, #tpu.memory_space<semaphore_mem>>)
    %slice3A_431 = vector.extract_strided_slice %get3A_274 {offsets = [12], sizes = [1], strides = [1]} : vector<16xi32> to vector<1xi32>
    %squeeze3A_432 = vector.extract %slice3A_431[0] : i32 from vector<1xi32>
    %mul3A_433 = arith.constant 512 : i32
    %mul3A_434 = arith.muli %squeeze3A_432, %mul3A_433 : i32
    %dma_start3A_435 = arith.constant 28 : i32
    %dma_start3A_436 = tpu.memref_slice %arg7[%mul3A_434] : memref<51200xf32, #tpu.memory_space<vmem>> -> memref<512xf32, #tpu.memory_space<vmem>>
    %dma_start3A_437 = arith.constant 0 : i32
    %dma_start3A_438 = tpu.memref_slice %arg4[%add3A, %dma_start3A_435, %dma_start3A_437] : memref<32x512x512xf32, #tpu.memory_space<hbm>> -> memref<1x1x512xf32, #tpu.memory_space<hbm>>
    %dma_start3A_439 = tpu.memref_squeeze %dma_start3A_438 : memref<1x1x512xf32, #tpu.memory_space<hbm>> -> memref<512xf32, #tpu.memory_space<hbm>>
    %dma_start3A_440 = arith.constant 0 : i32
    %dma_start3A_441 = tpu.memref_slice %arg4[%add3A, %dma_start3A_435, %dma_start3A_440] : memref<32x512x512xf32, #tpu.memory_space<hbm>> -> memref<1x1x512xf32, #tpu.memory_space<hbm>>
    %dma_start3A_442 = tpu.memref_squeeze %dma_start3A_441 : memref<1x1x512xf32, #tpu.memory_space<hbm>> -> memref<512xf32, #tpu.memory_space<hbm>>
    %dma_start3A_443 = tpu.memref_slice %arg7[%mul3A_434] : memref<51200xf32, #tpu.memory_space<vmem>> -> memref<512xf32, #tpu.memory_space<vmem>>
    tpu.enqueue_dma source(%dma_start3A_443 : memref<512xf32, #tpu.memory_space<vmem>>) target(%dma_start3A_442 : memref<512xf32, #tpu.memory_space<hbm>>) target_semaphore(%arg8 : memref<!tpu.dma_semaphore, #tpu.memory_space<semaphore_mem>>)
    %slice3A_444 = vector.extract_strided_slice %get3A_274 {offsets = [13], sizes = [1], strides = [1]} : vector<16xi32> to vector<1xi32>
    %squeeze3A_445 = vector.extract %slice3A_444[0] : i32 from vector<1xi32>
    %mul3A_446 = arith.constant 512 : i32
    %mul3A_447 = arith.muli %squeeze3A_445, %mul3A_446 : i32
    %dma_start3A_448 = arith.constant 29 : i32
    %dma_start3A_449 = tpu.memref_slice %arg7[%mul3A_447] : memref<51200xf32, #tpu.memory_space<vmem>> -> memref<512xf32, #tpu.memory_space<vmem>>
    %dma_start3A_450 = arith.constant 0 : i32
    %dma_start3A_451 = tpu.memref_slice %arg4[%add3A, %dma_start3A_448, %dma_start3A_450] : memref<32x512x512xf32, #tpu.memory_space<hbm>> -> memref<1x1x512xf32, #tpu.memory_space<hbm>>
    %dma_start3A_452 = tpu.memref_squeeze %dma_start3A_451 : memref<1x1x512xf32, #tpu.memory_space<hbm>> -> memref<512xf32, #tpu.memory_space<hbm>>
    %dma_start3A_453 = arith.constant 0 : i32
    %dma_start3A_454 = tpu.memref_slice %arg4[%add3A, %dma_start3A_448, %dma_start3A_453] : memref<32x512x512xf32, #tpu.memory_space<hbm>> -> memref<1x1x512xf32, #tpu.memory_space<hbm>>
    %dma_start3A_455 = tpu.memref_squeeze %dma_start3A_454 : memref<1x1x512xf32, #tpu.memory_space<hbm>> -> memref<512xf32, #tpu.memory_space<hbm>>
    %dma_start3A_456 = tpu.memref_slice %arg7[%mul3A_447] : memref<51200xf32, #tpu.memory_space<vmem>> -> memref<512xf32, #tpu.memory_space<vmem>>
    tpu.enqueue_dma source(%dma_start3A_456 : memref<512xf32, #tpu.memory_space<vmem>>) target(%dma_start3A_455 : memref<512xf32, #tpu.memory_space<hbm>>) target_semaphore(%arg8 : memref<!tpu.dma_semaphore, #tpu.memory_space<semaphore_mem>>)
    %slice3A_457 = vector.extract_strided_slice %get3A_274 {offsets = [14], sizes = [1], strides = [1]} : vector<16xi32> to vector<1xi32>
    %squeeze3A_458 = vector.extract %slice3A_457[0] : i32 from vector<1xi32>
    %mul3A_459 = arith.constant 512 : i32
    %mul3A_460 = arith.muli %squeeze3A_458, %mul3A_459 : i32
    %dma_start3A_461 = arith.constant 30 : i32
    %dma_start3A_462 = tpu.memref_slice %arg7[%mul3A_460] : memref<51200xf32, #tpu.memory_space<vmem>> -> memref<512xf32, #tpu.memory_space<vmem>>
    %dma_start3A_463 = arith.constant 0 : i32
    %dma_start3A_464 = tpu.memref_slice %arg4[%add3A, %dma_start3A_461, %dma_start3A_463] : memref<32x512x512xf32, #tpu.memory_space<hbm>> -> memref<1x1x512xf32, #tpu.memory_space<hbm>>
    %dma_start3A_465 = tpu.memref_squeeze %dma_start3A_464 : memref<1x1x512xf32, #tpu.memory_space<hbm>> -> memref<512xf32, #tpu.memory_space<hbm>>
    %dma_start3A_466 = arith.constant 0 : i32
    %dma_start3A_467 = tpu.memref_slice %arg4[%add3A, %dma_start3A_461, %dma_start3A_466] : memref<32x512x512xf32, #tpu.memory_space<hbm>> -> memref<1x1x512xf32, #tpu.memory_space<hbm>>
    %dma_start3A_468 = tpu.memref_squeeze %dma_start3A_467 : memref<1x1x512xf32, #tpu.memory_space<hbm>> -> memref<512xf32, #tpu.memory_space<hbm>>
    %dma_start3A_469 = tpu.memref_slice %arg7[%mul3A_460] : memref<51200xf32, #tpu.memory_space<vmem>> -> memref<512xf32, #tpu.memory_space<vmem>>
    tpu.enqueue_dma source(%dma_start3A_469 : memref<512xf32, #tpu.memory_space<vmem>>) target(%dma_start3A_468 : memref<512xf32, #tpu.memory_space<hbm>>) target_semaphore(%arg8 : memref<!tpu.dma_semaphore, #tpu.memory_space<semaphore_mem>>)
    %slice3A_470 = vector.extract_strided_slice %get3A_274 {offsets = [15], sizes = [1], strides = [1]} : vector<16xi32> to vector<1xi32>
    %squeeze3A_471 = vector.extract %slice3A_470[0] : i32 from vector<1xi32>
    %mul3A_472 = arith.constant 512 : i32
    %mul3A_473 = arith.muli %squeeze3A_471, %mul3A_472 : i32
    %dma_start3A_474 = arith.constant 31 : i32
    %dma_start3A_475 = tpu.memref_slice %arg7[%mul3A_473] : memref<51200xf32, #tpu.memory_space<vmem>> -> memref<512xf32, #tpu.memory_space<vmem>>
    %dma_start3A_476 = arith.constant 0 : i32
    %dma_start3A_477 = tpu.memref_slice %arg4[%add3A, %dma_start3A_474, %dma_start3A_476] : memref<32x512x512xf32, #tpu.memory_space<hbm>> -> memref<1x1x512xf32, #tpu.memory_space<hbm>>
    %dma_start3A_478 = tpu.memref_squeeze %dma_start3A_477 : memref<1x1x512xf32, #tpu.memory_space<hbm>> -> memref<512xf32, #tpu.memory_space<hbm>>
    %dma_start3A_479 = arith.constant 0 : i32
    %dma_start3A_480 = tpu.memref_slice %arg4[%add3A, %dma_start3A_474, %dma_start3A_479] : memref<32x512x512xf32, #tpu.memory_space<hbm>> -> memref<1x1x512xf32, #tpu.memory_space<hbm>>
    %dma_start3A_481 = tpu.memref_squeeze %dma_start3A_480 : memref<1x1x512xf32, #tpu.memory_space<hbm>> -> memref<512xf32, #tpu.memory_space<hbm>>
    %dma_start3A_482 = tpu.memref_slice %arg7[%mul3A_473] : memref<51200xf32, #tpu.memory_space<vmem>> -> memref<512xf32, #tpu.memory_space<vmem>>
    tpu.enqueue_dma source(%dma_start3A_482 : memref<512xf32, #tpu.memory_space<vmem>>) target(%dma_start3A_481 : memref<512xf32, #tpu.memory_space<hbm>>) target_semaphore(%arg8 : memref<!tpu.dma_semaphore, #tpu.memory_space<semaphore_mem>>)
    %scan3A = arith.constant 0 : i32
    %scan3A_483 = arith.constant 2 : i32
    %scan3A_484 = arith.constant 30 : i32
    %scan3A_485 = arith.addi %scan3A_483, %scan3A_484 : i32
    %scan3A_486 = arith.constant 1 : i32
    %scan3A_487 = scf.for %scan3A_840 = %scan3A_483 to %scan3A_485 step %scan3A_486 iter_args(%scan3A_841 = %scan3A) -> (i32)  : i32 {
      %mul3A_842 = arith.constant 16 : i32
      %mul3A_843 = arith.muli %scan3A_840, %mul3A_842 : i32
      %get3A_844 = arith.index_cast %mul3A_843 : i32 to index
      %get3A_845 = tpu.vector_load %arg5[%get3A_844] {strides = array<i32>} : memref<512xi32, #tpu.memory_space<vmem>>, vector<16xi32>,
      %slice3A_846 = vector.extract_strided_slice %get3A_845 {offsets = [0], sizes = [1], strides = [1]} : vector<16xi32> to vector<1xi32>
      %squeeze3A_847 = vector.extract %slice3A_846[0] : i32 from vector<1xi32>
      %mul3A_848 = arith.constant 512 : i32
      %mul3A_849 = arith.muli %squeeze3A_847, %mul3A_848 : i32
      %mul3A_850 = arith.constant 16 : i32
      %mul3A_851 = arith.muli %scan3A_840, %mul3A_850 : i32
      %add3A_852 = arith.constant 0 : i32
      %add3A_853 = arith.addi %mul3A_851, %add3A_852 : i32
      %dma_start3A_854 = tpu.memref_slice %arg7[%mul3A_849] : memref<51200xf32, #tpu.memory_space<vmem>> -> memref<512xf32, #tpu.memory_space<vmem>>
      %dma_start3A_855 = arith.constant 0 : i32
      %dma_start3A_856 = tpu.memref_slice %arg4[%add3A, %add3A_853, %dma_start3A_855] : memref<32x512x512xf32, #tpu.memory_space<hbm>> -> memref<1x1x512xf32, #tpu.memory_space<hbm>>
      %dma_start3A_857 = tpu.memref_squeeze %dma_start3A_856 : memref<1x1x512xf32, #tpu.memory_space<hbm>> -> memref<512xf32, #tpu.memory_space<hbm>>
      %dma_start3A_858 = arith.constant 0 : i32
      %dma_start3A_859 = tpu.memref_slice %arg4[%add3A, %add3A_853, %dma_start3A_858] : memref<32x512x512xf32, #tpu.memory_space<hbm>> -> memref<1x1x512xf32, #tpu.memory_space<hbm>>
      %dma_start3A_860 = tpu.memref_squeeze %dma_start3A_859 : memref<1x1x512xf32, #tpu.memory_space<hbm>> -> memref<512xf32, #tpu.memory_space<hbm>>
      %dma_start3A_861 = tpu.memref_slice %arg7[%mul3A_849] : memref<51200xf32, #tpu.memory_space<vmem>> -> memref<512xf32, #tpu.memory_space<vmem>>
      tpu.enqueue_dma source(%dma_start3A_861 : memref<512xf32, #tpu.memory_space<vmem>>) target(%dma_start3A_860 : memref<512xf32, #tpu.memory_space<hbm>>) target_semaphore(%arg8 : memref<!tpu.dma_semaphore, #tpu.memory_space<semaphore_mem>>)
      %slice3A_862 = vector.extract_strided_slice %get3A_845 {offsets = [1], sizes = [1], strides = [1]} : vector<16xi32> to vector<1xi32>
      %squeeze3A_863 = vector.extract %slice3A_862[0] : i32 from vector<1xi32>
      %mul3A_864 = arith.constant 512 : i32
      %mul3A_865 = arith.muli %squeeze3A_863, %mul3A_864 : i32
      %mul3A_866 = arith.constant 16 : i32
      %mul3A_867 = arith.muli %scan3A_840, %mul3A_866 : i32
      %add3A_868 = arith.constant 1 : i32
      %add3A_869 = arith.addi %mul3A_867, %add3A_868 : i32
      %dma_start3A_870 = tpu.memref_slice %arg7[%mul3A_865] : memref<51200xf32, #tpu.memory_space<vmem>> -> memref<512xf32, #tpu.memory_space<vmem>>
      %dma_start3A_871 = arith.constant 0 : i32
      %dma_start3A_872 = tpu.memref_slice %arg4[%add3A, %add3A_869, %dma_start3A_871] : memref<32x512x512xf32, #tpu.memory_space<hbm>> -> memref<1x1x512xf32, #tpu.memory_space<hbm>>
      %dma_start3A_873 = tpu.memref_squeeze %dma_start3A_872 : memref<1x1x512xf32, #tpu.memory_space<hbm>> -> memref<512xf32, #tpu.memory_space<hbm>>
      %dma_start3A_874 = arith.constant 0 : i32
      %dma_start3A_875 = tpu.memref_slice %arg4[%add3A, %add3A_869, %dma_start3A_874] : memref<32x512x512xf32, #tpu.memory_space<hbm>> -> memref<1x1x512xf32, #tpu.memory_space<hbm>>
      %dma_start3A_876 = tpu.memref_squeeze %dma_start3A_875 : memref<1x1x512xf32, #tpu.memory_space<hbm>> -> memref<512xf32, #tpu.memory_space<hbm>>
      %dma_start3A_877 = tpu.memref_slice %arg7[%mul3A_865] : memref<51200xf32, #tpu.memory_space<vmem>> -> memref<512xf32, #tpu.memory_space<vmem>>
      tpu.enqueue_dma source(%dma_start3A_877 : memref<512xf32, #tpu.memory_space<vmem>>) target(%dma_start3A_876 : memref<512xf32, #tpu.memory_space<hbm>>) target_semaphore(%arg8 : memref<!tpu.dma_semaphore, #tpu.memory_space<semaphore_mem>>)
      %slice3A_878 = vector.extract_strided_slice %get3A_845 {offsets = [2], sizes = [1], strides = [1]} : vector<16xi32> to vector<1xi32>
      %squeeze3A_879 = vector.extract %slice3A_878[0] : i32 from vector<1xi32>
      %mul3A_880 = arith.constant 512 : i32
      %mul3A_881 = arith.muli %squeeze3A_879, %mul3A_880 : i32
      %mul3A_882 = arith.constant 16 : i32
      %mul3A_883 = arith.muli %scan3A_840, %mul3A_882 : i32
      %add3A_884 = arith.constant 2 : i32
      %add3A_885 = arith.addi %mul3A_883, %add3A_884 : i32
      %dma_start3A_886 = tpu.memref_slice %arg7[%mul3A_881] : memref<51200xf32, #tpu.memory_space<vmem>> -> memref<512xf32, #tpu.memory_space<vmem>>
      %dma_start3A_887 = arith.constant 0 : i32
      %dma_start3A_888 = tpu.memref_slice %arg4[%add3A, %add3A_885, %dma_start3A_887] : memref<32x512x512xf32, #tpu.memory_space<hbm>> -> memref<1x1x512xf32, #tpu.memory_space<hbm>>
      %dma_start3A_889 = tpu.memref_squeeze %dma_start3A_888 : memref<1x1x512xf32, #tpu.memory_space<hbm>> -> memref<512xf32, #tpu.memory_space<hbm>>
      %dma_start3A_890 = arith.constant 0 : i32
      %dma_start3A_891 = tpu.memref_slice %arg4[%add3A, %add3A_885, %dma_start3A_890] : memref<32x512x512xf32, #tpu.memory_space<hbm>> -> memref<1x1x512xf32, #tpu.memory_space<hbm>>
      %dma_start3A_892 = tpu.memref_squeeze %dma_start3A_891 : memref<1x1x512xf32, #tpu.memory_space<hbm>> -> memref<512xf32, #tpu.memory_space<hbm>>
      %dma_start3A_893 = tpu.memref_slice %arg7[%mul3A_881] : memref<51200xf32, #tpu.memory_space<vmem>> -> memref<512xf32, #tpu.memory_space<vmem>>
      tpu.enqueue_dma source(%dma_start3A_893 : memref<512xf32, #tpu.memory_space<vmem>>) target(%dma_start3A_892 : memref<512xf32, #tpu.memory_space<hbm>>) target_semaphore(%arg8 : memref<!tpu.dma_semaphore, #tpu.memory_space<semaphore_mem>>)
      %slice3A_894 = vector.extract_strided_slice %get3A_845 {offsets = [3], sizes = [1], strides = [1]} : vector<16xi32> to vector<1xi32>
      %squeeze3A_895 = vector.extract %slice3A_894[0] : i32 from vector<1xi32>
      %mul3A_896 = arith.constant 512 : i32
      %mul3A_897 = arith.muli %squeeze3A_895, %mul3A_896 : i32
      %mul3A_898 = arith.constant 16 : i32
      %mul3A_899 = arith.muli %scan3A_840, %mul3A_898 : i32
      %add3A_900 = arith.constant 3 : i32
      %add3A_901 = arith.addi %mul3A_899, %add3A_900 : i32
      %dma_start3A_902 = tpu.memref_slice %arg7[%mul3A_897] : memref<51200xf32, #tpu.memory_space<vmem>> -> memref<512xf32, #tpu.memory_space<vmem>>
      %dma_start3A_903 = arith.constant 0 : i32
      %dma_start3A_904 = tpu.memref_slice %arg4[%add3A, %add3A_901, %dma_start3A_903] : memref<32x512x512xf32, #tpu.memory_space<hbm>> -> memref<1x1x512xf32, #tpu.memory_space<hbm>>
      %dma_start3A_905 = tpu.memref_squeeze %dma_start3A_904 : memref<1x1x512xf32, #tpu.memory_space<hbm>> -> memref<512xf32, #tpu.memory_space<hbm>>
      %dma_start3A_906 = arith.constant 0 : i32
      %dma_start3A_907 = tpu.memref_slice %arg4[%add3A, %add3A_901, %dma_start3A_906] : memref<32x512x512xf32, #tpu.memory_space<hbm>> -> memref<1x1x512xf32, #tpu.memory_space<hbm>>
      %dma_start3A_908 = tpu.memref_squeeze %dma_start3A_907 : memref<1x1x512xf32, #tpu.memory_space<hbm>> -> memref<512xf32, #tpu.memory_space<hbm>>
      %dma_start3A_909 = tpu.memref_slice %arg7[%mul3A_897] : memref<51200xf32, #tpu.memory_space<vmem>> -> memref<512xf32, #tpu.memory_space<vmem>>
      tpu.enqueue_dma source(%dma_start3A_909 : memref<512xf32, #tpu.memory_space<vmem>>) target(%dma_start3A_908 : memref<512xf32, #tpu.memory_space<hbm>>) target_semaphore(%arg8 : memref<!tpu.dma_semaphore, #tpu.memory_space<semaphore_mem>>)
      %slice3A_910 = vector.extract_strided_slice %get3A_845 {offsets = [4], sizes = [1], strides = [1]} : vector<16xi32> to vector<1xi32>
      %squeeze3A_911 = vector.extract %slice3A_910[0] : i32 from vector<1xi32>
      %mul3A_912 = arith.constant 512 : i32
      %mul3A_913 = arith.muli %squeeze3A_911, %mul3A_912 : i32
      %mul3A_914 = arith.constant 16 : i32
      %mul3A_915 = arith.muli %scan3A_840, %mul3A_914 : i32
      %add3A_916 = arith.constant 4 : i32
      %add3A_917 = arith.addi %mul3A_915, %add3A_916 : i32
      %dma_start3A_918 = tpu.memref_slice %arg7[%mul3A_913] : memref<51200xf32, #tpu.memory_space<vmem>> -> memref<512xf32, #tpu.memory_space<vmem>>
      %dma_start3A_919 = arith.constant 0 : i32
      %dma_start3A_920 = tpu.memref_slice %arg4[%add3A, %add3A_917, %dma_start3A_919] : memref<32x512x512xf32, #tpu.memory_space<hbm>> -> memref<1x1x512xf32, #tpu.memory_space<hbm>>
      %dma_start3A_921 = tpu.memref_squeeze %dma_start3A_920 : memref<1x1x512xf32, #tpu.memory_space<hbm>> -> memref<512xf32, #tpu.memory_space<hbm>>
      %dma_start3A_922 = arith.constant 0 : i32
      %dma_start3A_923 = tpu.memref_slice %arg4[%add3A, %add3A_917, %dma_start3A_922] : memref<32x512x512xf32, #tpu.memory_space<hbm>> -> memref<1x1x512xf32, #tpu.memory_space<hbm>>
      %dma_start3A_924 = tpu.memref_squeeze %dma_start3A_923 : memref<1x1x512xf32, #tpu.memory_space<hbm>> -> memref<512xf32, #tpu.memory_space<hbm>>
      %dma_start3A_925 = tpu.memref_slice %arg7[%mul3A_913] : memref<51200xf32, #tpu.memory_space<vmem>> -> memref<512xf32, #tpu.memory_space<vmem>>
      tpu.enqueue_dma source(%dma_start3A_925 : memref<512xf32, #tpu.memory_space<vmem>>) target(%dma_start3A_924 : memref<512xf32, #tpu.memory_space<hbm>>) target_semaphore(%arg8 : memref<!tpu.dma_semaphore, #tpu.memory_space<semaphore_mem>>)
      %slice3A_926 = vector.extract_strided_slice %get3A_845 {offsets = [5], sizes = [1], strides = [1]} : vector<16xi32> to vector<1xi32>
      %squeeze3A_927 = vector.extract %slice3A_926[0] : i32 from vector<1xi32>
      %mul3A_928 = arith.constant 512 : i32
      %mul3A_929 = arith.muli %squeeze3A_927, %mul3A_928 : i32
      %mul3A_930 = arith.constant 16 : i32
      %mul3A_931 = arith.muli %scan3A_840, %mul3A_930 : i32
      %add3A_932 = arith.constant 5 : i32
      %add3A_933 = arith.addi %mul3A_931, %add3A_932 : i32
      %dma_start3A_934 = tpu.memref_slice %arg7[%mul3A_929] : memref<51200xf32, #tpu.memory_space<vmem>> -> memref<512xf32, #tpu.memory_space<vmem>>
      %dma_start3A_935 = arith.constant 0 : i32
      %dma_start3A_936 = tpu.memref_slice %arg4[%add3A, %add3A_933, %dma_start3A_935] : memref<32x512x512xf32, #tpu.memory_space<hbm>> -> memref<1x1x512xf32, #tpu.memory_space<hbm>>
      %dma_start3A_937 = tpu.memref_squeeze %dma_start3A_936 : memref<1x1x512xf32, #tpu.memory_space<hbm>> -> memref<512xf32, #tpu.memory_space<hbm>>
      %dma_start3A_938 = arith.constant 0 : i32
      %dma_start3A_939 = tpu.memref_slice %arg4[%add3A, %add3A_933, %dma_start3A_938] : memref<32x512x512xf32, #tpu.memory_space<hbm>> -> memref<1x1x512xf32, #tpu.memory_space<hbm>>
      %dma_start3A_940 = tpu.memref_squeeze %dma_start3A_939 : memref<1x1x512xf32, #tpu.memory_space<hbm>> -> memref<512xf32, #tpu.memory_space<hbm>>
      %dma_start3A_941 = tpu.memref_slice %arg7[%mul3A_929] : memref<51200xf32, #tpu.memory_space<vmem>> -> memref<512xf32, #tpu.memory_space<vmem>>
      tpu.enqueue_dma source(%dma_start3A_941 : memref<512xf32, #tpu.memory_space<vmem>>) target(%dma_start3A_940 : memref<512xf32, #tpu.memory_space<hbm>>) target_semaphore(%arg8 : memref<!tpu.dma_semaphore, #tpu.memory_space<semaphore_mem>>)
      %slice3A_942 = vector.extract_strided_slice %get3A_845 {offsets = [6], sizes = [1], strides = [1]} : vector<16xi32> to vector<1xi32>
      %squeeze3A_943 = vector.extract %slice3A_942[0] : i32 from vector<1xi32>
      %mul3A_944 = arith.constant 512 : i32
      %mul3A_945 = arith.muli %squeeze3A_943, %mul3A_944 : i32
      %mul3A_946 = arith.constant 16 : i32
      %mul3A_947 = arith.muli %scan3A_840, %mul3A_946 : i32
      %add3A_948 = arith.constant 6 : i32
      %add3A_949 = arith.addi %mul3A_947, %add3A_948 : i32
      %dma_start3A_950 = tpu.memref_slice %arg7[%mul3A_945] : memref<51200xf32, #tpu.memory_space<vmem>> -> memref<512xf32, #tpu.memory_space<vmem>>
      %dma_start3A_951 = arith.constant 0 : i32
      %dma_start3A_952 = tpu.memref_slice %arg4[%add3A, %add3A_949, %dma_start3A_951] : memref<32x512x512xf32, #tpu.memory_space<hbm>> -> memref<1x1x512xf32, #tpu.memory_space<hbm>>
      %dma_start3A_953 = tpu.memref_squeeze %dma_start3A_952 : memref<1x1x512xf32, #tpu.memory_space<hbm>> -> memref<512xf32, #tpu.memory_space<hbm>>
      %dma_start3A_954 = arith.constant 0 : i32
      %dma_start3A_955 = tpu.memref_slice %arg4[%add3A, %add3A_949, %dma_start3A_954] : memref<32x512x512xf32, #tpu.memory_space<hbm>> -> memref<1x1x512xf32, #tpu.memory_space<hbm>>
      %dma_start3A_956 = tpu.memref_squeeze %dma_start3A_955 : memref<1x1x512xf32, #tpu.memory_space<hbm>> -> memref<512xf32, #tpu.memory_space<hbm>>
      %dma_start3A_957 = tpu.memref_slice %arg7[%mul3A_945] : memref<51200xf32, #tpu.memory_space<vmem>> -> memref<512xf32, #tpu.memory_space<vmem>>
      tpu.enqueue_dma source(%dma_start3A_957 : memref<512xf32, #tpu.memory_space<vmem>>) target(%dma_start3A_956 : memref<512xf32, #tpu.memory_space<hbm>>) target_semaphore(%arg8 : memref<!tpu.dma_semaphore, #tpu.memory_space<semaphore_mem>>)
      %slice3A_958 = vector.extract_strided_slice %get3A_845 {offsets = [7], sizes = [1], strides = [1]} : vector<16xi32> to vector<1xi32>
      %squeeze3A_959 = vector.extract %slice3A_958[0] : i32 from vector<1xi32>
      %mul3A_960 = arith.constant 512 : i32
      %mul3A_961 = arith.muli %squeeze3A_959, %mul3A_960 : i32
      %mul3A_962 = arith.constant 16 : i32
      %mul3A_963 = arith.muli %scan3A_840, %mul3A_962 : i32
      %add3A_964 = arith.constant 7 : i32
      %add3A_965 = arith.addi %mul3A_963, %add3A_964 : i32
      %dma_start3A_966 = tpu.memref_slice %arg7[%mul3A_961] : memref<51200xf32, #tpu.memory_space<vmem>> -> memref<512xf32, #tpu.memory_space<vmem>>
      %dma_start3A_967 = arith.constant 0 : i32
      %dma_start3A_968 = tpu.memref_slice %arg4[%add3A, %add3A_965, %dma_start3A_967] : memref<32x512x512xf32, #tpu.memory_space<hbm>> -> memref<1x1x512xf32, #tpu.memory_space<hbm>>
      %dma_start3A_969 = tpu.memref_squeeze %dma_start3A_968 : memref<1x1x512xf32, #tpu.memory_space<hbm>> -> memref<512xf32, #tpu.memory_space<hbm>>
      %dma_start3A_970 = arith.constant 0 : i32
      %dma_start3A_971 = tpu.memref_slice %arg4[%add3A, %add3A_965, %dma_start3A_970] : memref<32x512x512xf32, #tpu.memory_space<hbm>> -> memref<1x1x512xf32, #tpu.memory_space<hbm>>
      %dma_start3A_972 = tpu.memref_squeeze %dma_start3A_971 : memref<1x1x512xf32, #tpu.memory_space<hbm>> -> memref<512xf32, #tpu.memory_space<hbm>>
      %dma_start3A_973 = tpu.memref_slice %arg7[%mul3A_961] : memref<51200xf32, #tpu.memory_space<vmem>> -> memref<512xf32, #tpu.memory_space<vmem>>
      tpu.enqueue_dma source(%dma_start3A_973 : memref<512xf32, #tpu.memory_space<vmem>>) target(%dma_start3A_972 : memref<512xf32, #tpu.memory_space<hbm>>) target_semaphore(%arg8 : memref<!tpu.dma_semaphore, #tpu.memory_space<semaphore_mem>>)
      %slice3A_974 = vector.extract_strided_slice %get3A_845 {offsets = [8], sizes = [1], strides = [1]} : vector<16xi32> to vector<1xi32>
      %squeeze3A_975 = vector.extract %slice3A_974[0] : i32 from vector<1xi32>
      %mul3A_976 = arith.constant 512 : i32
      %mul3A_977 = arith.muli %squeeze3A_975, %mul3A_976 : i32
      %mul3A_978 = arith.constant 16 : i32
      %mul3A_979 = arith.muli %scan3A_840, %mul3A_978 : i32
      %add3A_980 = arith.constant 8 : i32
      %add3A_981 = arith.addi %mul3A_979, %add3A_980 : i32
      %dma_start3A_982 = tpu.memref_slice %arg7[%mul3A_977] : memref<51200xf32, #tpu.memory_space<vmem>> -> memref<512xf32, #tpu.memory_space<vmem>>
      %dma_start3A_983 = arith.constant 0 : i32
      %dma_start3A_984 = tpu.memref_slice %arg4[%add3A, %add3A_981, %dma_start3A_983] : memref<32x512x512xf32, #tpu.memory_space<hbm>> -> memref<1x1x512xf32, #tpu.memory_space<hbm>>
      %dma_start3A_985 = tpu.memref_squeeze %dma_start3A_984 : memref<1x1x512xf32, #tpu.memory_space<hbm>> -> memref<512xf32, #tpu.memory_space<hbm>>
      %dma_start3A_986 = arith.constant 0 : i32
      %dma_start3A_987 = tpu.memref_slice %arg4[%add3A, %add3A_981, %dma_start3A_986] : memref<32x512x512xf32, #tpu.memory_space<hbm>> -> memref<1x1x512xf32, #tpu.memory_space<hbm>>
      %dma_start3A_988 = tpu.memref_squeeze %dma_start3A_987 : memref<1x1x512xf32, #tpu.memory_space<hbm>> -> memref<512xf32, #tpu.memory_space<hbm>>
      %dma_start3A_989 = tpu.memref_slice %arg7[%mul3A_977] : memref<51200xf32, #tpu.memory_space<vmem>> -> memref<512xf32, #tpu.memory_space<vmem>>
      tpu.enqueue_dma source(%dma_start3A_989 : memref<512xf32, #tpu.memory_space<vmem>>) target(%dma_start3A_988 : memref<512xf32, #tpu.memory_space<hbm>>) target_semaphore(%arg8 : memref<!tpu.dma_semaphore, #tpu.memory_space<semaphore_mem>>)
      %slice3A_990 = vector.extract_strided_slice %get3A_845 {offsets = [9], sizes = [1], strides = [1]} : vector<16xi32> to vector<1xi32>
      %squeeze3A_991 = vector.extract %slice3A_990[0] : i32 from vector<1xi32>
      %mul3A_992 = arith.constant 512 : i32
      %mul3A_993 = arith.muli %squeeze3A_991, %mul3A_992 : i32
      %mul3A_994 = arith.constant 16 : i32
      %mul3A_995 = arith.muli %scan3A_840, %mul3A_994 : i32
      %add3A_996 = arith.constant 9 : i32
      %add3A_997 = arith.addi %mul3A_995, %add3A_996 : i32
      %dma_start3A_998 = tpu.memref_slice %arg7[%mul3A_993] : memref<51200xf32, #tpu.memory_space<vmem>> -> memref<512xf32, #tpu.memory_space<vmem>>
      %dma_start3A_999 = arith.constant 0 : i32
      %dma_start3A_1000 = tpu.memref_slice %arg4[%add3A, %add3A_997, %dma_start3A_999] : memref<32x512x512xf32, #tpu.memory_space<hbm>> -> memref<1x1x512xf32, #tpu.memory_space<hbm>>
      %dma_start3A_1001 = tpu.memref_squeeze %dma_start3A_1000 : memref<1x1x512xf32, #tpu.memory_space<hbm>> -> memref<512xf32, #tpu.memory_space<hbm>>
      %dma_start3A_1002 = arith.constant 0 : i32
      %dma_start3A_1003 = tpu.memref_slice %arg4[%add3A, %add3A_997, %dma_start3A_1002] : memref<32x512x512xf32, #tpu.memory_space<hbm>> -> memref<1x1x512xf32, #tpu.memory_space<hbm>>
      %dma_start3A_1004 = tpu.memref_squeeze %dma_start3A_1003 : memref<1x1x512xf32, #tpu.memory_space<hbm>> -> memref<512xf32, #tpu.memory_space<hbm>>
      %dma_start3A_1005 = tpu.memref_slice %arg7[%mul3A_993] : memref<51200xf32, #tpu.memory_space<vmem>> -> memref<512xf32, #tpu.memory_space<vmem>>
      tpu.enqueue_dma source(%dma_start3A_1005 : memref<512xf32, #tpu.memory_space<vmem>>) target(%dma_start3A_1004 : memref<512xf32, #tpu.memory_space<hbm>>) target_semaphore(%arg8 : memref<!tpu.dma_semaphore, #tpu.memory_space<semaphore_mem>>)
      %slice3A_1006 = vector.extract_strided_slice %get3A_845 {offsets = [10], sizes = [1], strides = [1]} : vector<16xi32> to vector<1xi32>
      %squeeze3A_1007 = vector.extract %slice3A_1006[0] : i32 from vector<1xi32>
      %mul3A_1008 = arith.constant 512 : i32
      %mul3A_1009 = arith.muli %squeeze3A_1007, %mul3A_1008 : i32
      %mul3A_1010 = arith.constant 16 : i32
      %mul3A_1011 = arith.muli %scan3A_840, %mul3A_1010 : i32
      %add3A_1012 = arith.constant 10 : i32
      %add3A_1013 = arith.addi %mul3A_1011, %add3A_1012 : i32
      %dma_start3A_1014 = tpu.memref_slice %arg7[%mul3A_1009] : memref<51200xf32, #tpu.memory_space<vmem>> -> memref<512xf32, #tpu.memory_space<vmem>>
      %dma_start3A_1015 = arith.constant 0 : i32
      %dma_start3A_1016 = tpu.memref_slice %arg4[%add3A, %add3A_1013, %dma_start3A_1015] : memref<32x512x512xf32, #tpu.memory_space<hbm>> -> memref<1x1x512xf32, #tpu.memory_space<hbm>>
      %dma_start3A_1017 = tpu.memref_squeeze %dma_start3A_1016 : memref<1x1x512xf32, #tpu.memory_space<hbm>> -> memref<512xf32, #tpu.memory_space<hbm>>
      %dma_start3A_1018 = arith.constant 0 : i32
      %dma_start3A_1019 = tpu.memref_slice %arg4[%add3A, %add3A_1013, %dma_start3A_1018] : memref<32x512x512xf32, #tpu.memory_space<hbm>> -> memref<1x1x512xf32, #tpu.memory_space<hbm>>
      %dma_start3A_1020 = tpu.memref_squeeze %dma_start3A_1019 : memref<1x1x512xf32, #tpu.memory_space<hbm>> -> memref<512xf32, #tpu.memory_space<hbm>>
      %dma_start3A_1021 = tpu.memref_slice %arg7[%mul3A_1009] : memref<51200xf32, #tpu.memory_space<vmem>> -> memref<512xf32, #tpu.memory_space<vmem>>
      tpu.enqueue_dma source(%dma_start3A_1021 : memref<512xf32, #tpu.memory_space<vmem>>) target(%dma_start3A_1020 : memref<512xf32, #tpu.memory_space<hbm>>) target_semaphore(%arg8 : memref<!tpu.dma_semaphore, #tpu.memory_space<semaphore_mem>>)
      %slice3A_1022 = vector.extract_strided_slice %get3A_845 {offsets = [11], sizes = [1], strides = [1]} : vector<16xi32> to vector<1xi32>
      %squeeze3A_1023 = vector.extract %slice3A_1022[0] : i32 from vector<1xi32>
      %mul3A_1024 = arith.constant 512 : i32
      %mul3A_1025 = arith.muli %squeeze3A_1023, %mul3A_1024 : i32
      %mul3A_1026 = arith.constant 16 : i32
      %mul3A_1027 = arith.muli %scan3A_840, %mul3A_1026 : i32
      %add3A_1028 = arith.constant 11 : i32
      %add3A_1029 = arith.addi %mul3A_1027, %add3A_1028 : i32
      %dma_start3A_1030 = tpu.memref_slice %arg7[%mul3A_1025] : memref<51200xf32, #tpu.memory_space<vmem>> -> memref<512xf32, #tpu.memory_space<vmem>>
      %dma_start3A_1031 = arith.constant 0 : i32
      %dma_start3A_1032 = tpu.memref_slice %arg4[%add3A, %add3A_1029, %dma_start3A_1031] : memref<32x512x512xf32, #tpu.memory_space<hbm>> -> memref<1x1x512xf32, #tpu.memory_space<hbm>>
      %dma_start3A_1033 = tpu.memref_squeeze %dma_start3A_1032 : memref<1x1x512xf32, #tpu.memory_space<hbm>> -> memref<512xf32, #tpu.memory_space<hbm>>
      %dma_start3A_1034 = arith.constant 0 : i32
      %dma_start3A_1035 = tpu.memref_slice %arg4[%add3A, %add3A_1029, %dma_start3A_1034] : memref<32x512x512xf32, #tpu.memory_space<hbm>> -> memref<1x1x512xf32, #tpu.memory_space<hbm>>
      %dma_start3A_1036 = tpu.memref_squeeze %dma_start3A_1035 : memref<1x1x512xf32, #tpu.memory_space<hbm>> -> memref<512xf32, #tpu.memory_space<hbm>>
      %dma_start3A_1037 = tpu.memref_slice %arg7[%mul3A_1025] : memref<51200xf32, #tpu.memory_space<vmem>> -> memref<512xf32, #tpu.memory_space<vmem>>
      tpu.enqueue_dma source(%dma_start3A_1037 : memref<512xf32, #tpu.memory_space<vmem>>) target(%dma_start3A_1036 : memref<512xf32, #tpu.memory_space<hbm>>) target_semaphore(%arg8 : memref<!tpu.dma_semaphore, #tpu.memory_space<semaphore_mem>>)
      %slice3A_1038 = vector.extract_strided_slice %get3A_845 {offsets = [12], sizes = [1], strides = [1]} : vector<16xi32> to vector<1xi32>
      %squeeze3A_1039 = vector.extract %slice3A_1038[0] : i32 from vector<1xi32>
      %mul3A_1040 = arith.constant 512 : i32
      %mul3A_1041 = arith.muli %squeeze3A_1039, %mul3A_1040 : i32
      %mul3A_1042 = arith.constant 16 : i32
      %mul3A_1043 = arith.muli %scan3A_840, %mul3A_1042 : i32
      %add3A_1044 = arith.constant 12 : i32
      %add3A_1045 = arith.addi %mul3A_1043, %add3A_1044 : i32
      %dma_start3A_1046 = tpu.memref_slice %arg7[%mul3A_1041] : memref<51200xf32, #tpu.memory_space<vmem>> -> memref<512xf32, #tpu.memory_space<vmem>>
      %dma_start3A_1047 = arith.constant 0 : i32
      %dma_start3A_1048 = tpu.memref_slice %arg4[%add3A, %add3A_1045, %dma_start3A_1047] : memref<32x512x512xf32, #tpu.memory_space<hbm>> -> memref<1x1x512xf32, #tpu.memory_space<hbm>>
      %dma_start3A_1049 = tpu.memref_squeeze %dma_start3A_1048 : memref<1x1x512xf32, #tpu.memory_space<hbm>> -> memref<512xf32, #tpu.memory_space<hbm>>
      %dma_start3A_1050 = arith.constant 0 : i32
      %dma_start3A_1051 = tpu.memref_slice %arg4[%add3A, %add3A_1045, %dma_start3A_1050] : memref<32x512x512xf32, #tpu.memory_space<hbm>> -> memref<1x1x512xf32, #tpu.memory_space<hbm>>
      %dma_start3A_1052 = tpu.memref_squeeze %dma_start3A_1051 : memref<1x1x512xf32, #tpu.memory_space<hbm>> -> memref<512xf32, #tpu.memory_space<hbm>>
      %dma_start3A_1053 = tpu.memref_slice %arg7[%mul3A_1041] : memref<51200xf32, #tpu.memory_space<vmem>> -> memref<512xf32, #tpu.memory_space<vmem>>
      tpu.enqueue_dma source(%dma_start3A_1053 : memref<512xf32, #tpu.memory_space<vmem>>) target(%dma_start3A_1052 : memref<512xf32, #tpu.memory_space<hbm>>) target_semaphore(%arg8 : memref<!tpu.dma_semaphore, #tpu.memory_space<semaphore_mem>>)
      %slice3A_1054 = vector.extract_strided_slice %get3A_845 {offsets = [13], sizes = [1], strides = [1]} : vector<16xi32> to vector<1xi32>
      %squeeze3A_1055 = vector.extract %slice3A_1054[0] : i32 from vector<1xi32>
      %mul3A_1056 = arith.constant 512 : i32
      %mul3A_1057 = arith.muli %squeeze3A_1055, %mul3A_1056 : i32
      %mul3A_1058 = arith.constant 16 : i32
      %mul3A_1059 = arith.muli %scan3A_840, %mul3A_1058 : i32
      %add3A_1060 = arith.constant 13 : i32
      %add3A_1061 = arith.addi %mul3A_1059, %add3A_1060 : i32
      %dma_start3A_1062 = tpu.memref_slice %arg7[%mul3A_1057] : memref<51200xf32, #tpu.memory_space<vmem>> -> memref<512xf32, #tpu.memory_space<vmem>>
      %dma_start3A_1063 = arith.constant 0 : i32
      %dma_start3A_1064 = tpu.memref_slice %arg4[%add3A, %add3A_1061, %dma_start3A_1063] : memref<32x512x512xf32, #tpu.memory_space<hbm>> -> memref<1x1x512xf32, #tpu.memory_space<hbm>>
      %dma_start3A_1065 = tpu.memref_squeeze %dma_start3A_1064 : memref<1x1x512xf32, #tpu.memory_space<hbm>> -> memref<512xf32, #tpu.memory_space<hbm>>
      %dma_start3A_1066 = arith.constant 0 : i32
      %dma_start3A_1067 = tpu.memref_slice %arg4[%add3A, %add3A_1061, %dma_start3A_1066] : memref<32x512x512xf32, #tpu.memory_space<hbm>> -> memref<1x1x512xf32, #tpu.memory_space<hbm>>
      %dma_start3A_1068 = tpu.memref_squeeze %dma_start3A_1067 : memref<1x1x512xf32, #tpu.memory_space<hbm>> -> memref<512xf32, #tpu.memory_space<hbm>>
      %dma_start3A_1069 = tpu.memref_slice %arg7[%mul3A_1057] : memref<51200xf32, #tpu.memory_space<vmem>> -> memref<512xf32, #tpu.memory_space<vmem>>
      tpu.enqueue_dma source(%dma_start3A_1069 : memref<512xf32, #tpu.memory_space<vmem>>) target(%dma_start3A_1068 : memref<512xf32, #tpu.memory_space<hbm>>) target_semaphore(%arg8 : memref<!tpu.dma_semaphore, #tpu.memory_space<semaphore_mem>>)
      %slice3A_1070 = vector.extract_strided_slice %get3A_845 {offsets = [14], sizes = [1], strides = [1]} : vector<16xi32> to vector<1xi32>
      %squeeze3A_1071 = vector.extract %slice3A_1070[0] : i32 from vector<1xi32>
      %mul3A_1072 = arith.constant 512 : i32
      %mul3A_1073 = arith.muli %squeeze3A_1071, %mul3A_1072 : i32
      %mul3A_1074 = arith.constant 16 : i32
      %mul3A_1075 = arith.muli %scan3A_840, %mul3A_1074 : i32
      %add3A_1076 = arith.constant 14 : i32
      %add3A_1077 = arith.addi %mul3A_1075, %add3A_1076 : i32
      %dma_start3A_1078 = tpu.memref_slice %arg7[%mul3A_1073] : memref<51200xf32, #tpu.memory_space<vmem>> -> memref<512xf32, #tpu.memory_space<vmem>>
      %dma_start3A_1079 = arith.constant 0 : i32
      %dma_start3A_1080 = tpu.memref_slice %arg4[%add3A, %add3A_1077, %dma_start3A_1079] : memref<32x512x512xf32, #tpu.memory_space<hbm>> -> memref<1x1x512xf32, #tpu.memory_space<hbm>>
      %dma_start3A_1081 = tpu.memref_squeeze %dma_start3A_1080 : memref<1x1x512xf32, #tpu.memory_space<hbm>> -> memref<512xf32, #tpu.memory_space<hbm>>
      %dma_start3A_1082 = arith.constant 0 : i32
      %dma_start3A_1083 = tpu.memref_slice %arg4[%add3A, %add3A_1077, %dma_start3A_1082] : memref<32x512x512xf32, #tpu.memory_space<hbm>> -> memref<1x1x512xf32, #tpu.memory_space<hbm>>
      %dma_start3A_1084 = tpu.memref_squeeze %dma_start3A_1083 : memref<1x1x512xf32, #tpu.memory_space<hbm>> -> memref<512xf32, #tpu.memory_space<hbm>>
      %dma_start3A_1085 = tpu.memref_slice %arg7[%mul3A_1073] : memref<51200xf32, #tpu.memory_space<vmem>> -> memref<512xf32, #tpu.memory_space<vmem>>
      tpu.enqueue_dma source(%dma_start3A_1085 : memref<512xf32, #tpu.memory_space<vmem>>) target(%dma_start3A_1084 : memref<512xf32, #tpu.memory_space<hbm>>) target_semaphore(%arg8 : memref<!tpu.dma_semaphore, #tpu.memory_space<semaphore_mem>>)
      %slice3A_1086 = vector.extract_strided_slice %get3A_845 {offsets = [15], sizes = [1], strides = [1]} : vector<16xi32> to vector<1xi32>
      %squeeze3A_1087 = vector.extract %slice3A_1086[0] : i32 from vector<1xi32>
      %mul3A_1088 = arith.constant 512 : i32
      %mul3A_1089 = arith.muli %squeeze3A_1087, %mul3A_1088 : i32
      %mul3A_1090 = arith.constant 16 : i32
      %mul3A_1091 = arith.muli %scan3A_840, %mul3A_1090 : i32
      %add3A_1092 = arith.constant 15 : i32
      %add3A_1093 = arith.addi %mul3A_1091, %add3A_1092 : i32
      %dma_start3A_1094 = tpu.memref_slice %arg7[%mul3A_1089] : memref<51200xf32, #tpu.memory_space<vmem>> -> memref<512xf32, #tpu.memory_space<vmem>>
      %dma_start3A_1095 = arith.constant 0 : i32
      %dma_start3A_1096 = tpu.memref_slice %arg4[%add3A, %add3A_1093, %dma_start3A_1095] : memref<32x512x512xf32, #tpu.memory_space<hbm>> -> memref<1x1x512xf32, #tpu.memory_space<hbm>>
      %dma_start3A_1097 = tpu.memref_squeeze %dma_start3A_1096 : memref<1x1x512xf32, #tpu.memory_space<hbm>> -> memref<512xf32, #tpu.memory_space<hbm>>
      %dma_start3A_1098 = arith.constant 0 : i32
      %dma_start3A_1099 = tpu.memref_slice %arg4[%add3A, %add3A_1093, %dma_start3A_1098] : memref<32x512x512xf32, #tpu.memory_space<hbm>> -> memref<1x1x512xf32, #tpu.memory_space<hbm>>
      %dma_start3A_1100 = tpu.memref_squeeze %dma_start3A_1099 : memref<1x1x512xf32, #tpu.memory_space<hbm>> -> memref<512xf32, #tpu.memory_space<hbm>>
      %dma_start3A_1101 = tpu.memref_slice %arg7[%mul3A_1089] : memref<51200xf32, #tpu.memory_space<vmem>> -> memref<512xf32, #tpu.memory_space<vmem>>
      tpu.enqueue_dma source(%dma_start3A_1101 : memref<512xf32, #tpu.memory_space<vmem>>) target(%dma_start3A_1100 : memref<512xf32, #tpu.memory_space<hbm>>) target_semaphore(%arg8 : memref<!tpu.dma_semaphore, #tpu.memory_space<semaphore_mem>>)
      %sub3A = arith.constant 2 : i32
      %sub3A_1102 = arith.subi %scan3A_840, %sub3A : i32
      %dma_wait3A_1103 = arith.constant 0 : i32
      %dma_wait3A_1104 = arith.constant 0 : i32
      %dma_wait3A_1105 = tpu.memref_slice %arg7[%dma_wait3A_1104] : memref<51200xf32, #tpu.memory_space<vmem>> -> memref<512xf32, #tpu.memory_space<vmem>>
      %dma_wait3A_1106 = arith.constant 0 : i32
      %dma_wait3A_1107 = tpu.memref_slice %arg4[%add3A, %dma_wait3A_1103, %dma_wait3A_1106] : memref<32x512x512xf32, #tpu.memory_space<hbm>> -> memref<1x1x512xf32, #tpu.memory_space<hbm>>
      %dma_wait3A_1108 = tpu.memref_squeeze %dma_wait3A_1107 : memref<1x1x512xf32, #tpu.memory_space<hbm>> -> memref<512xf32, #tpu.memory_space<hbm>>
      %dma_wait3A_1109 = arith.constant 0 : i32
      %dma_wait3A_1110 = tpu.memref_slice %arg4[%add3A, %dma_wait3A_1103, %dma_wait3A_1109] : memref<32x512x512xf32, #tpu.memory_space<hbm>> -> memref<1x1x512xf32, #tpu.memory_space<hbm>>
      %dma_wait3A_1111 = tpu.memref_squeeze %dma_wait3A_1110 : memref<1x1x512xf32, #tpu.memory_space<hbm>> -> memref<512xf32, #tpu.memory_space<hbm>>
      %dma_wait3A_1112 = arith.constant 0 : i32
      %dma_wait3A_1113 = tpu.memref_slice %arg7[%dma_wait3A_1112] : memref<51200xf32, #tpu.memory_space<vmem>> -> memref<512xf32, #tpu.memory_space<vmem>>
      tpu.wait_dma2 semaphore(%arg8 : memref<!tpu.dma_semaphore, #tpu.memory_space<semaphore_mem>>) src(%dma_wait3A_1113 : memref<512xf32, #tpu.memory_space<vmem>>) dst(%dma_wait3A_1111 : memref<512xf32, #tpu.memory_space<hbm>>)
      %dma_wait3A_1114 = arith.constant 0 : i32
      %dma_wait3A_1115 = arith.constant 0 : i32
      %dma_wait3A_1116 = tpu.memref_slice %arg7[%dma_wait3A_1115] : memref<51200xf32, #tpu.memory_space<vmem>> -> memref<512xf32, #tpu.memory_space<vmem>>
      %dma_wait3A_1117 = arith.constant 0 : i32
      %dma_wait3A_1118 = tpu.memref_slice %arg4[%add3A, %dma_wait3A_1114, %dma_wait3A_1117] : memref<32x512x512xf32, #tpu.memory_space<hbm>> -> memref<1x1x512xf32, #tpu.memory_space<hbm>>
      %dma_wait3A_1119 = tpu.memref_squeeze %dma_wait3A_1118 : memref<1x1x512xf32, #tpu.memory_space<hbm>> -> memref<512xf32, #tpu.memory_space<hbm>>
      %dma_wait3A_1120 = arith.constant 0 : i32
      %dma_wait3A_1121 = tpu.memref_slice %arg4[%add3A, %dma_wait3A_1114, %dma_wait3A_1120] : memref<32x512x512xf32, #tpu.memory_space<hbm>> -> memref<1x1x512xf32, #tpu.memory_space<hbm>>
      %dma_wait3A_1122 = tpu.memref_squeeze %dma_wait3A_1121 : memref<1x1x512xf32, #tpu.memory_space<hbm>> -> memref<512xf32, #tpu.memory_space<hbm>>
      %dma_wait3A_1123 = arith.constant 0 : i32
      %dma_wait3A_1124 = tpu.memref_slice %arg7[%dma_wait3A_1123] : memref<51200xf32, #tpu.memory_space<vmem>> -> memref<512xf32, #tpu.memory_space<vmem>>
      tpu.wait_dma2 semaphore(%arg8 : memref<!tpu.dma_semaphore, #tpu.memory_space<semaphore_mem>>) src(%dma_wait3A_1124 : memref<512xf32, #tpu.memory_space<vmem>>) dst(%dma_wait3A_1122 : memref<512xf32, #tpu.memory_space<hbm>>)
      %dma_wait3A_1125 = arith.constant 0 : i32
      %dma_wait3A_1126 = arith.constant 0 : i32
      %dma_wait3A_1127 = tpu.memref_slice %arg7[%dma_wait3A_1126] : memref<51200xf32, #tpu.memory_space<vmem>> -> memref<512xf32, #tpu.memory_space<vmem>>
      %dma_wait3A_1128 = arith.constant 0 : i32
      %dma_wait3A_1129 = tpu.memref_slice %arg4[%add3A, %dma_wait3A_1125, %dma_wait3A_1128] : memref<32x512x512xf32, #tpu.memory_space<hbm>> -> memref<1x1x512xf32, #tpu.memory_space<hbm>>
      %dma_wait3A_1130 = tpu.memref_squeeze %dma_wait3A_1129 : memref<1x1x512xf32, #tpu.memory_space<hbm>> -> memref<512xf32, #tpu.memory_space<hbm>>
      %dma_wait3A_1131 = arith.constant 0 : i32
      %dma_wait3A_1132 = tpu.memref_slice %arg4[%add3A, %dma_wait3A_1125, %dma_wait3A_1131] : memref<32x512x512xf32, #tpu.memory_space<hbm>> -> memref<1x1x512xf32, #tpu.memory_space<hbm>>
      %dma_wait3A_1133 = tpu.memref_squeeze %dma_wait3A_1132 : memref<1x1x512xf32, #tpu.memory_space<hbm>> -> memref<512xf32, #tpu.memory_space<hbm>>
      %dma_wait3A_1134 = arith.constant 0 : i32
      %dma_wait3A_1135 = tpu.memref_slice %arg7[%dma_wait3A_1134] : memref<51200xf32, #tpu.memory_space<vmem>> -> memref<512xf32, #tpu.memory_space<vmem>>
      tpu.wait_dma2 semaphore(%arg8 : memref<!tpu.dma_semaphore, #tpu.memory_space<semaphore_mem>>) src(%dma_wait3A_1135 : memref<512xf32, #tpu.memory_space<vmem>>) dst(%dma_wait3A_1133 : memref<512xf32, #tpu.memory_space<hbm>>)
      %dma_wait3A_1136 = arith.constant 0 : i32
      %dma_wait3A_1137 = arith.constant 0 : i32
      %dma_wait3A_1138 = tpu.memref_slice %arg7[%dma_wait3A_1137] : memref<51200xf32, #tpu.memory_space<vmem>> -> memref<512xf32, #tpu.memory_space<vmem>>
      %dma_wait3A_1139 = arith.constant 0 : i32
      %dma_wait3A_1140 = tpu.memref_slice %arg4[%add3A, %dma_wait3A_1136, %dma_wait3A_1139] : memref<32x512x512xf32, #tpu.memory_space<hbm>> -> memref<1x1x512xf32, #tpu.memory_space<hbm>>
      %dma_wait3A_1141 = tpu.memref_squeeze %dma_wait3A_1140 : memref<1x1x512xf32, #tpu.memory_space<hbm>> -> memref<512xf32, #tpu.memory_space<hbm>>
      %dma_wait3A_1142 = arith.constant 0 : i32
      %dma_wait3A_1143 = tpu.memref_slice %arg4[%add3A, %dma_wait3A_1136, %dma_wait3A_1142] : memref<32x512x512xf32, #tpu.memory_space<hbm>> -> memref<1x1x512xf32, #tpu.memory_space<hbm>>
      %dma_wait3A_1144 = tpu.memref_squeeze %dma_wait3A_1143 : memref<1x1x512xf32, #tpu.memory_space<hbm>> -> memref<512xf32, #tpu.memory_space<hbm>>
      %dma_wait3A_1145 = arith.constant 0 : i32
      %dma_wait3A_1146 = tpu.memref_slice %arg7[%dma_wait3A_1145] : memref<51200xf32, #tpu.memory_space<vmem>> -> memref<512xf32, #tpu.memory_space<vmem>>
      tpu.wait_dma2 semaphore(%arg8 : memref<!tpu.dma_semaphore, #tpu.memory_space<semaphore_mem>>) src(%dma_wait3A_1146 : memref<512xf32, #tpu.memory_space<vmem>>) dst(%dma_wait3A_1144 : memref<512xf32, #tpu.memory_space<hbm>>)
      %dma_wait3A_1147 = arith.constant 0 : i32
      %dma_wait3A_1148 = arith.constant 0 : i32
      %dma_wait3A_1149 = tpu.memref_slice %arg7[%dma_wait3A_1148] : memref<51200xf32, #tpu.memory_space<vmem>> -> memref<512xf32, #tpu.memory_space<vmem>>
      %dma_wait3A_1150 = arith.constant 0 : i32
      %dma_wait3A_1151 = tpu.memref_slice %arg4[%add3A, %dma_wait3A_1147, %dma_wait3A_1150] : memref<32x512x512xf32, #tpu.memory_space<hbm>> -> memref<1x1x512xf32, #tpu.memory_space<hbm>>
      %dma_wait3A_1152 = tpu.memref_squeeze %dma_wait3A_1151 : memref<1x1x512xf32, #tpu.memory_space<hbm>> -> memref<512xf32, #tpu.memory_space<hbm>>
      %dma_wait3A_1153 = arith.constant 0 : i32
      %dma_wait3A_1154 = tpu.memref_slice %arg4[%add3A, %dma_wait3A_1147, %dma_wait3A_1153] : memref<32x512x512xf32, #tpu.memory_space<hbm>> -> memref<1x1x512xf32, #tpu.memory_space<hbm>>
      %dma_wait3A_1155 = tpu.memref_squeeze %dma_wait3A_1154 : memref<1x1x512xf32, #tpu.memory_space<hbm>> -> memref<512xf32, #tpu.memory_space<hbm>>
      %dma_wait3A_1156 = arith.constant 0 : i32
      %dma_wait3A_1157 = tpu.memref_slice %arg7[%dma_wait3A_1156] : memref<51200xf32, #tpu.memory_space<vmem>> -> memref<512xf32, #tpu.memory_space<vmem>>
      tpu.wait_dma2 semaphore(%arg8 : memref<!tpu.dma_semaphore, #tpu.memory_space<semaphore_mem>>) src(%dma_wait3A_1157 : memref<512xf32, #tpu.memory_space<vmem>>) dst(%dma_wait3A_1155 : memref<512xf32, #tpu.memory_space<hbm>>)
      %dma_wait3A_1158 = arith.constant 0 : i32
      %dma_wait3A_1159 = arith.constant 0 : i32
      %dma_wait3A_1160 = tpu.memref_slice %arg7[%dma_wait3A_1159] : memref<51200xf32, #tpu.memory_space<vmem>> -> memref<512xf32, #tpu.memory_space<vmem>>
      %dma_wait3A_1161 = arith.constant 0 : i32
      %dma_wait3A_1162 = tpu.memref_slice %arg4[%add3A, %dma_wait3A_1158, %dma_wait3A_1161] : memref<32x512x512xf32, #tpu.memory_space<hbm>> -> memref<1x1x512xf32, #tpu.memory_space<hbm>>
      %dma_wait3A_1163 = tpu.memref_squeeze %dma_wait3A_1162 : memref<1x1x512xf32, #tpu.memory_space<hbm>> -> memref<512xf32, #tpu.memory_space<hbm>>
      %dma_wait3A_1164 = arith.constant 0 : i32
      %dma_wait3A_1165 = tpu.memref_slice %arg4[%add3A, %dma_wait3A_1158, %dma_wait3A_1164] : memref<32x512x512xf32, #tpu.memory_space<hbm>> -> memref<1x1x512xf32, #tpu.memory_space<hbm>>
      %dma_wait3A_1166 = tpu.memref_squeeze %dma_wait3A_1165 : memref<1x1x512xf32, #tpu.memory_space<hbm>> -> memref<512xf32, #tpu.memory_space<hbm>>
      %dma_wait3A_1167 = arith.constant 0 : i32
      %dma_wait3A_1168 = tpu.memref_slice %arg7[%dma_wait3A_1167] : memref<51200xf32, #tpu.memory_space<vmem>> -> memref<512xf32, #tpu.memory_space<vmem>>
      tpu.wait_dma2 semaphore(%arg8 : memref<!tpu.dma_semaphore, #tpu.memory_space<semaphore_mem>>) src(%dma_wait3A_1168 : memref<512xf32, #tpu.memory_space<vmem>>) dst(%dma_wait3A_1166 : memref<512xf32, #tpu.memory_space<hbm>>)
      %dma_wait3A_1169 = arith.constant 0 : i32
      %dma_wait3A_1170 = arith.constant 0 : i32
      %dma_wait3A_1171 = tpu.memref_slice %arg7[%dma_wait3A_1170] : memref<51200xf32, #tpu.memory_space<vmem>> -> memref<512xf32, #tpu.memory_space<vmem>>
      %dma_wait3A_1172 = arith.constant 0 : i32
      %dma_wait3A_1173 = tpu.memref_slice %arg4[%add3A, %dma_wait3A_1169, %dma_wait3A_1172] : memref<32x512x512xf32, #tpu.memory_space<hbm>> -> memref<1x1x512xf32, #tpu.memory_space<hbm>>
      %dma_wait3A_1174 = tpu.memref_squeeze %dma_wait3A_1173 : memref<1x1x512xf32, #tpu.memory_space<hbm>> -> memref<512xf32, #tpu.memory_space<hbm>>
      %dma_wait3A_1175 = arith.constant 0 : i32
      %dma_wait3A_1176 = tpu.memref_slice %arg4[%add3A, %dma_wait3A_1169, %dma_wait3A_1175] : memref<32x512x512xf32, #tpu.memory_space<hbm>> -> memref<1x1x512xf32, #tpu.memory_space<hbm>>
      %dma_wait3A_1177 = tpu.memref_squeeze %dma_wait3A_1176 : memref<1x1x512xf32, #tpu.memory_space<hbm>> -> memref<512xf32, #tpu.memory_space<hbm>>
      %dma_wait3A_1178 = arith.constant 0 : i32
      %dma_wait3A_1179 = tpu.memref_slice %arg7[%dma_wait3A_1178] : memref<51200xf32, #tpu.memory_space<vmem>> -> memref<512xf32, #tpu.memory_space<vmem>>
      tpu.wait_dma2 semaphore(%arg8 : memref<!tpu.dma_semaphore, #tpu.memory_space<semaphore_mem>>) src(%dma_wait3A_1179 : memref<512xf32, #tpu.memory_space<vmem>>) dst(%dma_wait3A_1177 : memref<512xf32, #tpu.memory_space<hbm>>)
      %dma_wait3A_1180 = arith.constant 0 : i32
      %dma_wait3A_1181 = arith.constant 0 : i32
      %dma_wait3A_1182 = tpu.memref_slice %arg7[%dma_wait3A_1181] : memref<51200xf32, #tpu.memory_space<vmem>> -> memref<512xf32, #tpu.memory_space<vmem>>
      %dma_wait3A_1183 = arith.constant 0 : i32
      %dma_wait3A_1184 = tpu.memref_slice %arg4[%add3A, %dma_wait3A_1180, %dma_wait3A_1183] : memref<32x512x512xf32, #tpu.memory_space<hbm>> -> memref<1x1x512xf32, #tpu.memory_space<hbm>>
      %dma_wait3A_1185 = tpu.memref_squeeze %dma_wait3A_1184 : memref<1x1x512xf32, #tpu.memory_space<hbm>> -> memref<512xf32, #tpu.memory_space<hbm>>
      %dma_wait3A_1186 = arith.constant 0 : i32
      %dma_wait3A_1187 = tpu.memref_slice %arg4[%add3A, %dma_wait3A_1180, %dma_wait3A_1186] : memref<32x512x512xf32, #tpu.memory_space<hbm>> -> memref<1x1x512xf32, #tpu.memory_space<hbm>>
      %dma_wait3A_1188 = tpu.memref_squeeze %dma_wait3A_1187 : memref<1x1x512xf32, #tpu.memory_space<hbm>> -> memref<512xf32, #tpu.memory_space<hbm>>
      %dma_wait3A_1189 = arith.constant 0 : i32
      %dma_wait3A_1190 = tpu.memref_slice %arg7[%dma_wait3A_1189] : memref<51200xf32, #tpu.memory_space<vmem>> -> memref<512xf32, #tpu.memory_space<vmem>>
      tpu.wait_dma2 semaphore(%arg8 : memref<!tpu.dma_semaphore, #tpu.memory_space<semaphore_mem>>) src(%dma_wait3A_1190 : memref<512xf32, #tpu.memory_space<vmem>>) dst(%dma_wait3A_1188 : memref<512xf32, #tpu.memory_space<hbm>>)
      %dma_wait3A_1191 = arith.constant 0 : i32
      %dma_wait3A_1192 = arith.constant 0 : i32
      %dma_wait3A_1193 = tpu.memref_slice %arg7[%dma_wait3A_1192] : memref<51200xf32, #tpu.memory_space<vmem>> -> memref<512xf32, #tpu.memory_space<vmem>>
      %dma_wait3A_1194 = arith.constant 0 : i32
      %dma_wait3A_1195 = tpu.memref_slice %arg4[%add3A, %dma_wait3A_1191, %dma_wait3A_1194] : memref<32x512x512xf32, #tpu.memory_space<hbm>> -> memref<1x1x512xf32, #tpu.memory_space<hbm>>
      %dma_wait3A_1196 = tpu.memref_squeeze %dma_wait3A_1195 : memref<1x1x512xf32, #tpu.memory_space<hbm>> -> memref<512xf32, #tpu.memory_space<hbm>>
      %dma_wait3A_1197 = arith.constant 0 : i32
      %dma_wait3A_1198 = tpu.memref_slice %arg4[%add3A, %dma_wait3A_1191, %dma_wait3A_1197] : memref<32x512x512xf32, #tpu.memory_space<hbm>> -> memref<1x1x512xf32, #tpu.memory_space<hbm>>
      %dma_wait3A_1199 = tpu.memref_squeeze %dma_wait3A_1198 : memref<1x1x512xf32, #tpu.memory_space<hbm>> -> memref<512xf32, #tpu.memory_space<hbm>>
      %dma_wait3A_1200 = arith.constant 0 : i32
      %dma_wait3A_1201 = tpu.memref_slice %arg7[%dma_wait3A_1200] : memref<51200xf32, #tpu.memory_space<vmem>> -> memref<512xf32, #tpu.memory_space<vmem>>
      tpu.wait_dma2 semaphore(%arg8 : memref<!tpu.dma_semaphore, #tpu.memory_space<semaphore_mem>>) src(%dma_wait3A_1201 : memref<512xf32, #tpu.memory_space<vmem>>) dst(%dma_wait3A_1199 : memref<512xf32, #tpu.memory_space<hbm>>)
      %dma_wait3A_1202 = arith.constant 0 : i32
      %dma_wait3A_1203 = arith.constant 0 : i32
      %dma_wait3A_1204 = tpu.memref_slice %arg7[%dma_wait3A_1203] : memref<51200xf32, #tpu.memory_space<vmem>> -> memref<512xf32, #tpu.memory_space<vmem>>
      %dma_wait3A_1205 = arith.constant 0 : i32
      %dma_wait3A_1206 = tpu.memref_slice %arg4[%add3A, %dma_wait3A_1202, %dma_wait3A_1205] : memref<32x512x512xf32, #tpu.memory_space<hbm>> -> memref<1x1x512xf32, #tpu.memory_space<hbm>>
      %dma_wait3A_1207 = tpu.memref_squeeze %dma_wait3A_1206 : memref<1x1x512xf32, #tpu.memory_space<hbm>> -> memref<512xf32, #tpu.memory_space<hbm>>
      %dma_wait3A_1208 = arith.constant 0 : i32
      %dma_wait3A_1209 = tpu.memref_slice %arg4[%add3A, %dma_wait3A_1202, %dma_wait3A_1208] : memref<32x512x512xf32, #tpu.memory_space<hbm>> -> memref<1x1x512xf32, #tpu.memory_space<hbm>>
      %dma_wait3A_1210 = tpu.memref_squeeze %dma_wait3A_1209 : memref<1x1x512xf32, #tpu.memory_space<hbm>> -> memref<512xf32, #tpu.memory_space<hbm>>
      %dma_wait3A_1211 = arith.constant 0 : i32
      %dma_wait3A_1212 = tpu.memref_slice %arg7[%dma_wait3A_1211] : memref<51200xf32, #tpu.memory_space<vmem>> -> memref<512xf32, #tpu.memory_space<vmem>>
      tpu.wait_dma2 semaphore(%arg8 : memref<!tpu.dma_semaphore, #tpu.memory_space<semaphore_mem>>) src(%dma_wait3A_1212 : memref<512xf32, #tpu.memory_space<vmem>>) dst(%dma_wait3A_1210 : memref<512xf32, #tpu.memory_space<hbm>>)
      %dma_wait3A_1213 = arith.constant 0 : i32
      %dma_wait3A_1214 = arith.constant 0 : i32
      %dma_wait3A_1215 = tpu.memref_slice %arg7[%dma_wait3A_1214] : memref<51200xf32, #tpu.memory_space<vmem>> -> memref<512xf32, #tpu.memory_space<vmem>>
      %dma_wait3A_1216 = arith.constant 0 : i32
      %dma_wait3A_1217 = tpu.memref_slice %arg4[%add3A, %dma_wait3A_1213, %dma_wait3A_1216] : memref<32x512x512xf32, #tpu.memory_space<hbm>> -> memref<1x1x512xf32, #tpu.memory_space<hbm>>
      %dma_wait3A_1218 = tpu.memref_squeeze %dma_wait3A_1217 : memref<1x1x512xf32, #tpu.memory_space<hbm>> -> memref<512xf32, #tpu.memory_space<hbm>>
      %dma_wait3A_1219 = arith.constant 0 : i32
      %dma_wait3A_1220 = tpu.memref_slice %arg4[%add3A, %dma_wait3A_1213, %dma_wait3A_1219] : memref<32x512x512xf32, #tpu.memory_space<hbm>> -> memref<1x1x512xf32, #tpu.memory_space<hbm>>
      %dma_wait3A_1221 = tpu.memref_squeeze %dma_wait3A_1220 : memref<1x1x512xf32, #tpu.memory_space<hbm>> -> memref<512xf32, #tpu.memory_space<hbm>>
      %dma_wait3A_1222 = arith.constant 0 : i32
      %dma_wait3A_1223 = tpu.memref_slice %arg7[%dma_wait3A_1222] : memref<51200xf32, #tpu.memory_space<vmem>> -> memref<512xf32, #tpu.memory_space<vmem>>
      tpu.wait_dma2 semaphore(%arg8 : memref<!tpu.dma_semaphore, #tpu.memory_space<semaphore_mem>>) src(%dma_wait3A_1223 : memref<512xf32, #tpu.memory_space<vmem>>) dst(%dma_wait3A_1221 : memref<512xf32, #tpu.memory_space<hbm>>)
      %dma_wait3A_1224 = arith.constant 0 : i32
      %dma_wait3A_1225 = arith.constant 0 : i32
      %dma_wait3A_1226 = tpu.memref_slice %arg7[%dma_wait3A_1225] : memref<51200xf32, #tpu.memory_space<vmem>> -> memref<512xf32, #tpu.memory_space<vmem>>
      %dma_wait3A_1227 = arith.constant 0 : i32
      %dma_wait3A_1228 = tpu.memref_slice %arg4[%add3A, %dma_wait3A_1224, %dma_wait3A_1227] : memref<32x512x512xf32, #tpu.memory_space<hbm>> -> memref<1x1x512xf32, #tpu.memory_space<hbm>>
      %dma_wait3A_1229 = tpu.memref_squeeze %dma_wait3A_1228 : memref<1x1x512xf32, #tpu.memory_space<hbm>> -> memref<512xf32, #tpu.memory_space<hbm>>
      %dma_wait3A_1230 = arith.constant 0 : i32
      %dma_wait3A_1231 = tpu.memref_slice %arg4[%add3A, %dma_wait3A_1224, %dma_wait3A_1230] : memref<32x512x512xf32, #tpu.memory_space<hbm>> -> memref<1x1x512xf32, #tpu.memory_space<hbm>>
      %dma_wait3A_1232 = tpu.memref_squeeze %dma_wait3A_1231 : memref<1x1x512xf32, #tpu.memory_space<hbm>> -> memref<512xf32, #tpu.memory_space<hbm>>
      %dma_wait3A_1233 = arith.constant 0 : i32
      %dma_wait3A_1234 = tpu.memref_slice %arg7[%dma_wait3A_1233] : memref<51200xf32, #tpu.memory_space<vmem>> -> memref<512xf32, #tpu.memory_space<vmem>>
      tpu.wait_dma2 semaphore(%arg8 : memref<!tpu.dma_semaphore, #tpu.memory_space<semaphore_mem>>) src(%dma_wait3A_1234 : memref<512xf32, #tpu.memory_space<vmem>>) dst(%dma_wait3A_1232 : memref<512xf32, #tpu.memory_space<hbm>>)
      %dma_wait3A_1235 = arith.constant 0 : i32
      %dma_wait3A_1236 = arith.constant 0 : i32
      %dma_wait3A_1237 = tpu.memref_slice %arg7[%dma_wait3A_1236] : memref<51200xf32, #tpu.memory_space<vmem>> -> memref<512xf32, #tpu.memory_space<vmem>>
      %dma_wait3A_1238 = arith.constant 0 : i32
      %dma_wait3A_1239 = tpu.memref_slice %arg4[%add3A, %dma_wait3A_1235, %dma_wait3A_1238] : memref<32x512x512xf32, #tpu.memory_space<hbm>> -> memref<1x1x512xf32, #tpu.memory_space<hbm>>
      %dma_wait3A_1240 = tpu.memref_squeeze %dma_wait3A_1239 : memref<1x1x512xf32, #tpu.memory_space<hbm>> -> memref<512xf32, #tpu.memory_space<hbm>>
      %dma_wait3A_1241 = arith.constant 0 : i32
      %dma_wait3A_1242 = tpu.memref_slice %arg4[%add3A, %dma_wait3A_1235, %dma_wait3A_1241] : memref<32x512x512xf32, #tpu.memory_space<hbm>> -> memref<1x1x512xf32, #tpu.memory_space<hbm>>
      %dma_wait3A_1243 = tpu.memref_squeeze %dma_wait3A_1242 : memref<1x1x512xf32, #tpu.memory_space<hbm>> -> memref<512xf32, #tpu.memory_space<hbm>>
      %dma_wait3A_1244 = arith.constant 0 : i32
      %dma_wait3A_1245 = tpu.memref_slice %arg7[%dma_wait3A_1244] : memref<51200xf32, #tpu.memory_space<vmem>> -> memref<512xf32, #tpu.memory_space<vmem>>
      tpu.wait_dma2 semaphore(%arg8 : memref<!tpu.dma_semaphore, #tpu.memory_space<semaphore_mem>>) src(%dma_wait3A_1245 : memref<512xf32, #tpu.memory_space<vmem>>) dst(%dma_wait3A_1243 : memref<512xf32, #tpu.memory_space<hbm>>)
      %dma_wait3A_1246 = arith.constant 0 : i32
      %dma_wait3A_1247 = arith.constant 0 : i32
      %dma_wait3A_1248 = tpu.memref_slice %arg7[%dma_wait3A_1247] : memref<51200xf32, #tpu.memory_space<vmem>> -> memref<512xf32, #tpu.memory_space<vmem>>
      %dma_wait3A_1249 = arith.constant 0 : i32
      %dma_wait3A_1250 = tpu.memref_slice %arg4[%add3A, %dma_wait3A_1246, %dma_wait3A_1249] : memref<32x512x512xf32, #tpu.memory_space<hbm>> -> memref<1x1x512xf32, #tpu.memory_space<hbm>>
      %dma_wait3A_1251 = tpu.memref_squeeze %dma_wait3A_1250 : memref<1x1x512xf32, #tpu.memory_space<hbm>> -> memref<512xf32, #tpu.memory_space<hbm>>
      %dma_wait3A_1252 = arith.constant 0 : i32
      %dma_wait3A_1253 = tpu.memref_slice %arg4[%add3A, %dma_wait3A_1246, %dma_wait3A_1252] : memref<32x512x512xf32, #tpu.memory_space<hbm>> -> memref<1x1x512xf32, #tpu.memory_space<hbm>>
      %dma_wait3A_1254 = tpu.memref_squeeze %dma_wait3A_1253 : memref<1x1x512xf32, #tpu.memory_space<hbm>> -> memref<512xf32, #tpu.memory_space<hbm>>
      %dma_wait3A_1255 = arith.constant 0 : i32
      %dma_wait3A_1256 = tpu.memref_slice %arg7[%dma_wait3A_1255] : memref<51200xf32, #tpu.memory_space<vmem>> -> memref<512xf32, #tpu.memory_space<vmem>>
      tpu.wait_dma2 semaphore(%arg8 : memref<!tpu.dma_semaphore, #tpu.memory_space<semaphore_mem>>) src(%dma_wait3A_1256 : memref<512xf32, #tpu.memory_space<vmem>>) dst(%dma_wait3A_1254 : memref<512xf32, #tpu.memory_space<hbm>>)
      %dma_wait3A_1257 = arith.constant 0 : i32
      %dma_wait3A_1258 = arith.constant 0 : i32
      %dma_wait3A_1259 = tpu.memref_slice %arg7[%dma_wait3A_1258] : memref<51200xf32, #tpu.memory_space<vmem>> -> memref<512xf32, #tpu.memory_space<vmem>>
      %dma_wait3A_1260 = arith.constant 0 : i32
      %dma_wait3A_1261 = tpu.memref_slice %arg4[%add3A, %dma_wait3A_1257, %dma_wait3A_1260] : memref<32x512x512xf32, #tpu.memory_space<hbm>> -> memref<1x1x512xf32, #tpu.memory_space<hbm>>
      %dma_wait3A_1262 = tpu.memref_squeeze %dma_wait3A_1261 : memref<1x1x512xf32, #tpu.memory_space<hbm>> -> memref<512xf32, #tpu.memory_space<hbm>>
      %dma_wait3A_1263 = arith.constant 0 : i32
      %dma_wait3A_1264 = tpu.memref_slice %arg4[%add3A, %dma_wait3A_1257, %dma_wait3A_1263] : memref<32x512x512xf32, #tpu.memory_space<hbm>> -> memref<1x1x512xf32, #tpu.memory_space<hbm>>
      %dma_wait3A_1265 = tpu.memref_squeeze %dma_wait3A_1264 : memref<1x1x512xf32, #tpu.memory_space<hbm>> -> memref<512xf32, #tpu.memory_space<hbm>>
      %dma_wait3A_1266 = arith.constant 0 : i32
      %dma_wait3A_1267 = tpu.memref_slice %arg7[%dma_wait3A_1266] : memref<51200xf32, #tpu.memory_space<vmem>> -> memref<512xf32, #tpu.memory_space<vmem>>
      tpu.wait_dma2 semaphore(%arg8 : memref<!tpu.dma_semaphore, #tpu.memory_space<semaphore_mem>>) src(%dma_wait3A_1267 : memref<512xf32, #tpu.memory_space<vmem>>) dst(%dma_wait3A_1265 : memref<512xf32, #tpu.memory_space<hbm>>)
      %dma_wait3A_1268 = arith.constant 0 : i32
      %dma_wait3A_1269 = arith.constant 0 : i32
      %dma_wait3A_1270 = tpu.memref_slice %arg7[%dma_wait3A_1269] : memref<51200xf32, #tpu.memory_space<vmem>> -> memref<512xf32, #tpu.memory_space<vmem>>
      %dma_wait3A_1271 = arith.constant 0 : i32
      %dma_wait3A_1272 = tpu.memref_slice %arg4[%add3A, %dma_wait3A_1268, %dma_wait3A_1271] : memref<32x512x512xf32, #tpu.memory_space<hbm>> -> memref<1x1x512xf32, #tpu.memory_space<hbm>>
      %dma_wait3A_1273 = tpu.memref_squeeze %dma_wait3A_1272 : memref<1x1x512xf32, #tpu.memory_space<hbm>> -> memref<512xf32, #tpu.memory_space<hbm>>
      %dma_wait3A_1274 = arith.constant 0 : i32
      %dma_wait3A_1275 = tpu.memref_slice %arg4[%add3A, %dma_wait3A_1268, %dma_wait3A_1274] : memref<32x512x512xf32, #tpu.memory_space<hbm>> -> memref<1x1x512xf32, #tpu.memory_space<hbm>>
      %dma_wait3A_1276 = tpu.memref_squeeze %dma_wait3A_1275 : memref<1x1x512xf32, #tpu.memory_space<hbm>> -> memref<512xf32, #tpu.memory_space<hbm>>
      %dma_wait3A_1277 = arith.constant 0 : i32
      %dma_wait3A_1278 = tpu.memref_slice %arg7[%dma_wait3A_1277] : memref<51200xf32, #tpu.memory_space<vmem>> -> memref<512xf32, #tpu.memory_space<vmem>>
      tpu.wait_dma2 semaphore(%arg8 : memref<!tpu.dma_semaphore, #tpu.memory_space<semaphore_mem>>) src(%dma_wait3A_1278 : memref<512xf32, #tpu.memory_space<vmem>>) dst(%dma_wait3A_1276 : memref<512xf32, #tpu.memory_space<hbm>>)
      %scan3A_1279 = arith.constant 0 : i32
      scf.yield %scan3A_1279 : i32
    }
    %scan3A_488 = arith.constant 30 : i32
    %dma_wait3A = arith.constant 0 : i32
    %dma_wait3A_489 = arith.constant 0 : i32
    %dma_wait3A_490 = tpu.memref_slice %arg7[%dma_wait3A_489] : memref<51200xf32, #tpu.memory_space<vmem>> -> memref<512xf32, #tpu.memory_space<vmem>>
    %dma_wait3A_491 = arith.constant 0 : i32
    %dma_wait3A_492 = tpu.memref_slice %arg4[%add3A, %dma_wait3A, %dma_wait3A_491] : memref<32x512x512xf32, #tpu.memory_space<hbm>> -> memref<1x1x512xf32, #tpu.memory_space<hbm>>
    %dma_wait3A_493 = tpu.memref_squeeze %dma_wait3A_492 : memref<1x1x512xf32, #tpu.memory_space<hbm>> -> memref<512xf32, #tpu.memory_space<hbm>>
    %dma_wait3A_494 = arith.constant 0 : i32
    %dma_wait3A_495 = tpu.memref_slice %arg4[%add3A, %dma_wait3A, %dma_wait3A_494] : memref<32x512x512xf32, #tpu.memory_space<hbm>> -> memref<1x1x512xf32, #tpu.memory_space<hbm>>
    %dma_wait3A_496 = tpu.memref_squeeze %dma_wait3A_495 : memref<1x1x512xf32, #tpu.memory_space<hbm>> -> memref<512xf32, #tpu.memory_space<hbm>>
    %dma_wait3A_497 = arith.constant 0 : i32
    %dma_wait3A_498 = tpu.memref_slice %arg7[%dma_wait3A_497] : memref<51200xf32, #tpu.memory_space<vmem>> -> memref<512xf32, #tpu.memory_space<vmem>>
    tpu.wait_dma2 semaphore(%arg8 : memref<!tpu.dma_semaphore, #tpu.memory_space<semaphore_mem>>) src(%dma_wait3A_498 : memref<512xf32, #tpu.memory_space<vmem>>) dst(%dma_wait3A_496 : memref<512xf32, #tpu.memory_space<hbm>>)
    %dma_wait3A_499 = arith.constant 0 : i32
    %dma_wait3A_500 = arith.constant 0 : i32
    %dma_wait3A_501 = tpu.memref_slice %arg7[%dma_wait3A_500] : memref<51200xf32, #tpu.memory_space<vmem>> -> memref<512xf32, #tpu.memory_space<vmem>>
    %dma_wait3A_502 = arith.constant 0 : i32
    %dma_wait3A_503 = tpu.memref_slice %arg4[%add3A, %dma_wait3A_499, %dma_wait3A_502] : memref<32x512x512xf32, #tpu.memory_space<hbm>> -> memref<1x1x512xf32, #tpu.memory_space<hbm>>
    %dma_wait3A_504 = tpu.memref_squeeze %dma_wait3A_503 : memref<1x1x512xf32, #tpu.memory_space<hbm>> -> memref<512xf32, #tpu.memory_space<hbm>>
    %dma_wait3A_505 = arith.constant 0 : i32
    %dma_wait3A_506 = tpu.memref_slice %arg4[%add3A, %dma_wait3A_499, %dma_wait3A_505] : memref<32x512x512xf32, #tpu.memory_space<hbm>> -> memref<1x1x512xf32, #tpu.memory_space<hbm>>
    %dma_wait3A_507 = tpu.memref_squeeze %dma_wait3A_506 : memref<1x1x512xf32, #tpu.memory_space<hbm>> -> memref<512xf32, #tpu.memory_space<hbm>>
    %dma_wait3A_508 = arith.constant 0 : i32
    %dma_wait3A_509 = tpu.memref_slice %arg7[%dma_wait3A_508] : memref<51200xf32, #tpu.memory_space<vmem>> -> memref<512xf32, #tpu.memory_space<vmem>>
    tpu.wait_dma2 semaphore(%arg8 : memref<!tpu.dma_semaphore, #tpu.memory_space<semaphore_mem>>) src(%dma_wait3A_509 : memref<512xf32, #tpu.memory_space<vmem>>) dst(%dma_wait3A_507 : memref<512xf32, #tpu.memory_space<hbm>>)
    %dma_wait3A_510 = arith.constant 0 : i32
    %dma_wait3A_511 = arith.constant 0 : i32
    %dma_wait3A_512 = tpu.memref_slice %arg7[%dma_wait3A_511] : memref<51200xf32, #tpu.memory_space<vmem>> -> memref<512xf32, #tpu.memory_space<vmem>>
    %dma_wait3A_513 = arith.constant 0 : i32
    %dma_wait3A_514 = tpu.memref_slice %arg4[%add3A, %dma_wait3A_510, %dma_wait3A_513] : memref<32x512x512xf32, #tpu.memory_space<hbm>> -> memref<1x1x512xf32, #tpu.memory_space<hbm>>
    %dma_wait3A_515 = tpu.memref_squeeze %dma_wait3A_514 : memref<1x1x512xf32, #tpu.memory_space<hbm>> -> memref<512xf32, #tpu.memory_space<hbm>>
    %dma_wait3A_516 = arith.constant 0 : i32
    %dma_wait3A_517 = tpu.memref_slice %arg4[%add3A, %dma_wait3A_510, %dma_wait3A_516] : memref<32x512x512xf32, #tpu.memory_space<hbm>> -> memref<1x1x512xf32, #tpu.memory_space<hbm>>
    %dma_wait3A_518 = tpu.memref_squeeze %dma_wait3A_517 : memref<1x1x512xf32, #tpu.memory_space<hbm>> -> memref<512xf32, #tpu.memory_space<hbm>>
    %dma_wait3A_519 = arith.constant 0 : i32
    %dma_wait3A_520 = tpu.memref_slice %arg7[%dma_wait3A_519] : memref<51200xf32, #tpu.memory_space<vmem>> -> memref<512xf32, #tpu.memory_space<vmem>>
    tpu.wait_dma2 semaphore(%arg8 : memref<!tpu.dma_semaphore, #tpu.memory_space<semaphore_mem>>) src(%dma_wait3A_520 : memref<512xf32, #tpu.memory_space<vmem>>) dst(%dma_wait3A_518 : memref<512xf32, #tpu.memory_space<hbm>>)
    %dma_wait3A_521 = arith.constant 0 : i32
    %dma_wait3A_522 = arith.constant 0 : i32
    %dma_wait3A_523 = tpu.memref_slice %arg7[%dma_wait3A_522] : memref<51200xf32, #tpu.memory_space<vmem>> -> memref<512xf32, #tpu.memory_space<vmem>>
    %dma_wait3A_524 = arith.constant 0 : i32
    %dma_wait3A_525 = tpu.memref_slice %arg4[%add3A, %dma_wait3A_521, %dma_wait3A_524] : memref<32x512x512xf32, #tpu.memory_space<hbm>> -> memref<1x1x512xf32, #tpu.memory_space<hbm>>
    %dma_wait3A_526 = tpu.memref_squeeze %dma_wait3A_525 : memref<1x1x512xf32, #tpu.memory_space<hbm>> -> memref<512xf32, #tpu.memory_space<hbm>>
    %dma_wait3A_527 = arith.constant 0 : i32
    %dma_wait3A_528 = tpu.memref_slice %arg4[%add3A, %dma_wait3A_521, %dma_wait3A_527] : memref<32x512x512xf32, #tpu.memory_space<hbm>> -> memref<1x1x512xf32, #tpu.memory_space<hbm>>
    %dma_wait3A_529 = tpu.memref_squeeze %dma_wait3A_528 : memref<1x1x512xf32, #tpu.memory_space<hbm>> -> memref<512xf32, #tpu.memory_space<hbm>>
    %dma_wait3A_530 = arith.constant 0 : i32
    %dma_wait3A_531 = tpu.memref_slice %arg7[%dma_wait3A_530] : memref<51200xf32, #tpu.memory_space<vmem>> -> memref<512xf32, #tpu.memory_space<vmem>>
    tpu.wait_dma2 semaphore(%arg8 : memref<!tpu.dma_semaphore, #tpu.memory_space<semaphore_mem>>) src(%dma_wait3A_531 : memref<512xf32, #tpu.memory_space<vmem>>) dst(%dma_wait3A_529 : memref<512xf32, #tpu.memory_space<hbm>>)
    %dma_wait3A_532 = arith.constant 0 : i32
    %dma_wait3A_533 = arith.constant 0 : i32
    %dma_wait3A_534 = tpu.memref_slice %arg7[%dma_wait3A_533] : memref<51200xf32, #tpu.memory_space<vmem>> -> memref<512xf32, #tpu.memory_space<vmem>>
    %dma_wait3A_535 = arith.constant 0 : i32
    %dma_wait3A_536 = tpu.memref_slice %arg4[%add3A, %dma_wait3A_532, %dma_wait3A_535] : memref<32x512x512xf32, #tpu.memory_space<hbm>> -> memref<1x1x512xf32, #tpu.memory_space<hbm>>
    %dma_wait3A_537 = tpu.memref_squeeze %dma_wait3A_536 : memref<1x1x512xf32, #tpu.memory_space<hbm>> -> memref<512xf32, #tpu.memory_space<hbm>>
    %dma_wait3A_538 = arith.constant 0 : i32
    %dma_wait3A_539 = tpu.memref_slice %arg4[%add3A, %dma_wait3A_532, %dma_wait3A_538] : memref<32x512x512xf32, #tpu.memory_space<hbm>> -> memref<1x1x512xf32, #tpu.memory_space<hbm>>
    %dma_wait3A_540 = tpu.memref_squeeze %dma_wait3A_539 : memref<1x1x512xf32, #tpu.memory_space<hbm>> -> memref<512xf32, #tpu.memory_space<hbm>>
    %dma_wait3A_541 = arith.constant 0 : i32
    %dma_wait3A_542 = tpu.memref_slice %arg7[%dma_wait3A_541] : memref<51200xf32, #tpu.memory_space<vmem>> -> memref<512xf32, #tpu.memory_space<vmem>>
    tpu.wait_dma2 semaphore(%arg8 : memref<!tpu.dma_semaphore, #tpu.memory_space<semaphore_mem>>) src(%dma_wait3A_542 : memref<512xf32, #tpu.memory_space<vmem>>) dst(%dma_wait3A_540 : memref<512xf32, #tpu.memory_space<hbm>>)
    %dma_wait3A_543 = arith.constant 0 : i32
    %dma_wait3A_544 = arith.constant 0 : i32
    %dma_wait3A_545 = tpu.memref_slice %arg7[%dma_wait3A_544] : memref<51200xf32, #tpu.memory_space<vmem>> -> memref<512xf32, #tpu.memory_space<vmem>>
    %dma_wait3A_546 = arith.constant 0 : i32
    %dma_wait3A_547 = tpu.memref_slice %arg4[%add3A, %dma_wait3A_543, %dma_wait3A_546] : memref<32x512x512xf32, #tpu.memory_space<hbm>> -> memref<1x1x512xf32, #tpu.memory_space<hbm>>
    %dma_wait3A_548 = tpu.memref_squeeze %dma_wait3A_547 : memref<1x1x512xf32, #tpu.memory_space<hbm>> -> memref<512xf32, #tpu.memory_space<hbm>>
    %dma_wait3A_549 = arith.constant 0 : i32
    %dma_wait3A_550 = tpu.memref_slice %arg4[%add3A, %dma_wait3A_543, %dma_wait3A_549] : memref<32x512x512xf32, #tpu.memory_space<hbm>> -> memref<1x1x512xf32, #tpu.memory_space<hbm>>
    %dma_wait3A_551 = tpu.memref_squeeze %dma_wait3A_550 : memref<1x1x512xf32, #tpu.memory_space<hbm>> -> memref<512xf32, #tpu.memory_space<hbm>>
    %dma_wait3A_552 = arith.constant 0 : i32
    %dma_wait3A_553 = tpu.memref_slice %arg7[%dma_wait3A_552] : memref<51200xf32, #tpu.memory_space<vmem>> -> memref<512xf32, #tpu.memory_space<vmem>>
    tpu.wait_dma2 semaphore(%arg8 : memref<!tpu.dma_semaphore, #tpu.memory_space<semaphore_mem>>) src(%dma_wait3A_553 : memref<512xf32, #tpu.memory_space<vmem>>) dst(%dma_wait3A_551 : memref<512xf32, #tpu.memory_space<hbm>>)
    %dma_wait3A_554 = arith.constant 0 : i32
    %dma_wait3A_555 = arith.constant 0 : i32
    %dma_wait3A_556 = tpu.memref_slice %arg7[%dma_wait3A_555] : memref<51200xf32, #tpu.memory_space<vmem>> -> memref<512xf32, #tpu.memory_space<vmem>>
    %dma_wait3A_557 = arith.constant 0 : i32
    %dma_wait3A_558 = tpu.memref_slice %arg4[%add3A, %dma_wait3A_554, %dma_wait3A_557] : memref<32x512x512xf32, #tpu.memory_space<hbm>> -> memref<1x1x512xf32, #tpu.memory_space<hbm>>
    %dma_wait3A_559 = tpu.memref_squeeze %dma_wait3A_558 : memref<1x1x512xf32, #tpu.memory_space<hbm>> -> memref<512xf32, #tpu.memory_space<hbm>>
    %dma_wait3A_560 = arith.constant 0 : i32
    %dma_wait3A_561 = tpu.memref_slice %arg4[%add3A, %dma_wait3A_554, %dma_wait3A_560] : memref<32x512x512xf32, #tpu.memory_space<hbm>> -> memref<1x1x512xf32, #tpu.memory_space<hbm>>
    %dma_wait3A_562 = tpu.memref_squeeze %dma_wait3A_561 : memref<1x1x512xf32, #tpu.memory_space<hbm>> -> memref<512xf32, #tpu.memory_space<hbm>>
    %dma_wait3A_563 = arith.constant 0 : i32
    %dma_wait3A_564 = tpu.memref_slice %arg7[%dma_wait3A_563] : memref<51200xf32, #tpu.memory_space<vmem>> -> memref<512xf32, #tpu.memory_space<vmem>>
    tpu.wait_dma2 semaphore(%arg8 : memref<!tpu.dma_semaphore, #tpu.memory_space<semaphore_mem>>) src(%dma_wait3A_564 : memref<512xf32, #tpu.memory_space<vmem>>) dst(%dma_wait3A_562 : memref<512xf32, #tpu.memory_space<hbm>>)
    %dma_wait3A_565 = arith.constant 0 : i32
    %dma_wait3A_566 = arith.constant 0 : i32
    %dma_wait3A_567 = tpu.memref_slice %arg7[%dma_wait3A_566] : memref<51200xf32, #tpu.memory_space<vmem>> -> memref<512xf32, #tpu.memory_space<vmem>>
    %dma_wait3A_568 = arith.constant 0 : i32
    %dma_wait3A_569 = tpu.memref_slice %arg4[%add3A, %dma_wait3A_565, %dma_wait3A_568] : memref<32x512x512xf32, #tpu.memory_space<hbm>> -> memref<1x1x512xf32, #tpu.memory_space<hbm>>
    %dma_wait3A_570 = tpu.memref_squeeze %dma_wait3A_569 : memref<1x1x512xf32, #tpu.memory_space<hbm>> -> memref<512xf32, #tpu.memory_space<hbm>>
    %dma_wait3A_571 = arith.constant 0 : i32
    %dma_wait3A_572 = tpu.memref_slice %arg4[%add3A, %dma_wait3A_565, %dma_wait3A_571] : memref<32x512x512xf32, #tpu.memory_space<hbm>> -> memref<1x1x512xf32, #tpu.memory_space<hbm>>
    %dma_wait3A_573 = tpu.memref_squeeze %dma_wait3A_572 : memref<1x1x512xf32, #tpu.memory_space<hbm>> -> memref<512xf32, #tpu.memory_space<hbm>>
    %dma_wait3A_574 = arith.constant 0 : i32
    %dma_wait3A_575 = tpu.memref_slice %arg7[%dma_wait3A_574] : memref<51200xf32, #tpu.memory_space<vmem>> -> memref<512xf32, #tpu.memory_space<vmem>>
    tpu.wait_dma2 semaphore(%arg8 : memref<!tpu.dma_semaphore, #tpu.memory_space<semaphore_mem>>) src(%dma_wait3A_575 : memref<512xf32, #tpu.memory_space<vmem>>) dst(%dma_wait3A_573 : memref<512xf32, #tpu.memory_space<hbm>>)
    %dma_wait3A_576 = arith.constant 0 : i32
    %dma_wait3A_577 = arith.constant 0 : i32
    %dma_wait3A_578 = tpu.memref_slice %arg7[%dma_wait3A_577] : memref<51200xf32, #tpu.memory_space<vmem>> -> memref<512xf32, #tpu.memory_space<vmem>>
    %dma_wait3A_579 = arith.constant 0 : i32
    %dma_wait3A_580 = tpu.memref_slice %arg4[%add3A, %dma_wait3A_576, %dma_wait3A_579] : memref<32x512x512xf32, #tpu.memory_space<hbm>> -> memref<1x1x512xf32, #tpu.memory_space<hbm>>
    %dma_wait3A_581 = tpu.memref_squeeze %dma_wait3A_580 : memref<1x1x512xf32, #tpu.memory_space<hbm>> -> memref<512xf32, #tpu.memory_space<hbm>>
    %dma_wait3A_582 = arith.constant 0 : i32
    %dma_wait3A_583 = tpu.memref_slice %arg4[%add3A, %dma_wait3A_576, %dma_wait3A_582] : memref<32x512x512xf32, #tpu.memory_space<hbm>> -> memref<1x1x512xf32, #tpu.memory_space<hbm>>
    %dma_wait3A_584 = tpu.memref_squeeze %dma_wait3A_583 : memref<1x1x512xf32, #tpu.memory_space<hbm>> -> memref<512xf32, #tpu.memory_space<hbm>>
    %dma_wait3A_585 = arith.constant 0 : i32
    %dma_wait3A_586 = tpu.memref_slice %arg7[%dma_wait3A_585] : memref<51200xf32, #tpu.memory_space<vmem>> -> memref<512xf32, #tpu.memory_space<vmem>>
    tpu.wait_dma2 semaphore(%arg8 : memref<!tpu.dma_semaphore, #tpu.memory_space<semaphore_mem>>) src(%dma_wait3A_586 : memref<512xf32, #tpu.memory_space<vmem>>) dst(%dma_wait3A_584 : memref<512xf32, #tpu.memory_space<hbm>>)
    %dma_wait3A_587 = arith.constant 0 : i32
    %dma_wait3A_588 = arith.constant 0 : i32
    %dma_wait3A_589 = tpu.memref_slice %arg7[%dma_wait3A_588] : memref<51200xf32, #tpu.memory_space<vmem>> -> memref<512xf32, #tpu.memory_space<vmem>>
    %dma_wait3A_590 = arith.constant 0 : i32
    %dma_wait3A_591 = tpu.memref_slice %arg4[%add3A, %dma_wait3A_587, %dma_wait3A_590] : memref<32x512x512xf32, #tpu.memory_space<hbm>> -> memref<1x1x512xf32, #tpu.memory_space<hbm>>
    %dma_wait3A_592 = tpu.memref_squeeze %dma_wait3A_591 : memref<1x1x512xf32, #tpu.memory_space<hbm>> -> memref<512xf32, #tpu.memory_space<hbm>>
    %dma_wait3A_593 = arith.constant 0 : i32
    %dma_wait3A_594 = tpu.memref_slice %arg4[%add3A, %dma_wait3A_587, %dma_wait3A_593] : memref<32x512x512xf32, #tpu.memory_space<hbm>> -> memref<1x1x512xf32, #tpu.memory_space<hbm>>
    %dma_wait3A_595 = tpu.memref_squeeze %dma_wait3A_594 : memref<1x1x512xf32, #tpu.memory_space<hbm>> -> memref<512xf32, #tpu.memory_space<hbm>>
    %dma_wait3A_596 = arith.constant 0 : i32
    %dma_wait3A_597 = tpu.memref_slice %arg7[%dma_wait3A_596] : memref<51200xf32, #tpu.memory_space<vmem>> -> memref<512xf32, #tpu.memory_space<vmem>>
    tpu.wait_dma2 semaphore(%arg8 : memref<!tpu.dma_semaphore, #tpu.memory_space<semaphore_mem>>) src(%dma_wait3A_597 : memref<512xf32, #tpu.memory_space<vmem>>) dst(%dma_wait3A_595 : memref<512xf32, #tpu.memory_space<hbm>>)
    %dma_wait3A_598 = arith.constant 0 : i32
    %dma_wait3A_599 = arith.constant 0 : i32
    %dma_wait3A_600 = tpu.memref_slice %arg7[%dma_wait3A_599] : memref<51200xf32, #tpu.memory_space<vmem>> -> memref<512xf32, #tpu.memory_space<vmem>>
    %dma_wait3A_601 = arith.constant 0 : i32
    %dma_wait3A_602 = tpu.memref_slice %arg4[%add3A, %dma_wait3A_598, %dma_wait3A_601] : memref<32x512x512xf32, #tpu.memory_space<hbm>> -> memref<1x1x512xf32, #tpu.memory_space<hbm>>
    %dma_wait3A_603 = tpu.memref_squeeze %dma_wait3A_602 : memref<1x1x512xf32, #tpu.memory_space<hbm>> -> memref<512xf32, #tpu.memory_space<hbm>>
    %dma_wait3A_604 = arith.constant 0 : i32
    %dma_wait3A_605 = tpu.memref_slice %arg4[%add3A, %dma_wait3A_598, %dma_wait3A_604] : memref<32x512x512xf32, #tpu.memory_space<hbm>> -> memref<1x1x512xf32, #tpu.memory_space<hbm>>
    %dma_wait3A_606 = tpu.memref_squeeze %dma_wait3A_605 : memref<1x1x512xf32, #tpu.memory_space<hbm>> -> memref<512xf32, #tpu.memory_space<hbm>>
    %dma_wait3A_607 = arith.constant 0 : i32
    %dma_wait3A_608 = tpu.memref_slice %arg7[%dma_wait3A_607] : memref<51200xf32, #tpu.memory_space<vmem>> -> memref<512xf32, #tpu.memory_space<vmem>>
    tpu.wait_dma2 semaphore(%arg8 : memref<!tpu.dma_semaphore, #tpu.memory_space<semaphore_mem>>) src(%dma_wait3A_608 : memref<512xf32, #tpu.memory_space<vmem>>) dst(%dma_wait3A_606 : memref<512xf32, #tpu.memory_space<hbm>>)
    %dma_wait3A_609 = arith.constant 0 : i32
    %dma_wait3A_610 = arith.constant 0 : i32
    %dma_wait3A_611 = tpu.memref_slice %arg7[%dma_wait3A_610] : memref<51200xf32, #tpu.memory_space<vmem>> -> memref<512xf32, #tpu.memory_space<vmem>>
    %dma_wait3A_612 = arith.constant 0 : i32
    %dma_wait3A_613 = tpu.memref_slice %arg4[%add3A, %dma_wait3A_609, %dma_wait3A_612] : memref<32x512x512xf32, #tpu.memory_space<hbm>> -> memref<1x1x512xf32, #tpu.memory_space<hbm>>
    %dma_wait3A_614 = tpu.memref_squeeze %dma_wait3A_613 : memref<1x1x512xf32, #tpu.memory_space<hbm>> -> memref<512xf32, #tpu.memory_space<hbm>>
    %dma_wait3A_615 = arith.constant 0 : i32
    %dma_wait3A_616 = tpu.memref_slice %arg4[%add3A, %dma_wait3A_609, %dma_wait3A_615] : memref<32x512x512xf32, #tpu.memory_space<hbm>> -> memref<1x1x512xf32, #tpu.memory_space<hbm>>
    %dma_wait3A_617 = tpu.memref_squeeze %dma_wait3A_616 : memref<1x1x512xf32, #tpu.memory_space<hbm>> -> memref<512xf32, #tpu.memory_space<hbm>>
    %dma_wait3A_618 = arith.constant 0 : i32
    %dma_wait3A_619 = tpu.memref_slice %arg7[%dma_wait3A_618] : memref<51200xf32, #tpu.memory_space<vmem>> -> memref<512xf32, #tpu.memory_space<vmem>>
    tpu.wait_dma2 semaphore(%arg8 : memref<!tpu.dma_semaphore, #tpu.memory_space<semaphore_mem>>) src(%dma_wait3A_619 : memref<512xf32, #tpu.memory_space<vmem>>) dst(%dma_wait3A_617 : memref<512xf32, #tpu.memory_space<hbm>>)
    %dma_wait3A_620 = arith.constant 0 : i32
    %dma_wait3A_621 = arith.constant 0 : i32
    %dma_wait3A_622 = tpu.memref_slice %arg7[%dma_wait3A_621] : memref<51200xf32, #tpu.memory_space<vmem>> -> memref<512xf32, #tpu.memory_space<vmem>>
    %dma_wait3A_623 = arith.constant 0 : i32
    %dma_wait3A_624 = tpu.memref_slice %arg4[%add3A, %dma_wait3A_620, %dma_wait3A_623] : memref<32x512x512xf32, #tpu.memory_space<hbm>> -> memref<1x1x512xf32, #tpu.memory_space<hbm>>
    %dma_wait3A_625 = tpu.memref_squeeze %dma_wait3A_624 : memref<1x1x512xf32, #tpu.memory_space<hbm>> -> memref<512xf32, #tpu.memory_space<hbm>>
    %dma_wait3A_626 = arith.constant 0 : i32
    %dma_wait3A_627 = tpu.memref_slice %arg4[%add3A, %dma_wait3A_620, %dma_wait3A_626] : memref<32x512x512xf32, #tpu.memory_space<hbm>> -> memref<1x1x512xf32, #tpu.memory_space<hbm>>
    %dma_wait3A_628 = tpu.memref_squeeze %dma_wait3A_627 : memref<1x1x512xf32, #tpu.memory_space<hbm>> -> memref<512xf32, #tpu.memory_space<hbm>>
    %dma_wait3A_629 = arith.constant 0 : i32
    %dma_wait3A_630 = tpu.memref_slice %arg7[%dma_wait3A_629] : memref<51200xf32, #tpu.memory_space<vmem>> -> memref<512xf32, #tpu.memory_space<vmem>>
    tpu.wait_dma2 semaphore(%arg8 : memref<!tpu.dma_semaphore, #tpu.memory_space<semaphore_mem>>) src(%dma_wait3A_630 : memref<512xf32, #tpu.memory_space<vmem>>) dst(%dma_wait3A_628 : memref<512xf32, #tpu.memory_space<hbm>>)
    %dma_wait3A_631 = arith.constant 0 : i32
    %dma_wait3A_632 = arith.constant 0 : i32
    %dma_wait3A_633 = tpu.memref_slice %arg7[%dma_wait3A_632] : memref<51200xf32, #tpu.memory_space<vmem>> -> memref<512xf32, #tpu.memory_space<vmem>>
    %dma_wait3A_634 = arith.constant 0 : i32
    %dma_wait3A_635 = tpu.memref_slice %arg4[%add3A, %dma_wait3A_631, %dma_wait3A_634] : memref<32x512x512xf32, #tpu.memory_space<hbm>> -> memref<1x1x512xf32, #tpu.memory_space<hbm>>
    %dma_wait3A_636 = tpu.memref_squeeze %dma_wait3A_635 : memref<1x1x512xf32, #tpu.memory_space<hbm>> -> memref<512xf32, #tpu.memory_space<hbm>>
    %dma_wait3A_637 = arith.constant 0 : i32
    %dma_wait3A_638 = tpu.memref_slice %arg4[%add3A, %dma_wait3A_631, %dma_wait3A_637] : memref<32x512x512xf32, #tpu.memory_space<hbm>> -> memref<1x1x512xf32, #tpu.memory_space<hbm>>
    %dma_wait3A_639 = tpu.memref_squeeze %dma_wait3A_638 : memref<1x1x512xf32, #tpu.memory_space<hbm>> -> memref<512xf32, #tpu.memory_space<hbm>>
    %dma_wait3A_640 = arith.constant 0 : i32
    %dma_wait3A_641 = tpu.memref_slice %arg7[%dma_wait3A_640] : memref<51200xf32, #tpu.memory_space<vmem>> -> memref<512xf32, #tpu.memory_space<vmem>>
    tpu.wait_dma2 semaphore(%arg8 : memref<!tpu.dma_semaphore, #tpu.memory_space<semaphore_mem>>) src(%dma_wait3A_641 : memref<512xf32, #tpu.memory_space<vmem>>) dst(%dma_wait3A_639 : memref<512xf32, #tpu.memory_space<hbm>>)
    %dma_wait3A_642 = arith.constant 0 : i32
    %dma_wait3A_643 = arith.constant 0 : i32
    %dma_wait3A_644 = tpu.memref_slice %arg7[%dma_wait3A_643] : memref<51200xf32, #tpu.memory_space<vmem>> -> memref<512xf32, #tpu.memory_space<vmem>>
    %dma_wait3A_645 = arith.constant 0 : i32
    %dma_wait3A_646 = tpu.memref_slice %arg4[%add3A, %dma_wait3A_642, %dma_wait3A_645] : memref<32x512x512xf32, #tpu.memory_space<hbm>> -> memref<1x1x512xf32, #tpu.memory_space<hbm>>
    %dma_wait3A_647 = tpu.memref_squeeze %dma_wait3A_646 : memref<1x1x512xf32, #tpu.memory_space<hbm>> -> memref<512xf32, #tpu.memory_space<hbm>>
    %dma_wait3A_648 = arith.constant 0 : i32
    %dma_wait3A_649 = tpu.memref_slice %arg4[%add3A, %dma_wait3A_642, %dma_wait3A_648] : memref<32x512x512xf32, #tpu.memory_space<hbm>> -> memref<1x1x512xf32, #tpu.memory_space<hbm>>
    %dma_wait3A_650 = tpu.memref_squeeze %dma_wait3A_649 : memref<1x1x512xf32, #tpu.memory_space<hbm>> -> memref<512xf32, #tpu.memory_space<hbm>>
    %dma_wait3A_651 = arith.constant 0 : i32
    %dma_wait3A_652 = tpu.memref_slice %arg7[%dma_wait3A_651] : memref<51200xf32, #tpu.memory_space<vmem>> -> memref<512xf32, #tpu.memory_space<vmem>>
    tpu.wait_dma2 semaphore(%arg8 : memref<!tpu.dma_semaphore, #tpu.memory_space<semaphore_mem>>) src(%dma_wait3A_652 : memref<512xf32, #tpu.memory_space<vmem>>) dst(%dma_wait3A_650 : memref<512xf32, #tpu.memory_space<hbm>>)
    %dma_wait3A_653 = arith.constant 0 : i32
    %dma_wait3A_654 = arith.constant 0 : i32
    %dma_wait3A_655 = tpu.memref_slice %arg7[%dma_wait3A_654] : memref<51200xf32, #tpu.memory_space<vmem>> -> memref<512xf32, #tpu.memory_space<vmem>>
    %dma_wait3A_656 = arith.constant 0 : i32
    %dma_wait3A_657 = tpu.memref_slice %arg4[%add3A, %dma_wait3A_653, %dma_wait3A_656] : memref<32x512x512xf32, #tpu.memory_space<hbm>> -> memref<1x1x512xf32, #tpu.memory_space<hbm>>
    %dma_wait3A_658 = tpu.memref_squeeze %dma_wait3A_657 : memref<1x1x512xf32, #tpu.memory_space<hbm>> -> memref<512xf32, #tpu.memory_space<hbm>>
    %dma_wait3A_659 = arith.constant 0 : i32
    %dma_wait3A_660 = tpu.memref_slice %arg4[%add3A, %dma_wait3A_653, %dma_wait3A_659] : memref<32x512x512xf32, #tpu.memory_space<hbm>> -> memref<1x1x512xf32, #tpu.memory_space<hbm>>
    %dma_wait3A_661 = tpu.memref_squeeze %dma_wait3A_660 : memref<1x1x512xf32, #tpu.memory_space<hbm>> -> memref<512xf32, #tpu.memory_space<hbm>>
    %dma_wait3A_662 = arith.constant 0 : i32
    %dma_wait3A_663 = tpu.memref_slice %arg7[%dma_wait3A_662] : memref<51200xf32, #tpu.memory_space<vmem>> -> memref<512xf32, #tpu.memory_space<vmem>>
    tpu.wait_dma2 semaphore(%arg8 : memref<!tpu.dma_semaphore, #tpu.memory_space<semaphore_mem>>) src(%dma_wait3A_663 : memref<512xf32, #tpu.memory_space<vmem>>) dst(%dma_wait3A_661 : memref<512xf32, #tpu.memory_space<hbm>>)
    %dma_wait3A_664 = arith.constant 0 : i32
    %dma_wait3A_665 = arith.constant 0 : i32
    %dma_wait3A_666 = tpu.memref_slice %arg7[%dma_wait3A_665] : memref<51200xf32, #tpu.memory_space<vmem>> -> memref<512xf32, #tpu.memory_space<vmem>>
    %dma_wait3A_667 = arith.constant 0 : i32
    %dma_wait3A_668 = tpu.memref_slice %arg4[%add3A, %dma_wait3A_664, %dma_wait3A_667] : memref<32x512x512xf32, #tpu.memory_space<hbm>> -> memref<1x1x512xf32, #tpu.memory_space<hbm>>
    %dma_wait3A_669 = tpu.memref_squeeze %dma_wait3A_668 : memref<1x1x512xf32, #tpu.memory_space<hbm>> -> memref<512xf32, #tpu.memory_space<hbm>>
    %dma_wait3A_670 = arith.constant 0 : i32
    %dma_wait3A_671 = tpu.memref_slice %arg4[%add3A, %dma_wait3A_664, %dma_wait3A_670] : memref<32x512x512xf32, #tpu.memory_space<hbm>> -> memref<1x1x512xf32, #tpu.memory_space<hbm>>
    %dma_wait3A_672 = tpu.memref_squeeze %dma_wait3A_671 : memref<1x1x512xf32, #tpu.memory_space<hbm>> -> memref<512xf32, #tpu.memory_space<hbm>>
    %dma_wait3A_673 = arith.constant 0 : i32
    %dma_wait3A_674 = tpu.memref_slice %arg7[%dma_wait3A_673] : memref<51200xf32, #tpu.memory_space<vmem>> -> memref<512xf32, #tpu.memory_space<vmem>>
    tpu.wait_dma2 semaphore(%arg8 : memref<!tpu.dma_semaphore, #tpu.memory_space<semaphore_mem>>) src(%dma_wait3A_674 : memref<512xf32, #tpu.memory_space<vmem>>) dst(%dma_wait3A_672 : memref<512xf32, #tpu.memory_space<hbm>>)
    %dma_wait3A_675 = arith.constant 0 : i32
    %dma_wait3A_676 = arith.constant 0 : i32
    %dma_wait3A_677 = tpu.memref_slice %arg7[%dma_wait3A_676] : memref<51200xf32, #tpu.memory_space<vmem>> -> memref<512xf32, #tpu.memory_space<vmem>>
    %dma_wait3A_678 = arith.constant 0 : i32
    %dma_wait3A_679 = tpu.memref_slice %arg4[%add3A, %dma_wait3A_675, %dma_wait3A_678] : memref<32x512x512xf32, #tpu.memory_space<hbm>> -> memref<1x1x512xf32, #tpu.memory_space<hbm>>
    %dma_wait3A_680 = tpu.memref_squeeze %dma_wait3A_679 : memref<1x1x512xf32, #tpu.memory_space<hbm>> -> memref<512xf32, #tpu.memory_space<hbm>>
    %dma_wait3A_681 = arith.constant 0 : i32
    %dma_wait3A_682 = tpu.memref_slice %arg4[%add3A, %dma_wait3A_675, %dma_wait3A_681] : memref<32x512x512xf32, #tpu.memory_space<hbm>> -> memref<1x1x512xf32, #tpu.memory_space<hbm>>
    %dma_wait3A_683 = tpu.memref_squeeze %dma_wait3A_682 : memref<1x1x512xf32, #tpu.memory_space<hbm>> -> memref<512xf32, #tpu.memory_space<hbm>>
    %dma_wait3A_684 = arith.constant 0 : i32
    %dma_wait3A_685 = tpu.memref_slice %arg7[%dma_wait3A_684] : memref<51200xf32, #tpu.memory_space<vmem>> -> memref<512xf32, #tpu.memory_space<vmem>>
    tpu.wait_dma2 semaphore(%arg8 : memref<!tpu.dma_semaphore, #tpu.memory_space<semaphore_mem>>) src(%dma_wait3A_685 : memref<512xf32, #tpu.memory_space<vmem>>) dst(%dma_wait3A_683 : memref<512xf32, #tpu.memory_space<hbm>>)
    %dma_wait3A_686 = arith.constant 0 : i32
    %dma_wait3A_687 = arith.constant 0 : i32
    %dma_wait3A_688 = tpu.memref_slice %arg7[%dma_wait3A_687] : memref<51200xf32, #tpu.memory_space<vmem>> -> memref<512xf32, #tpu.memory_space<vmem>>
    %dma_wait3A_689 = arith.constant 0 : i32
    %dma_wait3A_690 = tpu.memref_slice %arg4[%add3A, %dma_wait3A_686, %dma_wait3A_689] : memref<32x512x512xf32, #tpu.memory_space<hbm>> -> memref<1x1x512xf32, #tpu.memory_space<hbm>>
    %dma_wait3A_691 = tpu.memref_squeeze %dma_wait3A_690 : memref<1x1x512xf32, #tpu.memory_space<hbm>> -> memref<512xf32, #tpu.memory_space<hbm>>
    %dma_wait3A_692 = arith.constant 0 : i32
    %dma_wait3A_693 = tpu.memref_slice %arg4[%add3A, %dma_wait3A_686, %dma_wait3A_692] : memref<32x512x512xf32, #tpu.memory_space<hbm>> -> memref<1x1x512xf32, #tpu.memory_space<hbm>>
    %dma_wait3A_694 = tpu.memref_squeeze %dma_wait3A_693 : memref<1x1x512xf32, #tpu.memory_space<hbm>> -> memref<512xf32, #tpu.memory_space<hbm>>
    %dma_wait3A_695 = arith.constant 0 : i32
    %dma_wait3A_696 = tpu.memref_slice %arg7[%dma_wait3A_695] : memref<51200xf32, #tpu.memory_space<vmem>> -> memref<512xf32, #tpu.memory_space<vmem>>
    tpu.wait_dma2 semaphore(%arg8 : memref<!tpu.dma_semaphore, #tpu.memory_space<semaphore_mem>>) src(%dma_wait3A_696 : memref<512xf32, #tpu.memory_space<vmem>>) dst(%dma_wait3A_694 : memref<512xf32, #tpu.memory_space<hbm>>)
    %dma_wait3A_697 = arith.constant 0 : i32
    %dma_wait3A_698 = arith.constant 0 : i32
    %dma_wait3A_699 = tpu.memref_slice %arg7[%dma_wait3A_698] : memref<51200xf32, #tpu.memory_space<vmem>> -> memref<512xf32, #tpu.memory_space<vmem>>
    %dma_wait3A_700 = arith.constant 0 : i32
    %dma_wait3A_701 = tpu.memref_slice %arg4[%add3A, %dma_wait3A_697, %dma_wait3A_700] : memref<32x512x512xf32, #tpu.memory_space<hbm>> -> memref<1x1x512xf32, #tpu.memory_space<hbm>>
    %dma_wait3A_702 = tpu.memref_squeeze %dma_wait3A_701 : memref<1x1x512xf32, #tpu.memory_space<hbm>> -> memref<512xf32, #tpu.memory_space<hbm>>
    %dma_wait3A_703 = arith.constant 0 : i32
    %dma_wait3A_704 = tpu.memref_slice %arg4[%add3A, %dma_wait3A_697, %dma_wait3A_703] : memref<32x512x512xf32, #tpu.memory_space<hbm>> -> memref<1x1x512xf32, #tpu.memory_space<hbm>>
    %dma_wait3A_705 = tpu.memref_squeeze %dma_wait3A_704 : memref<1x1x512xf32, #tpu.memory_space<hbm>> -> memref<512xf32, #tpu.memory_space<hbm>>
    %dma_wait3A_706 = arith.constant 0 : i32
    %dma_wait3A_707 = tpu.memref_slice %arg7[%dma_wait3A_706] : memref<51200xf32, #tpu.memory_space<vmem>> -> memref<512xf32, #tpu.memory_space<vmem>>
    tpu.wait_dma2 semaphore(%arg8 : memref<!tpu.dma_semaphore, #tpu.memory_space<semaphore_mem>>) src(%dma_wait3A_707 : memref<512xf32, #tpu.memory_space<vmem>>) dst(%dma_wait3A_705 : memref<512xf32, #tpu.memory_space<hbm>>)
    %dma_wait3A_708 = arith.constant 0 : i32
    %dma_wait3A_709 = arith.constant 0 : i32
    %dma_wait3A_710 = tpu.memref_slice %arg7[%dma_wait3A_709] : memref<51200xf32, #tpu.memory_space<vmem>> -> memref<512xf32, #tpu.memory_space<vmem>>
    %dma_wait3A_711 = arith.constant 0 : i32
    %dma_wait3A_712 = tpu.memref_slice %arg4[%add3A, %dma_wait3A_708, %dma_wait3A_711] : memref<32x512x512xf32, #tpu.memory_space<hbm>> -> memref<1x1x512xf32, #tpu.memory_space<hbm>>
    %dma_wait3A_713 = tpu.memref_squeeze %dma_wait3A_712 : memref<1x1x512xf32, #tpu.memory_space<hbm>> -> memref<512xf32, #tpu.memory_space<hbm>>
    %dma_wait3A_714 = arith.constant 0 : i32
    %dma_wait3A_715 = tpu.memref_slice %arg4[%add3A, %dma_wait3A_708, %dma_wait3A_714] : memref<32x512x512xf32, #tpu.memory_space<hbm>> -> memref<1x1x512xf32, #tpu.memory_space<hbm>>
    %dma_wait3A_716 = tpu.memref_squeeze %dma_wait3A_715 : memref<1x1x512xf32, #tpu.memory_space<hbm>> -> memref<512xf32, #tpu.memory_space<hbm>>
    %dma_wait3A_717 = arith.constant 0 : i32
    %dma_wait3A_718 = tpu.memref_slice %arg7[%dma_wait3A_717] : memref<51200xf32, #tpu.memory_space<vmem>> -> memref<512xf32, #tpu.memory_space<vmem>>
    tpu.wait_dma2 semaphore(%arg8 : memref<!tpu.dma_semaphore, #tpu.memory_space<semaphore_mem>>) src(%dma_wait3A_718 : memref<512xf32, #tpu.memory_space<vmem>>) dst(%dma_wait3A_716 : memref<512xf32, #tpu.memory_space<hbm>>)
    %dma_wait3A_719 = arith.constant 0 : i32
    %dma_wait3A_720 = arith.constant 0 : i32
    %dma_wait3A_721 = tpu.memref_slice %arg7[%dma_wait3A_720] : memref<51200xf32, #tpu.memory_space<vmem>> -> memref<512xf32, #tpu.memory_space<vmem>>
    %dma_wait3A_722 = arith.constant 0 : i32
    %dma_wait3A_723 = tpu.memref_slice %arg4[%add3A, %dma_wait3A_719, %dma_wait3A_722] : memref<32x512x512xf32, #tpu.memory_space<hbm>> -> memref<1x1x512xf32, #tpu.memory_space<hbm>>
    %dma_wait3A_724 = tpu.memref_squeeze %dma_wait3A_723 : memref<1x1x512xf32, #tpu.memory_space<hbm>> -> memref<512xf32, #tpu.memory_space<hbm>>
    %dma_wait3A_725 = arith.constant 0 : i32
    %dma_wait3A_726 = tpu.memref_slice %arg4[%add3A, %dma_wait3A_719, %dma_wait3A_725] : memref<32x512x512xf32, #tpu.memory_space<hbm>> -> memref<1x1x512xf32, #tpu.memory_space<hbm>>
    %dma_wait3A_727 = tpu.memref_squeeze %dma_wait3A_726 : memref<1x1x512xf32, #tpu.memory_space<hbm>> -> memref<512xf32, #tpu.memory_space<hbm>>
    %dma_wait3A_728 = arith.constant 0 : i32
    %dma_wait3A_729 = tpu.memref_slice %arg7[%dma_wait3A_728] : memref<51200xf32, #tpu.memory_space<vmem>> -> memref<512xf32, #tpu.memory_space<vmem>>
    tpu.wait_dma2 semaphore(%arg8 : memref<!tpu.dma_semaphore, #tpu.memory_space<semaphore_mem>>) src(%dma_wait3A_729 : memref<512xf32, #tpu.memory_space<vmem>>) dst(%dma_wait3A_727 : memref<512xf32, #tpu.memory_space<hbm>>)
    %dma_wait3A_730 = arith.constant 0 : i32
    %dma_wait3A_731 = arith.constant 0 : i32
    %dma_wait3A_732 = tpu.memref_slice %arg7[%dma_wait3A_731] : memref<51200xf32, #tpu.memory_space<vmem>> -> memref<512xf32, #tpu.memory_space<vmem>>
    %dma_wait3A_733 = arith.constant 0 : i32
    %dma_wait3A_734 = tpu.memref_slice %arg4[%add3A, %dma_wait3A_730, %dma_wait3A_733] : memref<32x512x512xf32, #tpu.memory_space<hbm>> -> memref<1x1x512xf32, #tpu.memory_space<hbm>>
    %dma_wait3A_735 = tpu.memref_squeeze %dma_wait3A_734 : memref<1x1x512xf32, #tpu.memory_space<hbm>> -> memref<512xf32, #tpu.memory_space<hbm>>
    %dma_wait3A_736 = arith.constant 0 : i32
    %dma_wait3A_737 = tpu.memref_slice %arg4[%add3A, %dma_wait3A_730, %dma_wait3A_736] : memref<32x512x512xf32, #tpu.memory_space<hbm>> -> memref<1x1x512xf32, #tpu.memory_space<hbm>>
    %dma_wait3A_738 = tpu.memref_squeeze %dma_wait3A_737 : memref<1x1x512xf32, #tpu.memory_space<hbm>> -> memref<512xf32, #tpu.memory_space<hbm>>
    %dma_wait3A_739 = arith.constant 0 : i32
    %dma_wait3A_740 = tpu.memref_slice %arg7[%dma_wait3A_739] : memref<51200xf32, #tpu.memory_space<vmem>> -> memref<512xf32, #tpu.memory_space<vmem>>
    tpu.wait_dma2 semaphore(%arg8 : memref<!tpu.dma_semaphore, #tpu.memory_space<semaphore_mem>>) src(%dma_wait3A_740 : memref<512xf32, #tpu.memory_space<vmem>>) dst(%dma_wait3A_738 : memref<512xf32, #tpu.memory_space<hbm>>)
    %dma_wait3A_741 = arith.constant 0 : i32
    %dma_wait3A_742 = arith.constant 0 : i32
    %dma_wait3A_743 = tpu.memref_slice %arg7[%dma_wait3A_742] : memref<51200xf32, #tpu.memory_space<vmem>> -> memref<512xf32, #tpu.memory_space<vmem>>
    %dma_wait3A_744 = arith.constant 0 : i32
    %dma_wait3A_745 = tpu.memref_slice %arg4[%add3A, %dma_wait3A_741, %dma_wait3A_744] : memref<32x512x512xf32, #tpu.memory_space<hbm>> -> memref<1x1x512xf32, #tpu.memory_space<hbm>>
    %dma_wait3A_746 = tpu.memref_squeeze %dma_wait3A_745 : memref<1x1x512xf32, #tpu.memory_space<hbm>> -> memref<512xf32, #tpu.memory_space<hbm>>
    %dma_wait3A_747 = arith.constant 0 : i32
    %dma_wait3A_748 = tpu.memref_slice %arg4[%add3A, %dma_wait3A_741, %dma_wait3A_747] : memref<32x512x512xf32, #tpu.memory_space<hbm>> -> memref<1x1x512xf32, #tpu.memory_space<hbm>>
    %dma_wait3A_749 = tpu.memref_squeeze %dma_wait3A_748 : memref<1x1x512xf32, #tpu.memory_space<hbm>> -> memref<512xf32, #tpu.memory_space<hbm>>
    %dma_wait3A_750 = arith.constant 0 : i32
    %dma_wait3A_751 = tpu.memref_slice %arg7[%dma_wait3A_750] : memref<51200xf32, #tpu.memory_space<vmem>> -> memref<512xf32, #tpu.memory_space<vmem>>
    tpu.wait_dma2 semaphore(%arg8 : memref<!tpu.dma_semaphore, #tpu.memory_space<semaphore_mem>>) src(%dma_wait3A_751 : memref<512xf32, #tpu.memory_space<vmem>>) dst(%dma_wait3A_749 : memref<512xf32, #tpu.memory_space<hbm>>)
    %dma_wait3A_752 = arith.constant 0 : i32
    %dma_wait3A_753 = arith.constant 0 : i32
    %dma_wait3A_754 = tpu.memref_slice %arg7[%dma_wait3A_753] : memref<51200xf32, #tpu.memory_space<vmem>> -> memref<512xf32, #tpu.memory_space<vmem>>
    %dma_wait3A_755 = arith.constant 0 : i32
    %dma_wait3A_756 = tpu.memref_slice %arg4[%add3A, %dma_wait3A_752, %dma_wait3A_755] : memref<32x512x512xf32, #tpu.memory_space<hbm>> -> memref<1x1x512xf32, #tpu.memory_space<hbm>>
    %dma_wait3A_757 = tpu.memref_squeeze %dma_wait3A_756 : memref<1x1x512xf32, #tpu.memory_space<hbm>> -> memref<512xf32, #tpu.memory_space<hbm>>
    %dma_wait3A_758 = arith.constant 0 : i32
    %dma_wait3A_759 = tpu.memref_slice %arg4[%add3A, %dma_wait3A_752, %dma_wait3A_758] : memref<32x512x512xf32, #tpu.memory_space<hbm>> -> memref<1x1x512xf32, #tpu.memory_space<hbm>>
    %dma_wait3A_760 = tpu.memref_squeeze %dma_wait3A_759 : memref<1x1x512xf32, #tpu.memory_space<hbm>> -> memref<512xf32, #tpu.memory_space<hbm>>
    %dma_wait3A_761 = arith.constant 0 : i32
    %dma_wait3A_762 = tpu.memref_slice %arg7[%dma_wait3A_761] : memref<51200xf32, #tpu.memory_space<vmem>> -> memref<512xf32, #tpu.memory_space<vmem>>
    tpu.wait_dma2 semaphore(%arg8 : memref<!tpu.dma_semaphore, #tpu.memory_space<semaphore_mem>>) src(%dma_wait3A_762 : memref<512xf32, #tpu.memory_space<vmem>>) dst(%dma_wait3A_760 : memref<512xf32, #tpu.memory_space<hbm>>)
    %dma_wait3A_763 = arith.constant 0 : i32
    %dma_wait3A_764 = arith.constant 0 : i32
    %dma_wait3A_765 = tpu.memref_slice %arg7[%dma_wait3A_764] : memref<51200xf32, #tpu.memory_space<vmem>> -> memref<512xf32, #tpu.memory_space<vmem>>
    %dma_wait3A_766 = arith.constant 0 : i32
    %dma_wait3A_767 = tpu.memref_slice %arg4[%add3A, %dma_wait3A_763, %dma_wait3A_766] : memref<32x512x512xf32, #tpu.memory_space<hbm>> -> memref<1x1x512xf32, #tpu.memory_space<hbm>>
    %dma_wait3A_768 = tpu.memref_squeeze %dma_wait3A_767 : memref<1x1x512xf32, #tpu.memory_space<hbm>> -> memref<512xf32, #tpu.memory_space<hbm>>
    %dma_wait3A_769 = arith.constant 0 : i32
    %dma_wait3A_770 = tpu.memref_slice %arg4[%add3A, %dma_wait3A_763, %dma_wait3A_769] : memref<32x512x512xf32, #tpu.memory_space<hbm>> -> memref<1x1x512xf32, #tpu.memory_space<hbm>>
    %dma_wait3A_771 = tpu.memref_squeeze %dma_wait3A_770 : memref<1x1x512xf32, #tpu.memory_space<hbm>> -> memref<512xf32, #tpu.memory_space<hbm>>
    %dma_wait3A_772 = arith.constant 0 : i32
    %dma_wait3A_773 = tpu.memref_slice %arg7[%dma_wait3A_772] : memref<51200xf32, #tpu.memory_space<vmem>> -> memref<512xf32, #tpu.memory_space<vmem>>
    tpu.wait_dma2 semaphore(%arg8 : memref<!tpu.dma_semaphore, #tpu.memory_space<semaphore_mem>>) src(%dma_wait3A_773 : memref<512xf32, #tpu.memory_space<vmem>>) dst(%dma_wait3A_771 : memref<512xf32, #tpu.memory_space<hbm>>)
    %dma_wait3A_774 = arith.constant 0 : i32
    %dma_wait3A_775 = arith.constant 0 : i32
    %dma_wait3A_776 = tpu.memref_slice %arg7[%dma_wait3A_775] : memref<51200xf32, #tpu.memory_space<vmem>> -> memref<512xf32, #tpu.memory_space<vmem>>
    %dma_wait3A_777 = arith.constant 0 : i32
    %dma_wait3A_778 = tpu.memref_slice %arg4[%add3A, %dma_wait3A_774, %dma_wait3A_777] : memref<32x512x512xf32, #tpu.memory_space<hbm>> -> memref<1x1x512xf32, #tpu.memory_space<hbm>>
    %dma_wait3A_779 = tpu.memref_squeeze %dma_wait3A_778 : memref<1x1x512xf32, #tpu.memory_space<hbm>> -> memref<512xf32, #tpu.memory_space<hbm>>
    %dma_wait3A_780 = arith.constant 0 : i32
    %dma_wait3A_781 = tpu.memref_slice %arg4[%add3A, %dma_wait3A_774, %dma_wait3A_780] : memref<32x512x512xf32, #tpu.memory_space<hbm>> -> memref<1x1x512xf32, #tpu.memory_space<hbm>>
    %dma_wait3A_782 = tpu.memref_squeeze %dma_wait3A_781 : memref<1x1x512xf32, #tpu.memory_space<hbm>> -> memref<512xf32, #tpu.memory_space<hbm>>
    %dma_wait3A_783 = arith.constant 0 : i32
    %dma_wait3A_784 = tpu.memref_slice %arg7[%dma_wait3A_783] : memref<51200xf32, #tpu.memory_space<vmem>> -> memref<512xf32, #tpu.memory_space<vmem>>
    tpu.wait_dma2 semaphore(%arg8 : memref<!tpu.dma_semaphore, #tpu.memory_space<semaphore_mem>>) src(%dma_wait3A_784 : memref<512xf32, #tpu.memory_space<vmem>>) dst(%dma_wait3A_782 : memref<512xf32, #tpu.memory_space<hbm>>)
    %dma_wait3A_785 = arith.constant 0 : i32
    %dma_wait3A_786 = arith.constant 0 : i32
    %dma_wait3A_787 = tpu.memref_slice %arg7[%dma_wait3A_786] : memref<51200xf32, #tpu.memory_space<vmem>> -> memref<512xf32, #tpu.memory_space<vmem>>
    %dma_wait3A_788 = arith.constant 0 : i32
    %dma_wait3A_789 = tpu.memref_slice %arg4[%add3A, %dma_wait3A_785, %dma_wait3A_788] : memref<32x512x512xf32, #tpu.memory_space<hbm>> -> memref<1x1x512xf32, #tpu.memory_space<hbm>>
    %dma_wait3A_790 = tpu.memref_squeeze %dma_wait3A_789 : memref<1x1x512xf32, #tpu.memory_space<hbm>> -> memref<512xf32, #tpu.memory_space<hbm>>
    %dma_wait3A_791 = arith.constant 0 : i32
    %dma_wait3A_792 = tpu.memref_slice %arg4[%add3A, %dma_wait3A_785, %dma_wait3A_791] : memref<32x512x512xf32, #tpu.memory_space<hbm>> -> memref<1x1x512xf32, #tpu.memory_space<hbm>>
    %dma_wait3A_793 = tpu.memref_squeeze %dma_wait3A_792 : memref<1x1x512xf32, #tpu.memory_space<hbm>> -> memref<512xf32, #tpu.memory_space<hbm>>
    %dma_wait3A_794 = arith.constant 0 : i32
    %dma_wait3A_795 = tpu.memref_slice %arg7[%dma_wait3A_794] : memref<51200xf32, #tpu.memory_space<vmem>> -> memref<512xf32, #tpu.memory_space<vmem>>
    tpu.wait_dma2 semaphore(%arg8 : memref<!tpu.dma_semaphore, #tpu.memory_space<semaphore_mem>>) src(%dma_wait3A_795 : memref<512xf32, #tpu.memory_space<vmem>>) dst(%dma_wait3A_793 : memref<512xf32, #tpu.memory_space<hbm>>)
    %dma_wait3A_796 = arith.constant 0 : i32
    %dma_wait3A_797 = arith.constant 0 : i32
    %dma_wait3A_798 = tpu.memref_slice %arg7[%dma_wait3A_797] : memref<51200xf32, #tpu.memory_space<vmem>> -> memref<512xf32, #tpu.memory_space<vmem>>
    %dma_wait3A_799 = arith.constant 0 : i32
    %dma_wait3A_800 = tpu.memref_slice %arg4[%add3A, %dma_wait3A_796, %dma_wait3A_799] : memref<32x512x512xf32, #tpu.memory_space<hbm>> -> memref<1x1x512xf32, #tpu.memory_space<hbm>>
    %dma_wait3A_801 = tpu.memref_squeeze %dma_wait3A_800 : memref<1x1x512xf32, #tpu.memory_space<hbm>> -> memref<512xf32, #tpu.memory_space<hbm>>
    %dma_wait3A_802 = arith.constant 0 : i32
    %dma_wait3A_803 = tpu.memref_slice %arg4[%add3A, %dma_wait3A_796, %dma_wait3A_802] : memref<32x512x512xf32, #tpu.memory_space<hbm>> -> memref<1x1x512xf32, #tpu.memory_space<hbm>>
    %dma_wait3A_804 = tpu.memref_squeeze %dma_wait3A_803 : memref<1x1x512xf32, #tpu.memory_space<hbm>> -> memref<512xf32, #tpu.memory_space<hbm>>
    %dma_wait3A_805 = arith.constant 0 : i32
    %dma_wait3A_806 = tpu.memref_slice %arg7[%dma_wait3A_805] : memref<51200xf32, #tpu.memory_space<vmem>> -> memref<512xf32, #tpu.memory_space<vmem>>
    tpu.wait_dma2 semaphore(%arg8 : memref<!tpu.dma_semaphore, #tpu.memory_space<semaphore_mem>>) src(%dma_wait3A_806 : memref<512xf32, #tpu.memory_space<vmem>>) dst(%dma_wait3A_804 : memref<512xf32, #tpu.memory_space<hbm>>)
    %dma_wait3A_807 = arith.constant 0 : i32
    %dma_wait3A_808 = arith.constant 0 : i32
    %dma_wait3A_809 = tpu.memref_slice %arg7[%dma_wait3A_808] : memref<51200xf32, #tpu.memory_space<vmem>> -> memref<512xf32, #tpu.memory_space<vmem>>
    %dma_wait3A_810 = arith.constant 0 : i32
    %dma_wait3A_811 = tpu.memref_slice %arg4[%add3A, %dma_wait3A_807, %dma_wait3A_810] : memref<32x512x512xf32, #tpu.memory_space<hbm>> -> memref<1x1x512xf32, #tpu.memory_space<hbm>>
    %dma_wait3A_812 = tpu.memref_squeeze %dma_wait3A_811 : memref<1x1x512xf32, #tpu.memory_space<hbm>> -> memref<512xf32, #tpu.memory_space<hbm>>
    %dma_wait3A_813 = arith.constant 0 : i32
    %dma_wait3A_814 = tpu.memref_slice %arg4[%add3A, %dma_wait3A_807, %dma_wait3A_813] : memref<32x512x512xf32, #tpu.memory_space<hbm>> -> memref<1x1x512xf32, #tpu.memory_space<hbm>>
    %dma_wait3A_815 = tpu.memref_squeeze %dma_wait3A_814 : memref<1x1x512xf32, #tpu.memory_space<hbm>> -> memref<512xf32, #tpu.memory_space<hbm>>
    %dma_wait3A_816 = arith.constant 0 : i32
    %dma_wait3A_817 = tpu.memref_slice %arg7[%dma_wait3A_816] : memref<51200xf32, #tpu.memory_space<vmem>> -> memref<512xf32, #tpu.memory_space<vmem>>
    tpu.wait_dma2 semaphore(%arg8 : memref<!tpu.dma_semaphore, #tpu.memory_space<semaphore_mem>>) src(%dma_wait3A_817 : memref<512xf32, #tpu.memory_space<vmem>>) dst(%dma_wait3A_815 : memref<512xf32, #tpu.memory_space<hbm>>)
    %dma_wait3A_818 = arith.constant 0 : i32
    %dma_wait3A_819 = arith.constant 0 : i32
    %dma_wait3A_820 = tpu.memref_slice %arg7[%dma_wait3A_819] : memref<51200xf32, #tpu.memory_space<vmem>> -> memref<512xf32, #tpu.memory_space<vmem>>
    %dma_wait3A_821 = arith.constant 0 : i32
    %dma_wait3A_822 = tpu.memref_slice %arg4[%add3A, %dma_wait3A_818, %dma_wait3A_821] : memref<32x512x512xf32, #tpu.memory_space<hbm>> -> memref<1x1x512xf32, #tpu.memory_space<hbm>>
    %dma_wait3A_823 = tpu.memref_squeeze %dma_wait3A_822 : memref<1x1x512xf32, #tpu.memory_space<hbm>> -> memref<512xf32, #tpu.memory_space<hbm>>
    %dma_wait3A_824 = arith.constant 0 : i32
    %dma_wait3A_825 = tpu.memref_slice %arg4[%add3A, %dma_wait3A_818, %dma_wait3A_824] : memref<32x512x512xf32, #tpu.memory_space<hbm>> -> memref<1x1x512xf32, #tpu.memory_space<hbm>>
    %dma_wait3A_826 = tpu.memref_squeeze %dma_wait3A_825 : memref<1x1x512xf32, #tpu.memory_space<hbm>> -> memref<512xf32, #tpu.memory_space<hbm>>
    %dma_wait3A_827 = arith.constant 0 : i32
    %dma_wait3A_828 = tpu.memref_slice %arg7[%dma_wait3A_827] : memref<51200xf32, #tpu.memory_space<vmem>> -> memref<512xf32, #tpu.memory_space<vmem>>
    tpu.wait_dma2 semaphore(%arg8 : memref<!tpu.dma_semaphore, #tpu.memory_space<semaphore_mem>>) src(%dma_wait3A_828 : memref<512xf32, #tpu.memory_space<vmem>>) dst(%dma_wait3A_826 : memref<512xf32, #tpu.memory_space<hbm>>)
    %dma_wait3A_829 = arith.constant 0 : i32
    %dma_wait3A_830 = arith.constant 0 : i32
    %dma_wait3A_831 = tpu.memref_slice %arg7[%dma_wait3A_830] : memref<51200xf32, #tpu.memory_space<vmem>> -> memref<512xf32, #tpu.memory_space<vmem>>
    %dma_wait3A_832 = arith.constant 0 : i32
    %dma_wait3A_833 = tpu.memref_slice %arg4[%add3A, %dma_wait3A_829, %dma_wait3A_832] : memref<32x512x512xf32, #tpu.memory_space<hbm>> -> memref<1x1x512xf32, #tpu.memory_space<hbm>>
    %dma_wait3A_834 = tpu.memref_squeeze %dma_wait3A_833 : memref<1x1x512xf32, #tpu.memory_space<hbm>> -> memref<512xf32, #tpu.memory_space<hbm>>
    %dma_wait3A_835 = arith.constant 0 : i32
    %dma_wait3A_836 = tpu.memref_slice %arg4[%add3A, %dma_wait3A_829, %dma_wait3A_835] : memref<32x512x512xf32, #tpu.memory_space<hbm>> -> memref<1x1x512xf32, #tpu.memory_space<hbm>>
    %dma_wait3A_837 = tpu.memref_squeeze %dma_wait3A_836 : memref<1x1x512xf32, #tpu.memory_space<hbm>> -> memref<512xf32, #tpu.memory_space<hbm>>
    %dma_wait3A_838 = arith.constant 0 : i32
    %dma_wait3A_839 = tpu.memref_slice %arg7[%dma_wait3A_838] : memref<51200xf32, #tpu.memory_space<vmem>> -> memref<512xf32, #tpu.memory_space<vmem>>
    tpu.wait_dma2 semaphore(%arg8 : memref<!tpu.dma_semaphore, #tpu.memory_space<semaphore_mem>>) src(%dma_wait3A_839 : memref<512xf32, #tpu.memory_space<vmem>>) dst(%dma_wait3A_837 : memref<512xf32, #tpu.memory_space<hbm>>)
    return
  }
}

</mosaic_0001>

<sc_bundles>
// kernel: kernel.3.cloned.1.call-start
scs
__scs_entry_jumppad:
0x0: {  	(pc) =	sbr.rel $0x88, $3  }
0x1: {  	(tag) =	ssettag $0x0;
	lr =	simm.s32 $0x1  }
0x2: {  	[smem:$0x3F9F] =	sst lr;
	_ =	strace $0xD0000000  }
0x3: {  	_ = 	snop  }
0x4: {  	_ = 	snop  }
0x5: {  	_ = 	snop  }
0x6: {  	_ = 	snop  }
0x7: {  	_ = 	snop  }
__scs_overlays_trampoline_lowered:
0x8: {  	[smem:$0x3FAE] =	sst s0  }
0x9: {  	[smem:$0x3FAF] =	sst s1  }
0xa: {  	[smem:$0x3FB0] =	sst s2  }
0xb: {  	[smem:$0x3FB1] =	sst s3  }
0xc: {  	[smem:$0x3FB2] =	sst s4  }
0xd: {  	[smem:$0x3FB3] =	sst s5  }
0xe: {  	[smem:$0x3FB4] =	sst s6  }
0xf: {  	[smem:$0x3FB5] =	sst s7  }
0x10: {  	[smem:$0x3FB6] =	sst s8  }
0x11: {  	[smem:$0x3FB7] =	sst s9;
	s0 =	simm.s32 @!p0 $0x0  }
0x12: {  	s1 =	sld [smem:$0x3F9D];
	s0 =	simm.s32 @p0 $0x1  }
0x13: {  	[smem:$0x3FB8] =	sst s0;
	s0 =	simm.s32 @!p1 $0x0  }
0x14: {  	s2 =	sld [smem:$0x3F9C];
	s0 =	simm.s32 @p1 $0x1  }
0x15: {  	[smem:$0x3FB9] =	sst s0;
	s0 =	simm.s32 @!p2 $0x0  }
0x16: {  	s3 =	sld [smem:$0x3FDB];
	s0 =	simm.s32 @p2 $0x1  }
0x17: {  	s4 =	simm.s32 $0x1BF5;
	[smem:$0x3FBB] =	sst s0  }
0x18: {  	s0 =	sld [smem:$0x3F9E];
	_ =	swait.ge [sflag:s4], $0x0  }
0x19: {  	s7 =	sld [smem:$0x3F9F]  }
0x1a: {  	s8 =	sadd.s32 $0xFFFFE003, lr  }
0x1b: {  	s9 =	sadd.s32 $0xFFFFFEF7, lr;
	s5 =	simm.s32 $0xFFFFFFFF;
	p2 =	slt.u32 s8, $0xFFFFF086  }
0x1c: {  	p1 =	slt.u32 s9, $0xF7A;
	s5 =	simm.s32 @!p2 $0x0  }
0x1d: {  	s5 =	simm.s32 @p1 $0x1;
	p0 =	seq.s32 s7, s2  }
0x1e: {  	s7 =	smul.u32 @!p0 $0xF7A, s2;
	p2 =	seq.s32 @!p0 s5, $0x0  }
0x1f: {  	s9 =	smul.u32 $0xF7A, s1;
	s8 =	simm.s32 @!p0 $0x1BF5;
	p2 =	por !p2, p0  }
0x20: {  	[sflag:s8] =	ssyncset.s32 @!p0 $0xFFFFF086;
	s6 =	sadd.s32 @!p0 s3, s7;
	s7 =	simm.s32 @!p0 $0x108  }
0x21: {  	s3 =	sadd.s32 s3, s9;
	s6 =	sadd.s32 @!p0 $0x88, s6;
	s7 =	simm.s32 @p2 $0x1082  }
0x22: {  	[simem:s7], [sflag:s8] =	dma.local @!p0 [hbm:s6], $0xF7A  }
0x23: {  	s9 =	sor.u32 $0xD0000000, s2;
	s6 =	simm.s32 $0x108;
	_ =	swait.ge @!p0 [sflag:s8], $0x0  }
0x24: {  	s3 =	sadd.s32 $0x88, s3;
	s6 =	simm.s32 @!p1 $0x1082;
	[sflag:s4] =	ssyncset.s32 $0xFFFFF086  }
0x25: {  	[simem:s6], [sflag:s4] =	dma.local [hbm:s3], $0xF7A  }
0x26: {  	[smem:$0x3F9F] =	sst s1;
	(tag) =	ssettag s2;
	_ =	strace s9  }
0x27: {  	s1 =	sld [smem:$0x3FAF]  }
0x28: {  	s2 =	sld [smem:$0x3FB0]  }
0x29: {  	s4 =	sld [smem:$0x3FB2]  }
0x2a: {  	p0 =	seq.s32 s5, $0x0;
	s5 =	sld [smem:$0x3FB3]  }
0x2b: {  	s6 =	sld [smem:$0x3FB4]  }
0x2c: {  	s7 =	sld [smem:$0x3FB5]  }
0x2d: {  	s3 =	simm.s32 $0x108;
	s8 =	sld [smem:$0x3FB6]  }
0x2e: {  	s3 =	simm.s32 @!p0 $0x1082;
	s9 =	sld [smem:$0x3FB7]  }
0x2f: {  	lr =	sadd.s32 s0, s3;
	s0 =	sld [smem:$0x3FAE]  }
0x30: {  	s3 =	sld [smem:$0x3FB1]  }
0x31: {  	[smem:$0x3FBA] =	sst s10  }
0x32: {  	s10 =	sld [smem:$0x3FB8];
	_ =	sdelay $0x3  }
0x33: {  	p0 =	seq.s32 s10, $0x1;
	s10 =	sld [smem:$0x3FBA];
	_ =	sdelay $0x3  }
0x34: {  	[smem:$0x3FBA] =	sst s10  }
0x35: {  	s10 =	sld [smem:$0x3FB9];
	_ =	sdelay $0x3  }
0x36: {  	p1 =	seq.s32 s10, $0x1;
	s10 =	sld [smem:$0x3FBA];
	_ =	sdelay $0x3  }
0x37: {  	[smem:$0x3FBA] =	sst s10  }
0x38: {  	s10 =	sld [smem:$0x3FBB]  }
0x39: {  	_ = 	snop;
	(pc) =	sbr.ind lr, $3  }
0x3a: {  	_ = 	snop  }
0x3b: {  	_ = 	snop  }
0x3c: {  	p2 =	seq.s32 s10, $0x1;
	s10 =	sld [smem:$0x3FBA]  }
0x3d: {  	_ =	shalt  }
0x3e: {  	_ =	shalt  }
0x3f: {  	_ =	shalt  }
0x40: {  	_ =	shalt  }
0x41: {  	_ =	shalt  }
0x42: {  	_ =	shalt  }
0x43: {  	_ =	shalt  }
0x44: {  	_ =	shalt  }
0x45: {  	_ =	shalt  }
0x46: {  	_ =	shalt  }
0x47: {  	_ =	shalt  }
0x48: {  	_ =	shalt  }
0x49: {  	_ =	shalt  }
0x4a: {  	_ =	shalt  }
0x4b: {  	_ =	shalt  }
0x4c: {  	_ =	shalt  }
0x4d: {  	_ =	shalt  }
0x4e: {  	_ =	shalt  }
0x4f: {  	_ =	shalt  }
0x50: {  	_ =	shalt  }
0x51: {  	_ =	shalt  }
0x52: {  	_ =	shalt  }
0x53: {  	_ =	shalt  }
0x54: {  	_ =	shalt  }
0x55: {  	_ =	shalt  }
0x56: {  	_ =	shalt  }
0x57: {  	_ =	shalt  }
0x58: {  	_ =	shalt  }
0x59: {  	_ =	shalt  }
0x5a: {  	_ =	shalt  }
0x5b: {  	_ =	shalt  }
0x5c: {  	_ =	shalt  }
0x5d: {  	_ =	shalt  }
0x5e: {  	_ =	shalt  }
0x5f: {  	_ =	shalt  }
0x60: {  	_ =	shalt  }
0x61: {  	_ =	shalt  }
0x62: {  	_ =	shalt  }
0x63: {  	_ =	shalt  }
0x64: {  	_ =	shalt  }
0x65: {  	_ =	shalt  }
0x66: {  	_ =	shalt  }
0x67: {  	_ =	shalt  }
0x68: {  	_ =	shalt  }
0x69: {  	_ =	shalt  }
0x6a: {  	_ =	shalt  }
0x6b: {  	_ =	shalt  }
0x6c: {  	_ =	shalt  }
0x6d: {  	_ =	shalt  }
0x6e: {  	_ =	shalt  }
0x6f: {  	_ =	shalt  }
0x70: {  	_ =	shalt  }
0x71: {  	_ =	shalt  }
0x72: {  	_ =	shalt  }
0x73: {  	_ =	shalt  }
0x74: {  	_ =	shalt  }
0x75: {  	_ =	shalt  }
0x76: {  	_ =	shalt  }
0x77: {  	_ =	shalt  }
0x78: {  	_ =	shalt  }
0x79: {  	_ =	shalt  }
0x7a: {  	_ =	shalt  }
0x7b: {  	_ =	shalt  }
0x7c: {  	_ =	shalt  }
0x7d: {  	_ =	shalt  }
0x7e: {  	_ =	shalt  }
0x7f: {  	_ =	shalt  }
0x80: {  	_ =	shalt  }
0x81: {  	_ =	shalt  }
0x82: {  	_ =	shalt  }
0x83: {  	_ =	shalt  }
0x84: {  	_ =	shalt  }
0x85: {  	_ =	shalt  }
0x86: {  	_ =	shalt  }
0x87: {  	_ =	shalt  }
.Lfunc_end0:
.L_simem_size_0:
called_computation_lowered:
.L_overlay_start_0:
0x88: {  	s2 =	sld [smem:$0x3FD9]  }
0x89: {  	s3 =	sld [smem:$0x3FFE];
	_ =	sdelay $0x1  }
0x8a: {  	s1 =	srdreg.scid  }
0x8b: {  	s0 =	sand.u32 $0x1, s1  }
0x8c: {  	s17 =	sshll.u32 s0, $0xA;
	s2 =	sadd.s32 s3, s2  }
0x8d: {  	s2 =	sadd.s32 s2, s17  }
0x8e: {  	[smem:$0x3FC6] =	sst s2  }
0x8f: {  	_ = 	snop  }
0x90: {  	s2 =	sld [smem:$0x3FC9]  }
0x91: {  	s18 =	sld [smem:$0x3FD0];
	(tm) =	ssettm $0x1  }
0x92: {  	s4 =	sld [smem:$0x3FFB];
	_ =	sdelay $0x3  }
0x93: {  	_ =	strace s4  }
0x94: {  	s4 =	sld [smem:$0x3FFC];
	_ =	sdelay $0x3  }
0x95: {  	_ =	strace s4  }
0x96: {  	s4 =	sld [smem:$0x3FFD];
	_ =	sdelay $0x3  }
0x97: {  	_ =	strace s4  }
0x98: {  	_ =	strace $0x8FFFFFFF  }
0x99: {  	s19 =	sld [smem:$0x3FDB];
	_ =	sdelay $0x1  }
0x9a: {  	s5 =	simm.s32 $_scs_section_size  }
0x9b: {  	s6 =	simm.s32 $_size__tile_overlayer_lowered;
	s7 =	simm.s32 $_tile_overlayer_lowered  }
0x9c: {  	s22 =	simm.s32 $0x1BFF;
	s21 =	sshll.u32 s7, $0x1;
	s4 =	sadd.s32 s5, s19  }
0x9d: {  	s8 =	simm.s32 $0x0;
	s20 =	sshll.u32 s6, $0x1;
	s6 =	sadd.s32 s21, s4  }
0x9e: {  	[timem:s8], [sflag:s22] =	dma.local [hbm:s6], s20  }
0x9f: {  	_ =	swait.ge [sflag:s22], s20  }
0xa0: {  	s5 =	ssub.s32 $0x0, s20;
	[sflag:s22] =	ssyncset.done $0x0  }
0xa1: {  	[sflag:s22] =	ssyncadd.s32 s5;
	_ =	sdelay $0x1  }
0xa2: {  	s23 =	simm.s32 $0x1B8B  }
0xa3: {  	_ =	swait.ge [sflag:s23], $0x1  }
0xa4: {  	[sflag:s23] =	ssyncset.done $0x0  }
0xa5: {  	s25 =	simm.s32 $0x1B8E;
	s24 =	sld [smem:$0x3FFE];
	[sflag:s23] =	ssyncadd.s32 $0xFFFFFFFF  }
0xa6: {  	s26 =	simm.s32 $execute0_lowered;
	[smem:$0x3FD2] =	sst s25  }
0xa7: {  	s6 =	sshll.u32 s26, $0x1;
	_ =	strace $0x80000046;
	[dreg:$0x1] =	wrdreg $0xFFFFFFFF  }
0xa8: {  	s28 =	simm.s32 $_size_execute0_lowered;
	s4 =	sadd.s32 s4, s6;
	[dreg:$0x0] =	wrdreg $0x0  }
0xa9: {  	s6 =	sshll.u32 s28, $0x1;
	[dreg:$0x2] =	wrdreg s4  }
0xaa: {  	[dreg:$0x3] =	wrdreg s6  }
0xab: {  	[dreg:$0x4] =	wrdreg $0xC0  }
0xac: {  	_ =	task [dreg:s8], $0x5FFFF  }
0xad: {  	[dreg:$0x1] =	wrdreg $0xFFFFFFFF  }
0xae: {  	[dreg:$0x0] =	wrdreg $0x60  }
0xaf: {  	[dreg:$0x2] =	wrdreg s2  }
0xb0: {  	[dreg:$0x3] =	wrdreg s24  }
0xb1: {  	[dreg:$0x4] =	wrdreg s18  }
0xb2: {  	[dreg:$0x5] =	wrdreg $0x9  }
0xb3: {  	_ =	task.clear_ibuf [dreg:s8], $0x6FFFF;
	_ =	strace $0x90000046  }
0xb4: {  	s29 =	simm.s32 $0x9;
	_ =	strace $0x80000048  }
0xb5: {  	_ =	swait.ge [sflag:s29], $0x1  }
0xb6: {  	[sflag:s29] =	ssyncadd.s32 $0xFFFFFFFF  }
0xb7: {  	_ =	strace $0x90000048  }
0xb8: {  	_ =	sfence  }
0xb9: {  	s30 =	sld [smem:$0x0];
	_ =	sdelay $0x2  }
0xba: {  	s31 =	sshll.u32 s1, $0xD;
	s1 =	sshrl.u32 s1, $0x2  }
0xbb: {  	s3 =	sand.u32 $0x4000, s31;
	s1 =	sadd.s32 s1, s30  }
0xbc: {  	s0 =	sor.u32 s3, s0;
	s1 =	sshll.u32 s1, $0x11  }
0xbd: {  	s0 =	sor.u32 s1, s0  }
0xbe: {  	s0 =	sadd.s32 $0x8F2B, s0  }
0xbf: {  	[sflag:s0] =	ssyncadd.remote.s32 $0x1  }
0xc0: {  	_ =	sfence.sel $0xFFFF  }
0xc1: {  	[dreg:$0x0] =	wrdreg $0xFFFFFFFF;
	(pc) =	sbr.abs _section_cstart, $3  }
0xc2: {  	[dreg:$0x1] =	wrdreg $0xFFFFFFFF  }
0xc3: {  	_ =	task.clear_ibuf [dreg:s8], $0x2FFFF;
	_ =	strace $0x9FFFFFFF  }
0xc4: {  	(tm) =	ssettm $0x7FFFFFFF  }
0xc5: {  	_ =	shalt  }
tec
execute0_lowered:
.L_overlay_start_1:
0x0: {  	(tag) =	ssettag $0x1  }
0x1: {  	s0 =	rddreg [dreg:$0x0]  }
0x2: {  	s1 =	rddreg [dreg:$0x2]  }
0x3: {  	s3 =	simm.s32 $0x0;
	s2 =	srdreg.scid;
	s9 =	stileid.u32  }
0x4: {  	[smem:$0x7FF] =	sst s3;
	s2 =	sand.u32 $0x1, s2;
	s4 =	sshll.u32 s9, $0x1  }
0x5: {  	s6 =	sshll.u32 s9, $0x7;
	s5 =	ssub.s32 $0x2, s2;
	s4 =	sor.u32 s2, s4  }
0x6: {  	s6 =	sand.u32 $0x600, s6;
	s7 =	sshrl.u32 s5, $0x1;
	s8 =	sshll.u32 s4, $0x4  }
0x7: {  	s0 =	sadd.s32 s0, s6;
	s4 =	sshll.u32 s4, $0xF;
	s8 =	sand.u32 $0x70, s8  }
0x8: {  	s25 =	ssub.s32 s5, s7;
	s5 =	sadd.s32 s1, s4;
	s0 =	sadd.s32 s8, s0  }
0x9: {  	_ =	strace $0x80000047;
	s26 =	sadd.s32 $0x10, s5;
	[dreg:$0x5] =	wrdreg s0  }
0xa: {  	s4 =	sadd.s32 $0x20, s5;
	[dreg:$0x6] =	wrdreg s26  }
0xb: {  	s7 =	sadd.s32 $0x30, s5;
	[dreg:$0x7] =	wrdreg s4  }
0xc: {  	s8 =	sadd.s32 $0x40, s5;
	[dreg:$0x8] =	wrdreg s7  }
0xd: {  	s10 =	sadd.s32 $0x50, s5;
	[dreg:$0x9] =	wrdreg s8  }
0xe: {  	s11 =	sadd.s32 $0x60, s5;
	[dreg:$0xa] =	wrdreg s10  }
0xf: {  	s12 =	sadd.s32 $0x70, s5;
	[dreg:$0xb] =	wrdreg s11  }
0x10: {  	s13 =	sadd.s32 $0x200, s5;
	[dreg:$0xc] =	wrdreg s12  }
0x11: {  	s14 =	sadd.s32 $0x210, s5;
	[dreg:$0xd] =	wrdreg s13  }
0x12: {  	s15 =	sadd.s32 $0x220, s5;
	[dreg:$0xe] =	wrdreg s14  }
0x13: {  	s17 =	sadd.s32 $0x240, s5;
	[dreg:$0xf] =	wrdreg s15  }
0x14: {  	s16 =	sshll.u32 s9, $0x13;
	s18 =	sadd.s32 $0x250, s5;
	[dreg:$0x11] =	wrdreg s17  }
0x15: {  	s9 =	simm.s32 $0x80;
	s19 =	sadd.s32 $0x260, s5;
	[dreg:$0x12] =	wrdreg s18  }
0x16: {  	s2 =	sshll.u32 s2, $0x12;
	s20 =	sadd.s32 $0x270, s5;
	[dreg:$0x13] =	wrdreg s19  }
0x17: {  	s21 =	sadd.s32 $0x400, s5;
	s22 =	sadd.s32 $0x410, s5;
	[dreg:$0x14] =	wrdreg s20  }
0x18: {  	s23 =	sadd.s32 $0x420, s5;
	s24 =	sadd.s32 $0x430, s5;
	[dreg:$0x15] =	wrdreg s21  }
0x19: {  	s25 =	smax.u32 s25, $0x1;
	s28 =	sadd.s32 $0x450, s5;
	[dreg:$0x16] =	wrdreg s22  }
0x1a: {  	s29 =	sadd.s32 $0x460, s5;
	s30 =	sadd.s32 $0x470, s5;
	[dreg:$0x17] =	wrdreg s23  }
0x1b: {  	s31 =	sadd.s32 $0x600, s5;
	s6 =	sadd.s32 $0x650, s5;
	[dreg:$0x18] =	wrdreg s24  }
0x1c: {  	s4 =	sadd.s32 $0x230, s5;
	s0 =	sor.u32 s2, s16;
	[dreg:$0x19] =	wrdreg s25  }
0x1d: {  	s26 =	sadd.s32 $0x440, s5;
	s2 =	sadd.s32 $0x620, s5;
	s7 =	sadd.s32 $0x660, s5  }
0x1e: {  	s8 =	sadd.s32 $0x670, s5;
	s10 =	simm.s32 $0x400;
	s11 =	simm.s32 $0x2  }
0x1f: {  	s12 =	simm.s32 $0x200;
	s13 =	simm.s32 $0x1;
	s0 =	sor.u32 $0x4000, s0  }
0x20: {  	s14 =	simm.s32 $0x0;
	[dreg:$0x10] =	wrdreg s4;
	s0 =	sshrl.u32 s0, $0x3  }
0x21: {  	[dreg:$0x1a] =	wrdreg s26;
	s4 =	sadd.s32 $0x640, s5;
	s0 =	sadd.s32 s0, s1  }
0x22: {  	s1 =	sadd.s32 $0x630, s5;
	[dreg:$0x4] =	wrdreg s0;
	s0 =	sadd.s32 $0x610, s5  }
.LBB2_1:
0x23: {  	s15 =	rddreg [dreg:$0x5]  }
0x24: {  	[tilespmem:s3], [sflag:$0x2] =	stream.strided.gather [hbm4b:s15+s9], $0x200, s10, s9, $0x38;
	[tilespmem:$0xF180] =	vst v63  }
0x25: {  	_ =	swait.ge [sflag:s11], $0x200  }
0x26: {  	[sflag:s11] =	ssyncset.done $0x0  }
0x27: {  	[sflag:s11] =	ssyncadd.s32 $0xFFFFFE00  }
0x28: {  	s26 =	rddreg [dreg:$0x1]  }
0x29: {  	[tilespmem:s12], [sflag:$0x2] =	stream.linear.gather [hbm4b:s26+s3], $0x2780, $0x38;
	[tilespmem:$0xF180] =	vst v63  }
0x2a: {  	_ =	swait.ge [sflag:s11], $0x2780  }
0x2b: {  	[sflag:s11] =	ssyncset.done $0x0  }
0x2c: {  	[sflag:s11] =	ssyncadd.s32 $0xFFFFD880  }
0x2d: {  	v13 =	vld [tilespmem:$0x0]  }
0x2e: {  	v14 =	vld [tilespmem:$0x10]  }
0x2f: {  	v15 =	vld [tilespmem:$0x20]  }
0x30: {  	v16 =	vld [tilespmem:$0x30]  }
0x31: {  	v17 =	vld [tilespmem:$0x40]  }
0x32: {  	v18 =	vld [tilespmem:$0x50]  }
0x33: {  	v19 =	vld [tilespmem:$0x60]  }
0x34: {  	v20 =	vld [tilespmem:$0x70]  }
0x35: {  	v21 =	vld [tilespmem:$0x80]  }
0x36: {  	v22 =	vld [tilespmem:$0x90]  }
0x37: {  	v23 =	vld [tilespmem:$0xA0]  }
0x38: {  	v25 =	vld [tilespmem:$0xB0]  }
0x39: {  	v26 =	vld [tilespmem:$0xC0]  }
0x3a: {  	v27 =	vld [tilespmem:$0xD0]  }
0x3b: {  	v28 =	vld [tilespmem:$0xE0]  }
0x3c: {  	v29 =	vld [tilespmem:$0xF0]  }
0x3d: {  	v30 =	vld [tilespmem:$0x100]  }
0x3e: {  	v31 =	vld [tilespmem:$0x110]  }
0x3f: {  	v24 =	vld [tilespmem:$0x120]  }
0x40: {  	v12 =	vld [tilespmem:$0x130]  }
0x41: {  	v11 =	vld [tilespmem:$0x140]  }
0x42: {  	v10 =	vld [tilespmem:$0x150]  }
0x43: {  	v9 =	vld [tilespmem:$0x160]  }
0x44: {  	s22 =	simm.s32 $0x12C;
	v8 =	vld [tilespmem:$0x170]  }
0x45: {  	s20 =	simm.s32 $0x64;
	v7 =	vld [tilespmem:$0x180];
	v0 =	vadd.s32 s22, v13  }
0x46: {  	v6 =	vld [tilespmem:$0x190];
	v1 =	vadd.s32 s20, v13  }
0x47: {  	s21 =	simm.s32 $0xC8;
	v5 =	vld [tilespmem:$0x1A0]  }
0x48: {  	v4 =	vld [tilespmem:$0x1B0];
	v32 =	vadd.s32 s21, v13  }
0x49: {  	v3 =	vld [tilespmem:$0x1C0]  }
0x4a: {  	v33 =	vld.idx.msk [tilespmem:v0+s12+$0x0], $0xffff  }
0x4b: {  	v34 =	vadd.s32 s22, v14;
	v35 =	vld.idx.msk [tilespmem:v1+s12+$0x0], $0xffff  }
0x4c: {  	v2 =	vld [tilespmem:$0x1D0];
	v36 =	vadd.s32 s20, v14  }
0x4d: {  	v32 =	vld.idx.msk [tilespmem:v32+s12+$0x0], $0xffff  }
0x4e: {  	s15 =	simm.s32 $0x2D80;
	v56 =	vadd.s32 s21, v14;
	v1 =	vld [tilespmem:$0x1E0]  }
0x4f: {  	v0 =	vld [tilespmem:$0x1F0];
	[tilespmem:s15+$0x200] =	vst v33  }
0x50: {  	[tilespmem:s15+$0xFFFFFE00] =	vst v35;
	v34 =	vld.idx.msk [tilespmem:v34+s12+$0x0], $0xffff  }
0x51: {  	v57 =	vadd.s32 s22, v15;
	v36 =	vld.idx.msk [tilespmem:v36+s12+$0x0], $0xffff  }
0x52: {  	v37 =	vadd.s32 s20, v15;
	[tilespmem:s15+$0x0] =	vst v32  }
0x53: {  	v32 =	vld.idx.msk [tilespmem:v56+s12+$0x0], $0xffff  }
0x54: {  	v58 =	vadd.s32 s21, v15  }
0x55: {  	v62 =	vld.idx.msk [tilespmem:v13+s12+$0x0], $0xffff;
	[tilespmem:s15+$0x210] =	vst v34  }
0x56: {  	[tilespmem:s15+$0xFFFFFE10] =	vst v36;
	v34 =	vld.idx.msk [tilespmem:v57+s12+$0x0], $0xffff  }
0x57: {  	v59 =	vadd.s32 s22, v16;
	v36 =	vld.idx.msk [tilespmem:v37+s12+$0x0], $0xffff  }
0x58: {  	v60 =	vadd.s32 s20, v16;
	[tilespmem:s15+$0x10] =	vst v32  }
0x59: {  	v32 =	vld.idx.msk [tilespmem:v58+s12+$0x0], $0xffff  }
0x5a: {  	v61 =	vadd.s32 s21, v16;
	[tilespmem:s15+$0xFFFFFC00] =	vst v62  }
0x5b: {  	v35 =	vld.idx.msk [tilespmem:v14+s12+$0x0], $0xffff;
	[tilespmem:s15+$0x220] =	vst v34  }
0x5c: {  	[tilespmem:s15+$0xFFFFFE20] =	vst v36;
	v34 =	vld.idx.msk [tilespmem:v59+s12+$0x0], $0xffff  }
0x5d: {  	v63 =	vadd.s32 s22, v17;
	v37 =	vld.idx.msk [tilespmem:v60+s12+$0x0], $0xffff  }
0x5e: {  	v38 =	vadd.s32 s20, v17;
	[tilespmem:s15+$0x20] =	vst v32  }
0x5f: {  	v32 =	vld.idx.msk [tilespmem:v61+s12+$0x0], $0xffff  }
0x60: {  	v40 =	vadd.s32 s21, v17;
	[tilespmem:s15+$0xFFFFFC10] =	vst v35  }
0x61: {  	v35 =	vld.idx.msk [tilespmem:v15+s12+$0x0], $0xffff;
	[tilespmem:s15+$0x230] =	vst v34  }
0x62: {  	[tilespmem:s15+$0xFFFFFE30] =	vst v37;
	v34 =	vld.idx.msk [tilespmem:v63+s12+$0x0], $0xffff  }
0x63: {  	v41 =	vadd.s32 s22, v18;
	v37 =	vld.idx.msk [tilespmem:v38+s12+$0x0], $0xffff  }
0x64: {  	v42 =	vadd.s32 s20, v18;
	[tilespmem:s15+$0x30] =	vst v32  }
0x65: {  	v32 =	vld.idx.msk [tilespmem:v40+s12+$0x0], $0xffff  }
0x66: {  	v43 =	vadd.s32 s21, v18;
	[tilespmem:s15+$0xFFFFFC20] =	vst v35  }
0x67: {  	v35 =	vld.idx.msk [tilespmem:v16+s12+$0x0], $0xffff;
	[tilespmem:s15+$0x240] =	vst v34  }
0x68: {  	[tilespmem:s15+$0xFFFFFE40] =	vst v37;
	v34 =	vld.idx.msk [tilespmem:v41+s12+$0x0], $0xffff  }
0x69: {  	v44 =	vadd.s32 s22, v19;
	v37 =	vld.idx.msk [tilespmem:v42+s12+$0x0], $0xffff  }
0x6a: {  	v45 =	vadd.s32 s20, v19;
	[tilespmem:s15+$0x40] =	vst v32  }
0x6b: {  	v32 =	vld.idx.msk [tilespmem:v43+s12+$0x0], $0xffff  }
0x6c: {  	v46 =	vadd.s32 s21, v19;
	[tilespmem:s15+$0xFFFFFC30] =	vst v35  }
0x6d: {  	v35 =	vld.idx.msk [tilespmem:v17+s12+$0x0], $0xffff;
	[tilespmem:s15+$0x250] =	vst v34  }
0x6e: {  	[tilespmem:s15+$0xFFFFFE50] =	vst v37;
	v34 =	vld.idx.msk [tilespmem:v44+s12+$0x0], $0xffff  }
0x6f: {  	v47 =	vadd.s32 s22, v20;
	v37 =	vld.idx.msk [tilespmem:v45+s12+$0x0], $0xffff  }
0x70: {  	v48 =	vadd.s32 s20, v20;
	[tilespmem:s15+$0x50] =	vst v32  }
0x71: {  	v32 =	vld.idx.msk [tilespmem:v46+s12+$0x0], $0xffff  }
0x72: {  	v49 =	vadd.s32 s21, v20;
	[tilespmem:s15+$0xFFFFFC40] =	vst v35  }
0x73: {  	v35 =	vld.idx.msk [tilespmem:v18+s12+$0x0], $0xffff;
	[tilespmem:s15+$0x260] =	vst v34  }
0x74: {  	[tilespmem:s15+$0xFFFFFE60] =	vst v37;
	v34 =	vld.idx.msk [tilespmem:v47+s12+$0x0], $0xffff  }
0x75: {  	v50 =	vadd.s32 s22, v21;
	v37 =	vld.idx.msk [tilespmem:v48+s12+$0x0], $0xffff  }
0x76: {  	v51 =	vadd.s32 s20, v21;
	[tilespmem:s15+$0x60] =	vst v32  }
0x77: {  	v32 =	vld.idx.msk [tilespmem:v49+s12+$0x0], $0xffff  }
0x78: {  	v52 =	vadd.s32 s21, v21;
	[tilespmem:s15+$0xFFFFFC50] =	vst v35  }
0x79: {  	v35 =	vld.idx.msk [tilespmem:v19+s12+$0x0], $0xffff;
	[tilespmem:s15+$0x270] =	vst v34  }
0x7a: {  	[tilespmem:s15+$0xFFFFFE70] =	vst v37;
	v34 =	vld.idx.msk [tilespmem:v50+s12+$0x0], $0xffff  }
0x7b: {  	v53 =	vadd.s32 s22, v22;
	v37 =	vld.idx.msk [tilespmem:v51+s12+$0x0], $0xffff  }
0x7c: {  	v54 =	vadd.s32 s20, v22;
	[tilespmem:s15+$0x70] =	vst v32  }
0x7d: {  	v32 =	vld.idx.msk [tilespmem:v52+s12+$0x0], $0xffff  }
0x7e: {  	v55 =	vadd.s32 s21, v22;
	[tilespmem:s15+$0xFFFFFC60] =	vst v35  }
0x7f: {  	v35 =	vld.idx.msk [tilespmem:v20+s12+$0x0], $0xffff;
	[tilespmem:s15+$0x280] =	vst v34  }
0x80: {  	[tilespmem:s15+$0xFFFFFE80] =	vst v37;
	v34 =	vld.idx.msk [tilespmem:v53+s12+$0x0], $0xffff  }
0x81: {  	v56 =	vadd.s32 s22, v23;
	v37 =	vld.idx.msk [tilespmem:v54+s12+$0x0], $0xffff  }
0x82: {  	v57 =	vadd.s32 s20, v23;
	[tilespmem:s15+$0x80] =	vst v32  }
0x83: {  	v32 =	vld.idx.msk [tilespmem:v55+s12+$0x0], $0xffff  }
0x84: {  	v58 =	vadd.s32 s21, v23;
	[tilespmem:s15+$0xFFFFFC70] =	vst v35  }
0x85: {  	v35 =	vld.idx.msk [tilespmem:v21+s12+$0x0], $0xffff;
	[tilespmem:s15+$0x290] =	vst v34  }
0x86: {  	[tilespmem:s15+$0xFFFFFE90] =	vst v37;
	v34 =	vld.idx.msk [tilespmem:v56+s12+$0x0], $0xffff  }
0x87: {  	v59 =	vadd.s32 s22, v25;
	v37 =	vld.idx.msk [tilespmem:v57+s12+$0x0], $0xffff  }
0x88: {  	v60 =	vadd.s32 s20, v25;
	[tilespmem:s15+$0x90] =	vst v32  }
0x89: {  	v32 =	vld.idx.msk [tilespmem:v58+s12+$0x0], $0xffff  }
0x8a: {  	v61 =	vadd.s32 s21, v25;
	[tilespmem:s15+$0xFFFFFC80] =	vst v35  }
0x8b: {  	v35 =	vld.idx.msk [tilespmem:v22+s12+$0x0], $0xffff;
	[tilespmem:s15+$0x2A0] =	vst v34  }
0x8c: {  	[tilespmem:s15+$0xFFFFFEA0] =	vst v37;
	v34 =	vld.idx.msk [tilespmem:v59+s12+$0x0], $0xffff  }
0x8d: {  	v62 =	vadd.s32 s22, v26;
	v37 =	vld.idx.msk [tilespmem:v60+s12+$0x0], $0xffff  }
0x8e: {  	v63 =	vadd.s32 s20, v26;
	[tilespmem:s15+$0xA0] =	vst v32  }
0x8f: {  	v32 =	vld.idx.msk [tilespmem:v61+s12+$0x0], $0xffff  }
0x90: {  	v40 =	vadd.s32 s21, v26;
	[tilespmem:s15+$0xFFFFFC90] =	vst v35  }
0x91: {  	v35 =	vld.idx.msk [tilespmem:v23+s12+$0x0], $0xffff;
	[tilespmem:s15+$0x2B0] =	vst v34  }
0x92: {  	[tilespmem:s15+$0xFFFFFEB0] =	vst v37;
	v34 =	vld.idx.msk [tilespmem:v62+s12+$0x0], $0xffff  }
0x93: {  	v41 =	vadd.s32 s22, v27;
	v37 =	vld.idx.msk [tilespmem:v63+s12+$0x0], $0xffff  }
0x94: {  	v42 =	vadd.s32 s20, v27;
	[tilespmem:s15+$0xB0] =	vst v32  }
0x95: {  	v32 =	vld.idx.msk [tilespmem:v40+s12+$0x0], $0xffff  }
0x96: {  	v43 =	vadd.s32 s21, v27;
	[tilespmem:s15+$0xFFFFFCA0] =	vst v35  }
0x97: {  	v35 =	vld.idx.msk [tilespmem:v25+s12+$0x0], $0xffff;
	[tilespmem:s15+$0x2C0] =	vst v34  }
0x98: {  	[tilespmem:s15+$0xFFFFFEC0] =	vst v37;
	v34 =	vld.idx.msk [tilespmem:v41+s12+$0x0], $0xffff  }
0x99: {  	v44 =	vadd.s32 s22, v28;
	v37 =	vld.idx.msk [tilespmem:v42+s12+$0x0], $0xffff  }
0x9a: {  	v45 =	vadd.s32 s20, v28;
	[tilespmem:s15+$0xC0] =	vst v32  }
0x9b: {  	v32 =	vld.idx.msk [tilespmem:v43+s12+$0x0], $0xffff  }
0x9c: {  	v46 =	vadd.s32 s21, v28;
	[tilespmem:s15+$0xFFFFFCB0] =	vst v35  }
0x9d: {  	v35 =	vld.idx.msk [tilespmem:v26+s12+$0x0], $0xffff;
	[tilespmem:s15+$0x2D0] =	vst v34  }
0x9e: {  	[tilespmem:s15+$0xFFFFFED0] =	vst v37;
	v34 =	vld.idx.msk [tilespmem:v44+s12+$0x0], $0xffff  }
0x9f: {  	v47 =	vadd.s32 s22, v29;
	v37 =	vld.idx.msk [tilespmem:v45+s12+$0x0], $0xffff  }
0xa0: {  	v48 =	vadd.s32 s20, v29;
	[tilespmem:s15+$0xD0] =	vst v32  }
0xa1: {  	v32 =	vld.idx.msk [tilespmem:v46+s12+$0x0], $0xffff  }
0xa2: {  	v49 =	vadd.s32 s21, v29;
	[tilespmem:s15+$0xFFFFFCC0] =	vst v35  }
0xa3: {  	v35 =	vld.idx.msk [tilespmem:v27+s12+$0x0], $0xffff;
	[tilespmem:s15+$0x2E0] =	vst v34  }
0xa4: {  	[tilespmem:s15+$0xFFFFFEE0] =	vst v37;
	v34 =	vld.idx.msk [tilespmem:v47+s12+$0x0], $0xffff  }
0xa5: {  	v50 =	vadd.s32 s22, v30;
	v37 =	vld.idx.msk [tilespmem:v48+s12+$0x0], $0xffff  }
0xa6: {  	v51 =	vadd.s32 s20, v30;
	[tilespmem:s15+$0xE0] =	vst v32  }
0xa7: {  	v32 =	vld.idx.msk [tilespmem:v49+s12+$0x0], $0xffff  }
0xa8: {  	s18 =	simm.s32 $0x2BC;
	v52 =	vadd.s32 s21, v30;
	[tilespmem:s15+$0xFFFFFCD0] =	vst v35  }
0xa9: {  	v39 =	vadd.s32 s18, v13;
	v35 =	vld.idx.msk [tilespmem:v28+s12+$0x0], $0xffff;
	[tilespmem:s15+$0x2F0] =	vst v34  }
0xaa: {  	[tilespmem:s15+$0xFFFFFEF0] =	vst v37;
	v34 =	vld.idx.msk [tilespmem:v50+s12+$0x0], $0xffff  }
0xab: {  	v53 =	vadd.s32 s22, v31;
	v37 =	vld.idx.msk [tilespmem:v51+s12+$0x0], $0xffff  }
0xac: {  	s17 =	simm.s32 $0x258;
	v54 =	vadd.s32 s20, v31;
	[tilespmem:s15+$0xF0] =	vst v32  }
0xad: {  	v59 =	vadd.s32 s17, v13;
	v32 =	vld.idx.msk [tilespmem:v52+s12+$0x0], $0xffff  }
0xae: {  	s16 =	simm.s32 $0x1F4;
	v39 =	vld.idx.msk [tilespmem:v39+s12+$0x0], $0xffff;
	v55 =	vadd.s32 s21, v31;
	[tilespmem:s15+$0xFFFFFCE0] =	vst v35  }
0xaf: {  	v58 =	vadd.s32 s16, v13;
	v35 =	vld.idx.msk [tilespmem:v29+s12+$0x0], $0xffff;
	[tilespmem:s15+$0x300] =	vst v34  }
0xb0: {  	v45 =	vadd.s32 s18, v14;
	[tilespmem:s15+$0xFFFFFF00] =	vst v37;
	v34 =	vld.idx.msk [tilespmem:v53+s12+$0x0], $0xffff  }
0xb1: {  	v56 =	vadd.s32 s22, v24;
	v37 =	vld.idx.msk [tilespmem:v54+s12+$0x0], $0xffff  }
0xb2: {  	s19 =	simm.s32 $0x3580;
	v57 =	vadd.s32 s20, v24;
	v61 =	vld.idx.msk [tilespmem:v59+s12+$0x0], $0xffff;
	[tilespmem:s15+$0x100] =	vst v32  }
0xb3: {  	[tilespmem:s19+$0x200] =	vst v39;
	v33 =	vld.idx.msk [tilespmem:v55+s12+$0x0], $0xffff  }
0xb4: {  	v40 =	vadd.s32 s21, v24;
	[tilespmem:s15+$0xFFFFFCF0] =	vst v35;
	v32 =	vld.idx.msk [tilespmem:v58+s12+$0x0], $0xffff  }
0xb5: {  	v41 =	vadd.s32 s16, v14;
	v35 =	vld.idx.msk [tilespmem:v45+s12+$0x0], $0xffff;
	[tilespmem:s15+$0x310] =	vst v34  }
0xb6: {  	v63 =	vadd.s32 s17, v14;
	[tilespmem:s15+$0xFFFFFF10] =	vst v37;
	v36 =	vld.idx.msk [tilespmem:v56+s12+$0x0], $0xffff  }
0xb7: {  	v60 =	vadd.s32 s22, v12;
	[tilespmem:s19+$0x0] =	vst v61;
	v38 =	vld.idx.msk [tilespmem:v57+s12+$0x0], $0xffff  }
0xb8: {  	v62 =	vadd.s32 s20, v12;
	v46 =	vld.idx.msk [tilespmem:v30+s12+$0x0], $0xffff;
	[tilespmem:s15+$0x110] =	vst v33  }
0xb9: {  	[tilespmem:s19+$0xFFFFFE00] =	vst v32;
	v40 =	vld.idx.msk [tilespmem:v40+s12+$0x0], $0xffff  }
0xba: {  	v48 =	vadd.s32 s21, v12;
	[tilespmem:s19+$0x210] =	vst v35;
	v49 =	vld.idx.msk [tilespmem:v41+s12+$0x0], $0xffff  }
0xbb: {  	v51 =	vadd.s32 s16, v15;
	[tilespmem:s15+$0x320] =	vst v36;
	v36 =	vld.idx.msk [tilespmem:v63+s12+$0x0], $0xffff  }
0xbc: {  	v52 =	vadd.s32 s17, v15;
	[tilespmem:s15+$0xFFFFFF20] =	vst v38;
	v37 =	vld.idx.msk [tilespmem:v60+s12+$0x0], $0xffff  }
0xbd: {  	v42 =	vadd.s32 s22, v11;
	[tilespmem:s15+$0xFFFFFD00] =	vst v46;
	v47 =	vld.idx.msk [tilespmem:v62+s12+$0x0], $0xffff  }
0xbe: {  	v50 =	vadd.s32 s20, v11;
	v55 =	vld.idx.msk [tilespmem:v31+s12+$0x0], $0xffff;
	[tilespmem:s15+$0x120] =	vst v40  }
0xbf: {  	[tilespmem:s19+$0xFFFFFE10] =	vst v49;
	v34 =	vld.idx.msk [tilespmem:v48+s12+$0x0], $0xffff  }
0xc0: {  	v43 =	vadd.s32 $0x190, v13;
	v54 =	vadd.s32 s18, v15;
	v59 =	vld.idx.msk [tilespmem:v51+s12+$0x0], $0xffff;
	[tilespmem:s19+$0x10] =	vst v36  }
0xc1: {  	v61 =	vadd.s32 s3, v43;
	[tilespmem:s15+$0x330] =	vst v37;
	v60 =	vld.idx.msk [tilespmem:v52+s12+$0x0], $0xffff  }
0xc2: {  	v58 =	vadd.s32 s21, v11;
	[tilespmem:s15+$0xFFFFFF30] =	vst v47;
	v53 =	vld.idx.msk [tilespmem:v42+s12+$0x0], $0xffff  }
0xc3: {  	v57 =	vld.idx.msk [tilespmem:v50+s12+$0x0], $0xffff;
	[tilespmem:$0x1FE40] =	vst v43  }
0xc4: {  	v62 =	vadd.s32 s16, v16;
	[tilespmem:s15+$0x130] =	vst v34  }
0xc5: {  	v63 =	vadd.s32 s17, v16;
	v38 =	vld.idx.msk [tilespmem:v54+s12+$0x0], $0xffff;
	[tilespmem:s15+$0xFFFFFD10] =	vst v55  }
0xc6: {  	v56 =	vadd.s32 s22, v10;
	[tilespmem:s19+$0xFFFFFE20] =	vst v59;
	v48 =	vld.idx.msk [tilespmem:v61+s12+$0x0], $0xffff  }
0xc7: {  	v39 =	vld.idx.msk [tilespmem:v58+s12+$0x0], $0xffff;
	[tilespmem:s19+$0x20] =	vst v60  }
0xc8: {  	v45 =	vadd.s32 s18, v16;
	v46 =	vld.idx.msk [tilespmem:v24+s12+$0x0], $0xffff;
	[tilespmem:s15+$0x340] =	vst v53  }
0xc9: {  	v49 =	vadd.s32 s21, v10;
	v51 =	vld.idx.msk [tilespmem:v62+s12+$0x0], $0xffff;
	[tilespmem:s15+$0xFFFFFF40] =	vst v57  }
0xca: {  	v50 =	vadd.s32 $0x190, v14;
	v34 =	vld.idx.msk [tilespmem:v63+s12+$0x0], $0xffff;
	[tilespmem:s19+$0x220] =	vst v38  }
0xcb: {  	v52 =	vadd.s32 s3, v50;
	v41 =	vld.idx.msk [tilespmem:v56+s12+$0x0], $0xffff;
	[tilespmem:$0x1FE50] =	vst v50  }
0xcc: {  	v53 =	vadd.s32 s16, v17;
	[tilespmem:s15+$0x140] =	vst v39  }
0xcd: {  	v54 =	vadd.s32 s17, v17;
	v32 =	vld.idx.msk [tilespmem:v45+s12+$0x0], $0xffff;
	[tilespmem:s15+$0xFFFFFD20] =	vst v46  }
0xce: {  	v47 =	vadd.s32 s22, v9;
	[tilespmem:s19+$0xFFFFFC00] =	vst v48;
	v37 =	vld.idx.msk [tilespmem:v49+s12+$0x0], $0xffff  }
0xcf: {  	[tilespmem:s19+$0xFFFFFE30] =	vst v51;
	v56 =	vld.idx.msk [tilespmem:v12+s12+$0x0], $0xffff  }
0xd0: {  	v55 =	vadd.s32 s18, v17;
	v58 =	vld.idx.msk [tilespmem:v52+s12+$0x0], $0xffff;
	[tilespmem:s19+$0x30] =	vst v34  }
0xd1: {  	v62 =	vadd.s32 s20, v10;
	v61 =	vld.idx.msk [tilespmem:v53+s12+$0x0], $0xffff;
	[tilespmem:s15+$0x350] =	vst v41  }
0xd2: {  	v59 =	vadd.s32 s21, v9;
	v60 =	vadd.s32 $0x190, v15;
	v63 =	vld.idx.msk [tilespmem:v54+s12+$0x0], $0xffff;
	[tilespmem:s19+$0x230] =	vst v32  }
0xd3: {  	v45 =	vadd.s32 s3, v60;
	v41 =	vld.idx.msk [tilespmem:v47+s12+$0x0], $0xffff;
	[tilespmem:$0x1FE60] =	vst v60  }
0xd4: {  	v57 =	vadd.s32 s22, v8;
	[tilespmem:s15+$0x150] =	vst v37  }
0xd5: {  	v46 =	vadd.s32 s16, v18;
	v33 =	vld.idx.msk [tilespmem:v55+s12+$0x0], $0xffff;
	[tilespmem:s15+$0xFFFFFD30] =	vst v56  }
0xd6: {  	v47 =	vadd.s32 s17, v18;
	[tilespmem:s19+$0xFFFFFC10] =	vst v58;
	v49 =	vld.idx.msk [tilespmem:v62+s12+$0x0], $0xffff  }
0xd7: {  	[tilespmem:s19+$0xFFFFFE40] =	vst v61;
	v38 =	vld.idx.msk [tilespmem:v59+s12+$0x0], $0xffff  }
0xd8: {  	v48 =	vadd.s32 s18, v18;
	v51 =	vld.idx.msk [tilespmem:v45+s12+$0x0], $0xffff;
	[tilespmem:s15+$0x360] =	vst v41  }
0xd9: {  	[tilespmem:s19+$0x40] =	vst v63;
	v42 =	vld.idx.msk [tilespmem:v57+s12+$0x0], $0xffff  }
0xda: {  	v50 =	vadd.s32 s22, v7;
	v53 =	vadd.s32 $0x190, v16;
	v54 =	vld.idx.msk [tilespmem:v46+s12+$0x0], $0xffff;
	[tilespmem:s19+$0x240] =	vst v33  }
0xdb: {  	v52 =	vadd.s32 s21, v8;
	v56 =	vld.idx.msk [tilespmem:v47+s12+$0x0], $0xffff;
	[tilespmem:$0x1FE70] =	vst v53  }
0xdc: {  	v55 =	vadd.s32 s20, v9;
	[tilespmem:s15+$0x160] =	vst v38  }
0xdd: {  	v57 =	vadd.s32 s3, v53;
	v36 =	vld.idx.msk [tilespmem:v48+s12+$0x0], $0xffff;
	[tilespmem:s15+$0xFFFFFF50] =	vst v49  }
0xde: {  	v58 =	vadd.s32 s17, v19;
	v47 =	vld.idx.msk [tilespmem:v11+s12+$0x0], $0xffff;
	[tilespmem:s15+$0x370] =	vst v42  }
0xdf: {  	[tilespmem:s19+$0xFFFFFC20] =	vst v51;
	v40 =	vld.idx.msk [tilespmem:v50+s12+$0x0], $0xffff  }
0xe0: {  	v59 =	vadd.s32 s18, v19;
	[tilespmem:s19+$0xFFFFFE50] =	vst v54;
	v39 =	vld.idx.msk [tilespmem:v52+s12+$0x0], $0xffff  }
0xe1: {  	v46 =	vadd.s32 s16, v19;
	[tilespmem:s19+$0x50] =	vst v56;
	v60 =	vld.idx.msk [tilespmem:v55+s12+$0x0], $0xffff  }
0xe2: {  	v61 =	vadd.s32 s22, v6;
	v45 =	vadd.s32 $0x190, v17;
	v62 =	vld.idx.msk [tilespmem:v57+s12+$0x0], $0xffff;
	[tilespmem:s19+$0x250] =	vst v36  }
0xe3: {  	v63 =	vadd.s32 s21, v7;
	v48 =	vld.idx.msk [tilespmem:v58+s12+$0x0], $0xffff;
	[tilespmem:$0x1FE80] =	vst v45  }
0xe4: {  	v49 =	vadd.s32 s3, v45;
	[tilespmem:s15+$0x380] =	vst v40  }
0xe5: {  	v35 =	vld.idx.msk [tilespmem:v59+s12+$0x0], $0xffff;
	[tilespmem:s15+$0x170] =	vst v39  }
0xe6: {  	v50 =	vadd.s32 s17, v20;
	[tilespmem:s15+$0xFFFFFF60] =	vst v60;
	v52 =	vld.idx.msk [tilespmem:v46+s12+$0x0], $0xffff  }
0xe7: {  	[tilespmem:s19+$0xFFFFFC30] =	vst v62;
	v40 =	vld.idx.msk [tilespmem:v61+s12+$0x0], $0xffff  }
0xe8: {  	v51 =	vadd.s32 s18, v20;
	[tilespmem:s15+$0xFFFFFD40] =	vst v47;
	v37 =	vld.idx.msk [tilespmem:v63+s12+$0x0], $0xffff  }
0xe9: {  	v53 =	vadd.s32 s22, v5;
	[tilespmem:s19+$0x60] =	vst v48;
	v38 =	vld.idx.msk [tilespmem:v49+s12+$0x0], $0xffff  }
0xea: {  	v55 =	vadd.s32 $0x190, v18;
	v42 =	vld.idx.msk [tilespmem:v10+s12+$0x0], $0xffff;
	[tilespmem:s19+$0x260] =	vst v35  }
0xeb: {  	v54 =	vadd.s32 s21, v6;
	v57 =	vld.idx.msk [tilespmem:v50+s12+$0x0], $0xffff;
	[tilespmem:$0x1FE90] =	vst v55  }
0xec: {  	v56 =	vadd.s32 s16, v20;
	[tilespmem:s15+$0x390] =	vst v40  }
0xed: {  	v58 =	vadd.s32 s3, v55;
	v34 =	vld.idx.msk [tilespmem:v51+s12+$0x0], $0xffff;
	[tilespmem:s15+$0x180] =	vst v37  }
0xee: {  	[tilespmem:s19+$0xFFFFFE60] =	vst v52;
	v33 =	vld.idx.msk [tilespmem:v53+s12+$0x0], $0xffff  }
0xef: {  	v59 =	vadd.s32 s17, v21;
	[tilespmem:s19+$0xFFFFFC40] =	vst v38  }
0xf0: {  	v60 =	vadd.s32 s18, v21;
	[tilespmem:s15+$0xFFFFFD50] =	vst v42;
	v61 =	vld.idx.msk [tilespmem:v54+s12+$0x0], $0xffff  }
0xf1: {  	v62 =	vadd.s32 s22, v4;
	[tilespmem:s19+$0x70] =	vst v57;
	v36 =	vld.idx.msk [tilespmem:v56+s12+$0x0], $0xffff  }
0xf2: {  	v39 =	vld.idx.msk [tilespmem:v58+s12+$0x0], $0xffff;
	[tilespmem:s19+$0x270] =	vst v34  }
0xf3: {  	v46 =	vadd.s32 $0x190, v19;
	v63 =	vadd.s32 s21, v5;
	v42 =	vld.idx.msk [tilespmem:v9+s12+$0x0], $0xffff;
	[tilespmem:s15+$0x3A0] =	vst v33  }
0xf4: {  	v45 =	vadd.s32 s16, v21;
	v47 =	vld.idx.msk [tilespmem:v59+s12+$0x0], $0xffff;
	[tilespmem:$0x1FEA0] =	vst v46  }
0xf5: {  	v48 =	vadd.s32 s20, v8;
	v32 =	vld.idx.msk [tilespmem:v60+s12+$0x0], $0xffff;
	[tilespmem:s15+$0x190] =	vst v61  }
0xf6: {  	v49 =	vadd.s32 s3, v46;
	v38 =	vld.idx.msk [tilespmem:v62+s12+$0x0], $0xffff;
	[tilespmem:s19+$0xFFFFFE70] =	vst v36  }
0xf7: {  	[tilespmem:s19+$0xFFFFFC50] =	vst v39  }
0xf8: {  	v50 =	vadd.s32 s18, v22;
	[tilespmem:s15+$0xFFFFFD60] =	vst v42;
	v40 =	vld.idx.msk [tilespmem:v63+s12+$0x0], $0xffff  }
0xf9: {  	v51 =	vadd.s32 s22, v3;
	[tilespmem:s19+$0x80] =	vst v47;
	v35 =	vld.idx.msk [tilespmem:v45+s12+$0x0], $0xffff  }
0xfa: {  	v37 =	vld.idx.msk [tilespmem:v48+s12+$0x0], $0xffff;
	[tilespmem:s19+$0x280] =	vst v32  }
0xfb: {  	v52 =	vadd.s32 s17, v22;
	v54 =	vadd.s32 $0x190, v20;
	v33 =	vld.idx.msk [tilespmem:v49+s12+$0x0], $0xffff;
	[tilespmem:s15+$0x3B0] =	vst v38  }
0xfc: {  	v53 =	vadd.s32 s16, v22;
	v55 =	vld.idx.msk [tilespmem:v8+s12+$0x0], $0xffff;
	[tilespmem:$0x1FEB0] =	vst v54  }
0xfd: {  	v56 =	vadd.s32 s20, v7;
	v36 =	vld.idx.msk [tilespmem:v50+s12+$0x0], $0xffff;
	[tilespmem:s15+$0x1A0] =	vst v40  }
0xfe: {  	v57 =	vadd.s32 s3, v54;
	v39 =	vld.idx.msk [tilespmem:v51+s12+$0x0], $0xffff;
	[tilespmem:s19+$0xFFFFFE80] =	vst v35  }
0xff: {  	[tilespmem:s15+$0xFFFFFF70] =	vst v37  }
0x100: {  	v59 =	vadd.s32 s18, v23;
	v58 =	vld.idx.msk [tilespmem:v52+s12+$0x0], $0xffff;
	[tilespmem:s19+$0xFFFFFC60] =	vst v33  }
0x101: {  	v60 =	vadd.s32 s22, v2;
	[tilespmem:s15+$0xFFFFFD70] =	vst v55;
	v34 =	vld.idx.msk [tilespmem:v53+s12+$0x0], $0xffff  }
0x102: {  	v61 =	vadd.s32 s17, v23;
	v62 =	vld.idx.msk [tilespmem:v56+s12+$0x0], $0xffff;
	[tilespmem:s19+$0x290] =	vst v36  }
0x103: {  	v46 =	vadd.s32 $0x190, v21;
	v45 =	vadd.s32 s16, v23;
	v63 =	vld.idx.msk [tilespmem:v57+s12+$0x0], $0xffff;
	[tilespmem:s15+$0x3C0] =	vst v39  }
0x104: {  	v48 =	vadd.s32 s20, v6;
	v47 =	vld.idx.msk [tilespmem:v7+s12+$0x0], $0xffff;
	[tilespmem:$0x1FEC0] =	vst v46  }
0x105: {  	v49 =	vadd.s32 s3, v46;
	v40 =	vld.idx.msk [tilespmem:v59+s12+$0x0], $0xffff;
	[tilespmem:s19+$0x90] =	vst v58  }
0x106: {  	v50 =	vld.idx.msk [tilespmem:v60+s12+$0x0], $0xffff;
	[tilespmem:s19+$0xFFFFFE90] =	vst v34  }
0x107: {  	[tilespmem:s15+$0xFFFFFF80] =	vst v62;
	v33 =	vld.idx.msk [tilespmem:v61+s12+$0x0], $0xffff  }
0x108: {  	v51 =	vadd.s32 s18, v25;
	[tilespmem:s19+$0xFFFFFC70] =	vst v63;
	v52 =	vld.idx.msk [tilespmem:v45+s12+$0x0], $0xffff  }
0x109: {  	v53 =	vadd.s32 s22, v1;
	[tilespmem:s15+$0xFFFFFD80] =	vst v47;
	v41 =	vld.idx.msk [tilespmem:v48+s12+$0x0], $0xffff  }
0x10a: {  	v54 =	vadd.s32 s17, v25;
	v55 =	vld.idx.msk [tilespmem:v49+s12+$0x0], $0xffff;
	[tilespmem:s19+$0x2A0] =	vst v40  }
0x10b: {  	v56 =	vadd.s32 s16, v25;
	[tilespmem:s15+$0x3D0] =	vst v50  }
0x10c: {  	v58 =	vadd.s32 s21, v4;
	v57 =	vld.idx.msk [tilespmem:v6+s12+$0x0], $0xffff;
	[tilespmem:s19+$0xA0] =	vst v33  }
0x10d: {  	v59 =	vadd.s32 s20, v5;
	v62 =	vadd.s32 $0x190, v22;
	v34 =	vld.idx.msk [tilespmem:v51+s12+$0x0], $0xffff;
	[tilespmem:s19+$0xFFFFFEA0] =	vst v52  }
0x10e: {  	v46 =	vadd.s32 s3, v62;
	v60 =	vld.idx.msk [tilespmem:v53+s12+$0x0], $0xffff;
	[tilespmem:s15+$0xFFFFFF90] =	vst v41  }
0x10f: {  	[tilespmem:s19+$0xFFFFFC80] =	vst v55;
	v32 =	vld.idx.msk [tilespmem:v54+s12+$0x0], $0xffff  }
0x110: {  	v61 =	vadd.s32 s18, v26;
	v63 =	vld.idx.msk [tilespmem:v56+s12+$0x0], $0xffff;
	[tilespmem:$0x1FED0] =	vst v62  }
0x111: {  	v45 =	vadd.s32 s22, v0;
	v47 =	vld.idx.msk [tilespmem:v58+s12+$0x0], $0xffff;
	[tilespmem:s15+$0xFFFFFD90] =	vst v57  }
0x112: {  	v48 =	vadd.s32 s16, v26;
	v35 =	vld.idx.msk [tilespmem:v59+s12+$0x0], $0xffff;
	[tilespmem:s19+$0x2B0] =	vst v34  }
0x113: {  	v49 =	vadd.s32 s17, v26;
	v36 =	vld.idx.msk [tilespmem:v46+s12+$0x0], $0xffff;
	[tilespmem:s15+$0x3E0] =	vst v60  }
0x114: {  	v50 =	vld.idx.msk [tilespmem:v5+s12+$0x0], $0xffff;
	[tilespmem:s19+$0xB0] =	vst v32  }
0x115: {  	v52 =	vadd.s32 s20, v4;
	v51 =	vld.idx.msk [tilespmem:v61+s12+$0x0], $0xffff;
	[tilespmem:s19+$0xFFFFFEB0] =	vst v63  }
0x116: {  	v57 =	vadd.s32 s21, v3;
	v53 =	vld.idx.msk [tilespmem:v45+s12+$0x0], $0xffff;
	[tilespmem:s15+$0x1B0] =	vst v47  }
0x117: {  	v55 =	vadd.s32 $0x190, v23;
	v56 =	vld.idx.msk [tilespmem:v48+s12+$0x0], $0xffff;
	[tilespmem:s15+$0xFFFFFFA0] =	vst v35  }
0x118: {  	v58 =	vadd.s32 s3, v55;
	v34 =	vld.idx.msk [tilespmem:v49+s12+$0x0], $0xffff;
	[tilespmem:$0x1FEE0] =	vst v55  }
0x119: {  	v54 =	vadd.s32 s18, v27;
	[tilespmem:s15+$0xFFFFFDA0] =	vst v50  }
0x11a: {  	v59 =	vadd.s32 s16, v27;
	v37 =	vld.idx.msk [tilespmem:v52+s12+$0x0], $0xffff;
	[tilespmem:s19+$0xFFFFFC90] =	vst v36  }
0x11b: {  	v60 =	vadd.s32 s17, v27;
	v63 =	vld.idx.msk [tilespmem:v57+s12+$0x0], $0xffff;
	[tilespmem:s19+$0x2C0] =	vst v51  }
0x11c: {  	v42 =	vld.idx.msk [tilespmem:v4+s12+$0x0], $0xffff;
	[tilespmem:s15+$0x3F0] =	vst v53  }
0x11d: {  	v62 =	vadd.s32 s20, v3;
	v35 =	vld.idx.msk [tilespmem:v58+s12+$0x0], $0xffff;
	[tilespmem:s19+$0xFFFFFEC0] =	vst v56  }
0x11e: {  	v61 =	vld.idx.msk [tilespmem:v54+s12+$0x0], $0xffff;
	[tilespmem:s19+$0xC0] =	vst v34  }
0x11f: {  	v46 =	vadd.s32 $0x190, v25;
	v48 =	vadd.s32 s21, v2;
	v47 =	vld.idx.msk [tilespmem:v59+s12+$0x0], $0xffff;
	[tilespmem:s15+$0xFFFFFFB0] =	vst v37  }
0x120: {  	v45 =	vadd.s32 s18, v28;
	v33 =	vld.idx.msk [tilespmem:v60+s12+$0x0], $0xffff;
	[tilespmem:$0x1FEF0] =	vst v46  }
0x121: {  	v49 =	vadd.s32 s3, v46;
	[tilespmem:s15+$0xFFFFFDB0] =	vst v42  }
0x122: {  	v50 =	vadd.s32 s16, v28;
	v38 =	vld.idx.msk [tilespmem:v62+s12+$0x0], $0xffff;
	[tilespmem:s15+$0x1C0] =	vst v63  }
0x123: {  	v51 =	vadd.s32 s17, v28;
	[tilespmem:s19+$0xFFFFFCA0] =	vst v35;
	v42 =	vld.idx.msk [tilespmem:v3+s12+$0x0], $0xffff  }
0x124: {  	[tilespmem:s19+$0x2D0] =	vst v61;
	v54 =	vld.idx.msk [tilespmem:v48+s12+$0x0], $0xffff  }
0x125: {  	v53 =	vadd.s32 s20, v2;
	v52 =	vld.idx.msk [tilespmem:v45+s12+$0x0], $0xffff;
	[tilespmem:s19+$0xFFFFFED0] =	vst v47  }
0x126: {  	v55 =	vld.idx.msk [tilespmem:v49+s12+$0x0], $0xffff;
	[tilespmem:s19+$0xD0] =	vst v33  }
0x127: {  	v57 =	vadd.s32 $0x190, v26;
	v56 =	vadd.s32 s18, v29;
	v58 =	vld.idx.msk [tilespmem:v50+s12+$0x0], $0xffff;
	[tilespmem:s15+$0xFFFFFFC0] =	vst v38  }
0x128: {  	v59 =	vadd.s32 s21, v1;
	v32 =	vld.idx.msk [tilespmem:v51+s12+$0x0], $0xffff;
	[tilespmem:$0x1FF00] =	vst v57  }
0x129: {  	v60 =	vadd.s32 s3, v57;
	[tilespmem:s15+$0xFFFFFDC0] =	vst v42  }
0x12a: {  	v61 =	vadd.s32 s16, v29;
	v39 =	vld.idx.msk [tilespmem:v53+s12+$0x0], $0xffff;
	[tilespmem:s19+$0x2E0] =	vst v52  }
0x12b: {  	[tilespmem:s15+$0x1D0] =	vst v54;
	v42 =	vld.idx.msk [tilespmem:v2+s12+$0x0], $0xffff  }
0x12c: {  	[tilespmem:s19+$0xFFFFFCB0] =	vst v55;
	v63 =	vld.idx.msk [tilespmem:v56+s12+$0x0], $0xffff  }
0x12d: {  	v62 =	vadd.s32 s17, v29;
	v49 =	vld.idx.msk [tilespmem:v59+s12+$0x0], $0xffff;
	[tilespmem:s19+$0xFFFFFEE0] =	vst v58  }
0x12e: {  	v50 =	vadd.s32 $0x190, v27;
	v51 =	vld.idx.msk [tilespmem:v60+s12+$0x0], $0xffff;
	[tilespmem:s19+$0xE0] =	vst v32  }
0x12f: {  	v53 =	vld.idx.msk [tilespmem:v61+s12+$0x0], $0xffff;
	[tilespmem:$0x1FF10] =	vst v50  }
0x130: {  	v48 =	vadd.s32 s20, v1;
	[tilespmem:s15+$0xFFFFFFD0] =	vst v39  }
0x131: {  	v58 =	vadd.s32 $0x190, v30;
	[tilespmem:s15+$0xFFFFFDD0] =	vst v42  }
0x132: {  	v59 =	vadd.s32 $0x190, v31;
	v36 =	vld.idx.msk [tilespmem:v62+s12+$0x0], $0xffff;
	[tilespmem:$0x1FF20] =	vst v58  }
0x133: {  	v52 =	vadd.s32 s18, v30;
	[tilespmem:$0x1FF30] =	vst v59  }
0x134: {  	v40 =	vadd.s32 s3, v50;
	v61 =	vadd.s32 $0x190, v24;
	[tilespmem:s19+$0x2F0] =	vst v63  }
0x135: {  	v55 =	vadd.s32 s16, v30;
	v37 =	vld.idx.msk [tilespmem:v48+s12+$0x0], $0xffff;
	[tilespmem:$0x1FF40] =	vst v61  }
0x136: {  	[tilespmem:s15+$0x1E0] =	vst v49  }
0x137: {  	v60 =	vadd.s32 s17, v30;
	v42 =	vld.idx.msk [tilespmem:v1+s12+$0x0], $0xffff;
	[tilespmem:s19+$0xFFFFFCC0] =	vst v51  }
0x138: {  	v63 =	vadd.s32 s20, v0;
	v38 =	vld.idx.msk [tilespmem:v52+s12+$0x0], $0xffff;
	[tilespmem:s19+$0xFFFFFEF0] =	vst v53  }
0x139: {  	v45 =	vadd.s32 $0x190, v28;
	v62 =	vadd.s32 s21, v0;
	[tilespmem:s19+$0xF0] =	vst v36;
	v40 =	vld.idx.msk [tilespmem:v40+s12+$0x0], $0xffff  }
0x13a: {  	v44 =	vadd.s32 s18, v31;
	v39 =	vld.idx.msk [tilespmem:v55+s12+$0x0], $0xffff;
	[tilespmem:$0x1FF50] =	vst v45  }
0x13b: {  	[tilespmem:s15+$0xFFFFFFE0] =	vst v37  }
0x13c: {  	v47 =	vld.idx.msk [tilespmem:v60+s12+$0x0], $0xffff;
	[tilespmem:s15+$0xFFFFFDE0] =	vst v42  }
0x13d: {  	v55 =	vld.idx.msk [tilespmem:v63+s12+$0x0], $0xffff;
	[tilespmem:s19+$0x300] =	vst v38  }
0x13e: {  	v46 =	vadd.s32 $0x190, v2;
	v45 =	vadd.s32 s3, v45;
	v42 =	vld.idx.msk [tilespmem:v62+s12+$0x0], $0xffff;
	[tilespmem:s19+$0xFFFFFCD0] =	vst v40  }
0x13f: {  	v57 =	vadd.s32 $0x190, v1;
	v50 =	vld.idx.msk [tilespmem:v44+s12+$0x0], $0xffff;
	[tilespmem:$0x1FF60] =	vst v46  }
0x140: {  	v52 =	vadd.s32 $0x190, v0;
	[tilespmem:$0x1FF70] =	vst v57  }
0x141: {  	[tilespmem:$0x1FF80] =	vst v52  }
0x142: {  	v48 =	vadd.s32 s16, v31;
	v37 =	vadd.s32 $0x190, v5;
	[tilespmem:s19+$0xFFFFFF00] =	vst v39  }
0x143: {  	v51 =	vadd.s32 $0x190, v4;
	v41 =	vadd.s32 s3, v52;
	v52 =	vld.idx.msk [tilespmem:v45+s12+$0x0], $0xffff;
	[tilespmem:$0x1FF90] =	vst v37  }
0x144: {  	v35 =	vadd.s32 $0x190, v3;
	[tilespmem:$0x1FFA0] =	vst v51  }
0x145: {  	v49 =	vadd.s32 s17, v31;
	[tilespmem:$0x1FFB0] =	vst v35  }
0x146: {  	v36 =	vadd.s32 $0x190, v7;
	[tilespmem:s19+$0x100] =	vst v47  }
0x147: {  	v54 =	vadd.s32 $0x190, v6;
	v38 =	vadd.s32 s3, v37;
	v37 =	vadd.s32 s3, v51;
	v51 =	vld.idx.msk [tilespmem:v48+s12+$0x0], $0xffff;
	[tilespmem:$0x1FFC0] =	vst v36  }
0x148: {  	v34 =	vadd.s32 $0x190, v10;
	[tilespmem:$0x1FFD0] =	vst v54  }
0x149: {  	v33 =	vadd.s32 $0x190, v8;
	v43 =	vadd.s32 s3, v57;
	v56 =	vadd.s32 $0x190, v29;
	[tilespmem:s15+$0x1F0] =	vst v42  }
0x14a: {  	v32 =	vadd.s32 $0x190, v9;
	v58 =	vadd.s32 $0x190, v12;
	v39 =	vadd.s32 s3, v54;
	v54 =	vld.idx.msk [tilespmem:v49+s12+$0x0], $0xffff;
	[tilespmem:$0x1FFE0] =	vst v34  }
0x14b: {  	v59 =	vadd.s32 $0x190, v11;
	v53 =	vadd.s32 s18, v24;
	v62 =	vadd.s32 s16, v24;
	[tilespmem:$0x1FFF0] =	vst v32  }
0x14c: {  	v40 =	vadd.s32 s3, v36;
	v44 =	vadd.s32 s3, v32;
	v46 =	vadd.s32 s3, v46;
	v48 =	vld.idx.msk [tilespmem:v0+s12+$0x0], $0xffff  }
0x14d: {  	s23 =	simm.s32 $0x320;
	v57 =	vadd.s32 s3, v35;
	v45 =	vadd.s32 s3, v34;
	v35 =	vmovc v59;
	v47 =	vadd.s32 s3, v59;
	v36 =	vmovc v33  }
0x14e: {  	s22 =	simm.s32 $0x0;
	s21 =	simm.s32 $0x4;
	s20 =	simm.s32 $0x190;
	v42 =	vadd.s32 s3, v33;
	v33 =	vmovc v56;
	v49 =	vadd.s32 s3, v58;
	v34 =	vmovc v58;
	[tilespmem:s15+$0xFFFFFFF0] =	vst v55;
	v55 =	vadd.s32 s3, v56  }
.LBB2_2:
0x14f: {  	v61 =	vld [tilespmem:$0x1FF30];
	_ =	sdelay $0x1  }
0x150: {  	s24 =	sadd.s32 $0x64, s23;
	v32 =	vld [tilespmem:$0x1FF20];
	[tilespmem:s15+$0xFFFFFDF0] =	vst v48  }
0x151: {  	s25 =	sadd.s32 $0xC8, s23;
	[tilespmem:s19+$0x310] =	vst v50;
	v48 =	vadd.s32 s24, v13  }
0x152: {  	v63 =	vld [tilespmem:$0x1FF40];
	s26 =	sadd.s32 $0x12C, s23;
	[tilespmem:s19+$0xFFFFFCE0] =	vst v52;
	v50 =	vadd.s32 s25, v13  }
0x153: {  	[tilespmem:s19+$0xFFFFFF10] =	vst v51;
	v52 =	vld.idx.msk [tilespmem:v55+s12+$0x0], $0xffff;
	v58 =	vadd.s32 s22, v61;
	v61 =	vadd.s32 s26, v13  }
0x154: {  	v53 =	vld.idx.msk [tilespmem:v53+s12+$0x0], $0xffff;
	[tilespmem:s19+$0x110] =	vst v54;
	v54 =	vadd.s32 s17, v24  }
0x155: {  	v55 =	vld.idx.msk [tilespmem:v62+s12+$0x0], $0xffff;
	v56 =	vadd.s32 s22, v32;
	v32 =	vadd.s32 s18, v12  }
0x156: {  	v60 =	vadd.s32 s24, v24;
	v48 =	vld.idx.msk [tilespmem:v48+s12+$0x0], $0xffff  }
0x157: {  	v62 =	vmov v60;
	v60 =	vadd.s32 s16, v12;
	v50 =	vld.idx.msk [tilespmem:v50+s12+$0x0], $0xffff  }
0x158: {  	v59 =	vadd.s32 s22, v63;
	v63 =	vadd.s32 s24, v14;
	[tilespmem:s19+$0xFFFFFCF0] =	vst v52;
	v61 =	vld.idx.msk [tilespmem:v61+s12+$0x0], $0xffff  }
0x159: {  	s15 =	smov.u32 s19;
	v52 =	vld.idx.msk [tilespmem:v54+s12+$0x0], $0xffff;
	[tilespmem:s19+$0x320] =	vst v53;
	v53 =	vadd.s32 s25, v14  }
0x15a: {  	[tilespmem:s15+$0xFFFFFF20] =	vst v55;
	s19 =	sadd.s32 $0x800, s19;
	v51 =	vld.idx.msk [tilespmem:v32+s12+$0x0], $0xffff;
	v32 =	vadd.s32 s26, v14  }
0x15b: {  	v54 =	vld.idx.msk [tilespmem:v56+s12+$0x0], $0xffff;
	v56 =	vadd.s32 s17, v12;
	[tilespmem:s19+$0xFFFFFE00] =	vst v48  }
0x15c: {  	[tilespmem:s19+$0x0] =	vst v50;
	v48 =	vld.idx.msk [tilespmem:v60+s12+$0x0], $0xffff  }
0x15d: {  	v55 =	vadd.s32 s18, v11;
	v60 =	vld.idx.msk [tilespmem:v63+s12+$0x0], $0xffff;
	[tilespmem:s19+$0x200] =	vst v61  }
0x15e: {  	v50 =	vld.idx.msk [tilespmem:v53+s12+$0x0], $0xffff;
	v61 =	vadd.s32 s24, v15;
	[tilespmem:s15+$0x120] =	vst v52  }
0x15f: {  	v32 =	vld.idx.msk [tilespmem:v32+s12+$0x0], $0xffff;
	[tilespmem:s15+$0x330] =	vst v51;
	v51 =	vadd.s32 s25, v15  }
0x160: {  	[tilespmem:s15+$0xFFFFFD00] =	vst v54;
	v54 =	vld.idx.msk [tilespmem:v56+s12+$0x0], $0xffff  }
0x161: {  	v53 =	vadd.s32 s16, v11;
	v56 =	vld.idx.msk [tilespmem:v58+s12+$0x0], $0xffff;
	[tilespmem:s15+$0xFFFFFF30] =	vst v48  }
0x162: {  	v52 =	vld.idx.msk [tilespmem:v55+s12+$0x0], $0xffff;
	v55 =	vadd.s32 s26, v15;
	[tilespmem:s19+$0xFFFFFE10] =	vst v60  }
0x163: {  	v48 =	vadd.s32 s18, v10;
	v60 =	vld.idx.msk [tilespmem:v61+s12+$0x0], $0xffff;
	[tilespmem:s19+$0x10] =	vst v50  }
0x164: {  	v58 =	vadd.s32 s17, v11;
	v50 =	vld.idx.msk [tilespmem:v51+s12+$0x0], $0xffff  }
0x165: {  	v51 =	vld [tilespmem:$0x1FE40]  }
0x166: {  	v53 =	vld.idx.msk [tilespmem:v53+s12+$0x0], $0xffff;
	[tilespmem:s19+$0x210] =	vst v32  }
0x167: {  	v55 =	vld.idx.msk [tilespmem:v55+s12+$0x0], $0xffff;
	[tilespmem:s15+$0x340] =	vst v52;
	v52 =	vadd.s32 s25, v16  }
0x168: {  	v61 =	vadd.s32 s26, v16;
	[tilespmem:s15+$0x130] =	vst v54;
	v48 =	vld.idx.msk [tilespmem:v48+s12+$0x0], $0xffff  }
0x169: {  	s22 =	smov.u32 s20;
	v63 =	vadd.s32 s18, v9;
	[tilespmem:s15+$0xFFFFFD10] =	vst v56;
	v56 =	vld.idx.msk [tilespmem:v58+s12+$0x0], $0xffff  }
0x16a: {  	v58 =	vld.idx.msk [tilespmem:v59+s12+$0x0], $0xffff;
	[tilespmem:s19+$0xFFFFFE20] =	vst v60;
	v32 =	vadd.s32 s22, v51  }
0x16b: {  	v60 =	vld [tilespmem:$0x1FE50];
	v51 =	vadd.s32 s24, v16;
	[tilespmem:s19+$0x20] =	vst v50  }
0x16c: {  	v59 =	vadd.s32 s17, v10;
	v50 =	vld.idx.msk [tilespmem:v52+s12+$0x0], $0xffff;
	[tilespmem:s19+$0x220] =	vst v55  }
0x16d: {  	v54 =	vld.idx.msk [tilespmem:v61+s12+$0x0], $0xffff;
	[tilespmem:s15+$0x350] =	vst v48;
	v61 =	vadd.s32 s25, v17  }
0x16e: {  	[tilespmem:s15+$0xFFFFFF40] =	vst v53;
	v53 =	vld.idx.msk [tilespmem:v63+s12+$0x0], $0xffff  }
0x16f: {  	[tilespmem:s15+$0x140] =	vst v56;
	v32 =	vld.idx.msk [tilespmem:v32+s12+$0x0], $0xffff  }
0x170: {  	v51 =	vld.idx.msk [tilespmem:v51+s12+$0x0], $0xffff;
	[tilespmem:s15+$0xFFFFFD20] =	vst v58  }
0x171: {  	v58 =	vld.idx.msk [tilespmem:v59+s12+$0x0], $0xffff;
	[tilespmem:s19+$0x30] =	vst v50  }
0x172: {  	v52 =	vadd.s32 s22, v60;
	v48 =	vld.idx.msk [tilespmem:v61+s12+$0x0], $0xffff  }
0x173: {  	v63 =	vadd.s32 s26, v17;
	v61 =	vld [tilespmem:$0x1FE60]  }
0x174: {  	v55 =	vadd.s32 s24, v17  }
0x175: {  	v60 =	vadd.s32 s18, v8;
	[tilespmem:s19+$0xFFFFFC00] =	vst v32  }
0x176: {  	v50 =	vadd.s32 s16, v10;
	[tilespmem:s19+$0x230] =	vst v54;
	v32 =	vld.idx.msk [tilespmem:v49+s12+$0x0], $0xffff  }
0x177: {  	[tilespmem:s19+$0xFFFFFE30] =	vst v51;
	v51 =	vadd.s32 s17, v9;
	v52 =	vld.idx.msk [tilespmem:v52+s12+$0x0], $0xffff  }
0x178: {  	v56 =	vld.idx.msk [tilespmem:v63+s12+$0x0], $0xffff;
	v54 =	vadd.s32 s22, v61  }
0x179: {  	[tilespmem:s15+$0x360] =	vst v53;
	v63 =	vadd.s32 s25, v18;
	v55 =	vld.idx.msk [tilespmem:v55+s12+$0x0], $0xffff  }
0x17a: {  	[tilespmem:s15+$0x150] =	vst v58;
	v49 =	vld.idx.msk [tilespmem:v60+s12+$0x0], $0xffff  }
0x17b: {  	v60 =	vadd.s32 s26, v18;
	v50 =	vld.idx.msk [tilespmem:v50+s12+$0x0], $0xffff;
	[tilespmem:s15+$0xFFFFFD30] =	vst v32  }
0x17c: {  	v59 =	vadd.s32 s24, v18;
	v32 =	vld.idx.msk [tilespmem:v51+s12+$0x0], $0xffff;
	[tilespmem:s19+$0xFFFFFC10] =	vst v52  }
0x17d: {  	v61 =	vadd.s32 s18, v7;
	[tilespmem:s19+$0x40] =	vst v48;
	v52 =	vld.idx.msk [tilespmem:v54+s12+$0x0], $0xffff  }
0x17e: {  	[tilespmem:s19+$0x240] =	vst v56;
	v48 =	vadd.s32 s16, v9;
	v53 =	vld.idx.msk [tilespmem:v63+s12+$0x0], $0xffff  }
0x17f: {  	[tilespmem:s19+$0xFFFFFE40] =	vst v55;
	v54 =	vadd.s32 s17, v8;
	v63 =	vld [tilespmem:$0x1FE70]  }
0x180: {  	v58 =	vld.idx.msk [tilespmem:v60+s12+$0x0], $0xffff;
	[tilespmem:s15+$0x370] =	vst v49;
	v60 =	vadd.s32 s25, v19  }
0x181: {  	v55 =	vld.idx.msk [tilespmem:v59+s12+$0x0], $0xffff;
	[tilespmem:s15+$0xFFFFFF50] =	vst v50  }
0x182: {  	[tilespmem:s15+$0x160] =	vst v32;
	v32 =	vld.idx.msk [tilespmem:v61+s12+$0x0], $0xffff;
	v61 =	vadd.s32 s26, v19  }
0x183: {  	v48 =	vld.idx.msk [tilespmem:v48+s12+$0x0], $0xffff  }
0x184: {  	v56 =	vadd.s32 s22, v63;
	v50 =	vld.idx.msk [tilespmem:v54+s12+$0x0], $0xffff;
	[tilespmem:s19+$0x50] =	vst v53  }
0x185: {  	[tilespmem:s19+$0x250] =	vst v58;
	v63 =	vadd.s32 s18, v6;
	v49 =	vld.idx.msk [tilespmem:v60+s12+$0x0], $0xffff  }
0x186: {  	[tilespmem:s19+$0xFFFFFE50] =	vst v55;
	v55 =	vadd.s32 s17, v7;
	v60 =	vld [tilespmem:$0x1FE80]  }
0x187: {  	[tilespmem:s19+$0xFFFFFC20] =	vst v52;
	v51 =	vld.idx.msk [tilespmem:v61+s12+$0x0], $0xffff;
	v61 =	vadd.s32 s25, v20  }
0x188: {  	v47 =	vld.idx.msk [tilespmem:v47+s12+$0x0], $0xffff;
	[tilespmem:s15+$0x380] =	vst v32  }
0x189: {  	[tilespmem:s15+$0xFFFFFF60] =	vst v48;
	v54 =	vld.idx.msk [tilespmem:v56+s12+$0x0], $0xffff;
	v56 =	vadd.s32 s24, v19  }
0x18a: {  	[tilespmem:s15+$0x170] =	vst v50;
	v50 =	vld.idx.msk [tilespmem:v63+s12+$0x0], $0xffff;
	v63 =	vadd.s32 s26, v20  }
0x18b: {  	v53 =	vadd.s32 s22, v60;
	v48 =	vld.idx.msk [tilespmem:v55+s12+$0x0], $0xffff;
	[tilespmem:s19+$0x60] =	vst v49  }
0x18c: {  	v32 =	vld.idx.msk [tilespmem:v61+s12+$0x0], $0xffff  }
0x18d: {  	v55 =	vadd.s32 s18, v5;
	[tilespmem:s19+$0x260] =	vst v51;
	v61 =	vld [tilespmem:$0x1FE90]  }
0x18e: {  	[tilespmem:s19+$0xFFFFFC30] =	vst v54;
	v54 =	vld.idx.msk [tilespmem:v56+s12+$0x0], $0xffff  }
0x18f: {  	v51 =	vld.idx.msk [tilespmem:v63+s12+$0x0], $0xffff  }
0x190: {  	v53 =	vld.idx.msk [tilespmem:v53+s12+$0x0], $0xffff;
	[tilespmem:s15+$0xFFFFFD40] =	vst v47;
	v47 =	vadd.s32 s17, v6  }
0x191: {  	v60 =	vadd.s32 s24, v20;
	[tilespmem:s15+$0x390] =	vst v50  }
0x192: {  	v52 =	vadd.s32 s26, v21;
	[tilespmem:s15+$0x180] =	vst v48;
	v48 =	vld.idx.msk [tilespmem:v55+s12+$0x0], $0xffff  }
0x193: {  	v45 =	vld.idx.msk [tilespmem:v45+s12+$0x0], $0xffff;
	v49 =	vadd.s32 s22, v61  }
0x194: {  	v61 =	vld [tilespmem:$0x1FEA0];
	[tilespmem:s19+$0xFFFFFE60] =	vst v54  }
0x195: {  	[tilespmem:s19+$0x270] =	vst v51;
	v47 =	vld.idx.msk [tilespmem:v47+s12+$0x0], $0xffff  }
0x196: {  	v63 =	vadd.s32 s25, v21;
	[tilespmem:s19+$0xFFFFFC40] =	vst v53;
	v53 =	vld.idx.msk [tilespmem:v60+s12+$0x0], $0xffff  }
0x197: {  	v54 =	vadd.s32 s18, v4;
	v52 =	vld.idx.msk [tilespmem:v52+s12+$0x0], $0xffff  }
0x198: {  	[tilespmem:s19+$0x70] =	vst v32;
	v49 =	vld.idx.msk [tilespmem:v49+s12+$0x0], $0xffff  }
0x199: {  	v58 =	vadd.s32 s17, v5;
	[tilespmem:s15+$0xFFFFFD50] =	vst v45;
	v50 =	vadd.s32 s22, v61;
	v61 =	vld [tilespmem:$0x1FEB0]  }
0x19a: {  	[tilespmem:s15+$0x3A0] =	vst v48;
	v48 =	vadd.s32 s26, v22;
	v60 =	vld.idx.msk [tilespmem:v44+s12+$0x0], $0xffff  }
0x19b: {  	v59 =	vadd.s32 s24, v21;
	v44 =	vld.idx.msk [tilespmem:v63+s12+$0x0], $0xffff  }
0x19c: {  	v63 =	vadd.s32 s16, v8;
	[tilespmem:s15+$0x190] =	vst v47;
	v47 =	vld.idx.msk [tilespmem:v54+s12+$0x0], $0xffff  }
0x19d: {  	v54 =	vld [tilespmem:$0x1FEC0]  }
0x19e: {  	[tilespmem:s19+$0x280] =	vst v52;
	v45 =	vld.idx.msk [tilespmem:v58+s12+$0x0], $0xffff  }
0x19f: {  	[tilespmem:s19+$0xFFFFFE70] =	vst v53;
	v58 =	vadd.s32 s18, v3;
	v48 =	vld.idx.msk [tilespmem:v48+s12+$0x0], $0xffff  }
0x1a0: {  	[tilespmem:s19+$0xFFFFFC50] =	vst v49;
	v49 =	vld.idx.msk [tilespmem:v59+s12+$0x0], $0xffff;
	v59 =	vadd.s32 s25, v22  }
0x1a1: {  	[tilespmem:s15+$0xFFFFFD60] =	vst v60;
	v32 =	vld.idx.msk [tilespmem:v63+s12+$0x0], $0xffff;
	v60 =	vadd.s32 s24, v22  }
0x1a2: {  	[tilespmem:s19+$0x80] =	vst v44;
	v63 =	vadd.s32 s16, v7;
	v50 =	vld.idx.msk [tilespmem:v50+s12+$0x0], $0xffff  }
0x1a3: {  	v44 =	vadd.s32 s22, v61;
	v42 =	vld.idx.msk [tilespmem:v42+s12+$0x0], $0xffff;
	[tilespmem:s15+$0x3B0] =	vst v47  }
0x1a4: {  	[tilespmem:s15+$0x1A0] =	vst v45;
	v56 =	vld.idx.msk [tilespmem:v58+s12+$0x0], $0xffff  }
0x1a5: {  	[tilespmem:s19+$0xFFFFFE80] =	vst v49;
	v58 =	vld.idx.msk [tilespmem:v59+s12+$0x0], $0xffff;
	v59 =	vadd.s32 s26, v23  }
0x1a6: {  	v51 =	vld.idx.msk [tilespmem:v60+s12+$0x0], $0xffff;
	[tilespmem:s15+$0xFFFFFF70] =	vst v32;
	v60 =	vadd.s32 s18, v2  }
0x1a7: {  	v61 =	vadd.s32 s25, v23;
	[tilespmem:s19+$0xFFFFFC60] =	vst v50;
	v52 =	vld.idx.msk [tilespmem:v63+s12+$0x0], $0xffff  }
0x1a8: {  	v63 =	vadd.s32 s24, v23;
	v44 =	vld.idx.msk [tilespmem:v44+s12+$0x0], $0xffff;
	[tilespmem:s15+$0xFFFFFD70] =	vst v42  }
0x1a9: {  	v55 =	vadd.s32 s16, v6;
	[tilespmem:s19+$0x290] =	vst v48;
	v40 =	vld.idx.msk [tilespmem:v40+s12+$0x0], $0xffff  }
0x1aa: {  	v42 =	vadd.s32 s22, v54;
	v49 =	vld.idx.msk [tilespmem:v59+s12+$0x0], $0xffff;
	[tilespmem:s15+$0x3C0] =	vst v56  }
0x1ab: {  	[tilespmem:s19+$0x90] =	vst v58;
	v32 =	vld.idx.msk [tilespmem:v60+s12+$0x0], $0xffff  }
0x1ac: {  	v58 =	vadd.s32 s26, v25;
	[tilespmem:s19+$0xFFFFFE90] =	vst v51;
	v56 =	vld.idx.msk [tilespmem:v61+s12+$0x0], $0xffff  }
0x1ad: {  	v59 =	vld.idx.msk [tilespmem:v63+s12+$0x0], $0xffff;
	[tilespmem:s15+$0xFFFFFF80] =	vst v52  }
0x1ae: {  	v60 =	vadd.s32 s18, v1;
	[tilespmem:s19+$0xFFFFFC70] =	vst v44;
	v48 =	vld.idx.msk [tilespmem:v55+s12+$0x0], $0xffff  }
0x1af: {  	v61 =	vadd.s32 s25, v25;
	v42 =	vld.idx.msk [tilespmem:v42+s12+$0x0], $0xffff;
	[tilespmem:s15+$0xFFFFFD80] =	vst v40  }
0x1b0: {  	v63 =	vadd.s32 s24, v25;
	[tilespmem:s19+$0x2A0] =	vst v49;
	v39 =	vld.idx.msk [tilespmem:v39+s12+$0x0], $0xffff  }
0x1b1: {  	v53 =	vadd.s32 s17, v4;
	v47 =	vld.idx.msk [tilespmem:v58+s12+$0x0], $0xffff  }
0x1b2: {  	v54 =	vadd.s32 s16, v5;
	[tilespmem:s15+$0x3D0] =	vst v32;
	v58 =	vld [tilespmem:$0x1FED0]  }
0x1b3: {  	[tilespmem:s19+$0xA0] =	vst v56;
	v32 =	vld.idx.msk [tilespmem:v60+s12+$0x0], $0xffff  }
0x1b4: {  	v55 =	vadd.s32 s26, v26;
	[tilespmem:s19+$0xFFFFFEA0] =	vst v59;
	v44 =	vld.idx.msk [tilespmem:v61+s12+$0x0], $0xffff  }
0x1b5: {  	v50 =	vld.idx.msk [tilespmem:v63+s12+$0x0], $0xffff;
	[tilespmem:s15+$0xFFFFFF90] =	vst v48  }
0x1b6: {  	v56 =	vadd.s32 s18, v0;
	v40 =	vld.idx.msk [tilespmem:v53+s12+$0x0], $0xffff;
	[tilespmem:s19+$0xFFFFFC80] =	vst v42  }
0x1b7: {  	v61 =	vadd.s32 s25, v26;
	v60 =	vld.idx.msk [tilespmem:v54+s12+$0x0], $0xffff;
	[tilespmem:s15+$0xFFFFFD90] =	vst v39  }
0x1b8: {  	v59 =	vadd.s32 s24, v26;
	[tilespmem:s19+$0x2B0] =	vst v47;
	v38 =	vld.idx.msk [tilespmem:v38+s12+$0x0], $0xffff  }
0x1b9: {  	v54 =	vadd.s32 s17, v3;
	v45 =	vld.idx.msk [tilespmem:v55+s12+$0x0], $0xffff;
	[tilespmem:s15+$0x3E0] =	vst v32  }
0x1ba: {  	v63 =	vadd.s32 s16, v4;
	[tilespmem:s19+$0xB0] =	vst v44;
	v55 =	vld [tilespmem:$0x1FEE0]  }
0x1bb: {  	v42 =	vadd.s32 s22, v58;
	[tilespmem:s15+$0x1B0] =	vst v40;
	v32 =	vld.idx.msk [tilespmem:v56+s12+$0x0], $0xffff  }
0x1bc: {  	s18 =	smov.u32 s26;
	[tilespmem:s19+$0xFFFFFEB0] =	vst v50;
	v49 =	vld.idx.msk [tilespmem:v61+s12+$0x0], $0xffff  }
0x1bd: {  	v52 =	vadd.s32 s18, v27;
	v53 =	vld.idx.msk [tilespmem:v59+s12+$0x0], $0xffff  }
0x1be: {  	[tilespmem:s15+$0xFFFFFFA0] =	vst v60;
	v61 =	vld.idx.msk [tilespmem:v54+s12+$0x0], $0xffff  }
0x1bf: {  	v59 =	vadd.s32 s25, v27;
	v58 =	vld.idx.msk [tilespmem:v63+s12+$0x0], $0xffff  }
0x1c0: {  	v56 =	vadd.s32 s24, v27;
	v42 =	vld.idx.msk [tilespmem:v42+s12+$0x0], $0xffff;
	[tilespmem:s15+$0xFFFFFDA0] =	vst v38  }
0x1c1: {  	v60 =	vadd.s32 s16, v3;
	[tilespmem:s19+$0x2C0] =	vst v45;
	v37 =	vld.idx.msk [tilespmem:v37+s12+$0x0], $0xffff  }
0x1c2: {  	v50 =	vadd.s32 s22, v55;
	v44 =	vld.idx.msk [tilespmem:v52+s12+$0x0], $0xffff;
	[tilespmem:s15+$0x3F0] =	vst v32  }
0x1c3: {  	v54 =	vld [tilespmem:$0x1FEF0];
	[tilespmem:s19+$0xC0] =	vst v49  }
0x1c4: {  	v52 =	vadd.s32 s18, v28;
	[tilespmem:s19+$0xFFFFFEC0] =	vst v53;
	v47 =	vld.idx.msk [tilespmem:v59+s12+$0x0], $0xffff  }
0x1c5: {  	v53 =	vadd.s32 s17, v2;
	v39 =	vld.idx.msk [tilespmem:v56+s12+$0x0], $0xffff;
	[tilespmem:s15+$0xFFFFFFB0] =	vst v58  }
0x1c6: {  	[tilespmem:s19+$0xFFFFFC90] =	vst v42;
	v56 =	vld.idx.msk [tilespmem:v60+s12+$0x0], $0xffff  }
0x1c7: {  	v58 =	vadd.s32 s25, v28;
	v63 =	vld.idx.msk [tilespmem:v50+s12+$0x0], $0xffff;
	[tilespmem:s15+$0xFFFFFDB0] =	vst v37  }
0x1c8: {  	v55 =	vadd.s32 s24, v28;
	[tilespmem:s19+$0x2D0] =	vst v44;
	v59 =	vld.idx.msk [tilespmem:v57+s12+$0x0], $0xffff  }
0x1c9: {  	[tilespmem:s15+$0x1C0] =	vst v61;
	v60 =	vadd.s32 s16, v2;
	v42 =	vld.idx.msk [tilespmem:v52+s12+$0x0], $0xffff  }
0x1ca: {  	v49 =	vadd.s32 s22, v54;
	v32 =	vld.idx.msk [tilespmem:v53+s12+$0x0], $0xffff  }
0x1cb: {  	[tilespmem:s19+$0xD0] =	vst v47;
	v52 =	vld [tilespmem:$0x1FF00]  }
0x1cc: {  	v61 =	vadd.s32 s18, v29;
	[tilespmem:s19+$0xFFFFFED0] =	vst v39;
	v45 =	vld.idx.msk [tilespmem:v58+s12+$0x0], $0xffff  }
0x1cd: {  	v38 =	vld.idx.msk [tilespmem:v55+s12+$0x0], $0xffff;
	[tilespmem:s15+$0xFFFFFFC0] =	vst v56  }
0x1ce: {  	[tilespmem:s19+$0xFFFFFCA0] =	vst v63;
	v63 =	vadd.s32 s17, v1;
	v54 =	vld.idx.msk [tilespmem:v60+s12+$0x0], $0xffff  }
0x1cf: {  	v53 =	vadd.s32 s24, v29;
	v40 =	vld.idx.msk [tilespmem:v49+s12+$0x0], $0xffff;
	[tilespmem:s15+$0xFFFFFDC0] =	vst v59  }
0x1d0: {  	[tilespmem:s19+$0x2E0] =	vst v42;
	v56 =	vld.idx.msk [tilespmem:v46+s12+$0x0], $0xffff  }
0x1d1: {  	v55 =	vadd.s32 s25, v29;
	v39 =	vld.idx.msk [tilespmem:v61+s12+$0x0], $0xffff  }
0x1d2: {  	v57 =	vadd.s32 s16, v1;
	[tilespmem:s15+$0x1D0] =	vst v32;
	v61 =	vld [tilespmem:$0x1FF10]  }
0x1d3: {  	[tilespmem:s19+$0xFFFFFEE0] =	vst v38;
	v32 =	vld.idx.msk [tilespmem:v63+s12+$0x0], $0xffff  }
0x1d4: {  	v37 =	vld.idx.msk [tilespmem:v53+s12+$0x0], $0xffff;
	[tilespmem:s19+$0xE0] =	vst v45  }
0x1d5: {  	v48 =	vadd.s32 s22, v52;
	[tilespmem:s15+$0xFFFFFFD0] =	vst v54;
	v54 =	vld [tilespmem:$0x1FF80]  }
0x1d6: {  	v60 =	vld.idx.msk [tilespmem:v55+s12+$0x0], $0xffff  }
0x1d7: {  	v58 =	vadd.s32 s18, v30;
	v49 =	vld.idx.msk [tilespmem:v57+s12+$0x0], $0xffff  }
0x1d8: {  	v55 =	vld [tilespmem:$0x1FF90]  }
0x1d9: {  	v59 =	vadd.s32 s17, v0;
	[tilespmem:s19+$0xFFFFFCB0] =	vst v40;
	v57 =	vld [tilespmem:$0x1FFA0]  }
0x1da: {  	v63 =	vadd.s32 s24, v30;
	v40 =	vld.idx.msk [tilespmem:v48+s12+$0x0], $0xffff;
	[tilespmem:s15+$0xFFFFFDD0] =	vst v56  }
0x1db: {  	[tilespmem:s19+$0x2F0] =	vst v39;
	v51 =	vld.idx.msk [tilespmem:v43+s12+$0x0], $0xffff  }
0x1dc: {  	s17 =	smov.u32 s25;
	v38 =	vld.idx.msk [tilespmem:v58+s12+$0x0], $0xffff  }
0x1dd: {  	v50 =	vadd.s32 s17, v30;
	v58 =	vld [tilespmem:$0x1FFB0];
	[tilespmem:s15+$0x1E0] =	vst v32  }
0x1de: {  	v52 =	vadd.s32 s16, v0;
	[tilespmem:s19+$0xFFFFFEF0] =	vst v37;
	v32 =	vld.idx.msk [tilespmem:v59+s12+$0x0], $0xffff  }
0x1df: {  	v44 =	vld.idx.msk [tilespmem:v63+s12+$0x0], $0xffff  }
0x1e0: {  	v48 =	vadd.s32 s22, v61;
	[tilespmem:s19+$0xF0] =	vst v60;
	v60 =	vld [tilespmem:$0x1FF50]  }
0x1e1: {  	v59 =	vld [tilespmem:$0x1FFC0]  }
0x1e2: {  	v53 =	vadd.s32 s18, v31;
	[tilespmem:s15+$0xFFFFFFE0] =	vst v49;
	v45 =	vld.idx.msk [tilespmem:v50+s12+$0x0], $0xffff  }
0x1e3: {  	v56 =	vld.idx.msk [tilespmem:v52+s12+$0x0], $0xffff  }
0x1e4: {  	s16 =	smov.u32 s24;
	[tilespmem:s19+$0xFFFFFCC0] =	vst v40;
	v52 =	vld [tilespmem:$0x1FF60]  }
0x1e5: {  	v63 =	vadd.s32 s16, v31;
	v40 =	vld.idx.msk [tilespmem:v48+s12+$0x0], $0xffff;
	[tilespmem:s15+$0xFFFFFDE0] =	vst v51  }
0x1e6: {  	[tilespmem:s19+$0x300] =	vst v38;
	v48 =	vld.idx.msk [tilespmem:v41+s12+$0x0], $0xffff  }
0x1e7: {  	v50 =	vld.idx.msk [tilespmem:v53+s12+$0x0], $0xffff;
	v61 =	vadd.s32 s22, v60  }
0x1e8: {  	v53 =	vld [tilespmem:$0x1FF70]  }
0x1e9: {  	[tilespmem:s19+$0xFFFFFF00] =	vst v44;
	v60 =	vld [tilespmem:$0x1FFD0]  }
0x1ea: {  	v51 =	vld.idx.msk [tilespmem:v63+s12+$0x0], $0xffff  }
0x1eb: {  	v63 =	vld [tilespmem:$0x1FFF0];
	[tilespmem:s19+$0xFFFFFCD0] =	vst v40  }
0x1ec: {  	s21 =	sadd.s32 $0x4, s21;
	v49 =	vadd.s32 s17, v31;
	v46 =	vadd.s32 s22, v52;
	v52 =	vld.idx.msk [tilespmem:v61+s12+$0x0], $0xffff  }
0x1ed: {  	p0 =	slt.u32 s21, $0x60;
	v61 =	vld [tilespmem:$0x1FFE0]  }
.Ltmp0:
0x1ee: {  	v47 =	vadd.s32 s22, v35;
	v42 =	vadd.s32 s22, v36;
	(pc) =	sbr.rel @p0 .LBB2_2-.Ltmp0, $4  }
0x1ef: {  	v37 =	vadd.s32 s22, v57;
	v41 =	vadd.s32 s22, v54;
	v38 =	vadd.s32 s22, v55;
	[tilespmem:s15+$0x1F0] =	vst v32  }
0x1f0: {  	v57 =	vadd.s32 s22, v58;
	v55 =	vadd.s32 s22, v33;
	[tilespmem:s19+$0x100] =	vst v45;
	v40 =	vadd.s32 s22, v59  }
0x1f1: {  	v54 =	vld.idx.msk [tilespmem:v49+s12+$0x0], $0xffff;
	v49 =	vadd.s32 s22, v34;
	v43 =	vadd.s32 s22, v53;
	v53 =	vadd.s32 s18, v24  }
0x1f2: {  	s20 =	smov.u32 s23;
	s23 =	sadd.s32 $0x190, s23;
	[tilespmem:s15+$0xFFFFFFF0] =	vst v56;
	v39 =	vadd.s32 s22, v60;
	v44 =	vadd.s32 s22, v63;
	v45 =	vadd.s32 s22, v61  }
0x1f3: {  	[tilespmem:s19+$0xFFFFFCE0] =	vst v52  }
0x1f4: {  	v14 =	vld [tilespmem:$0x1FF20];
	_ =	sdelay $0x2  }
0x1f5: {  	v13 =	vld.idx.msk [tilespmem:v55+s12+$0x0], $0xffff;
	_ =	sdelay $0x1  }
0x1f6: {  	v14 =	vadd.s32 s22, v14;
	_ =	sdelay $0x2  }
0x1f7: {  	[tilespmem:s19+$0xFFFFFCF0] =	vst v13  }
0x1f8: {  	v35 =	vld [tilespmem:$0x1FF30]  }
0x1f9: {  	v13 =	vld.idx.msk [tilespmem:v14+s12+$0x0], $0xffff;
	_ =	sdelay $0x4  }
0x1fa: {  	v14 =	vadd.s32 s22, v35;
	[tilespmem:s19+$0xFFFFFD00] =	vst v13  }
0x1fb: {  	v36 =	vld [tilespmem:$0x1FF40];
	_ =	sdelay $0x2  }
0x1fc: {  	v15 =	vadd.s32 s17, v24  }
0x1fd: {  	v13 =	vld.idx.msk [tilespmem:v14+s12+$0x0], $0xffff  }
0x1fe: {  	v14 =	vadd.s32 s22, v36  }
0x1ff: {  	[tilespmem:s19+$0x310] =	vst v50  }
0x200: {  	[tilespmem:s19+$0x110] =	vst v54;
	v16 =	vld.idx.msk [tilespmem:v53+s12+$0x0], $0xffff  }
0x201: {  	v17 =	vadd.s32 s18, v12;
	[tilespmem:s19+$0xFFFFFF10] =	vst v51;
	v15 =	vld.idx.msk [tilespmem:v15+s12+$0x0], $0xffff  }
0x202: {  	v19 =	vadd.s32 s17, v12;
	v18 =	vld.idx.msk [tilespmem:v62+s12+$0x0], $0xffff;
	[tilespmem:s19+$0xFFFFFD10] =	vst v13  }
0x203: {  	v52 =	vadd.s32 s16, v12;
	v13 =	vld.idx.msk [tilespmem:v14+s12+$0x0], $0xffff;
	_ =	sdelay $0x1  }
0x204: {  	[tilespmem:s19+$0x320] =	vst v16  }
0x205: {  	[tilespmem:s19+$0x120] =	vst v15;
	v53 =	vld.idx.msk [tilespmem:v17+s12+$0x0], $0xffff  }
0x206: {  	v54 =	vadd.s32 s18, v11;
	[tilespmem:s19+$0xFFFFFF20] =	vst v18;
	v55 =	vld.idx.msk [tilespmem:v19+s12+$0x0], $0xffff  }
0x207: {  	v56 =	vadd.s32 s17, v11;
	v12 =	vld.idx.msk [tilespmem:v52+s12+$0x0], $0xffff;
	[tilespmem:s19+$0xFFFFFD20] =	vst v13  }
0x208: {  	v58 =	vadd.s32 s16, v11;
	v13 =	vld.idx.msk [tilespmem:v49+s12+$0x0], $0xffff;
	_ =	sdelay $0x1  }
0x209: {  	[tilespmem:s19+$0x330] =	vst v53  }
0x20a: {  	[tilespmem:s19+$0x130] =	vst v55;
	v14 =	vld.idx.msk [tilespmem:v54+s12+$0x0], $0xffff  }
0x20b: {  	v59 =	vadd.s32 s18, v10;
	[tilespmem:s19+$0xFFFFFF30] =	vst v12;
	v60 =	vld.idx.msk [tilespmem:v56+s12+$0x0], $0xffff  }
0x20c: {  	v61 =	vadd.s32 s17, v10;
	v11 =	vld.idx.msk [tilespmem:v58+s12+$0x0], $0xffff;
	[tilespmem:s19+$0xFFFFFD30] =	vst v13  }
0x20d: {  	v62 =	vadd.s32 s16, v10;
	v13 =	vld.idx.msk [tilespmem:v47+s12+$0x0], $0xffff;
	_ =	sdelay $0x1  }
0x20e: {  	[tilespmem:s19+$0x340] =	vst v14  }
0x20f: {  	[tilespmem:s19+$0x140] =	vst v60;
	v12 =	vld.idx.msk [tilespmem:v59+s12+$0x0], $0xffff  }
0x210: {  	v63 =	vadd.s32 s18, v9;
	[tilespmem:s19+$0xFFFFFF40] =	vst v11;
	v18 =	vld.idx.msk [tilespmem:v61+s12+$0x0], $0xffff  }
0x211: {  	v19 =	vadd.s32 s17, v9;
	v10 =	vld.idx.msk [tilespmem:v62+s12+$0x0], $0xffff;
	[tilespmem:s19+$0xFFFFFD40] =	vst v13  }
0x212: {  	v20 =	vadd.s32 s16, v9;
	v13 =	vld.idx.msk [tilespmem:v45+s12+$0x0], $0xffff;
	_ =	sdelay $0x1  }
0x213: {  	[tilespmem:s19+$0x350] =	vst v12  }
0x214: {  	[tilespmem:s19+$0x150] =	vst v18;
	v11 =	vld.idx.msk [tilespmem:v63+s12+$0x0], $0xffff  }
0x215: {  	v21 =	vadd.s32 s18, v8;
	[tilespmem:s19+$0xFFFFFF50] =	vst v10;
	v14 =	vld.idx.msk [tilespmem:v19+s12+$0x0], $0xffff  }
0x216: {  	v22 =	vadd.s32 s17, v8;
	v9 =	vld.idx.msk [tilespmem:v20+s12+$0x0], $0xffff;
	[tilespmem:s19+$0xFFFFFD50] =	vst v13  }
0x217: {  	v23 =	vadd.s32 s16, v8;
	v13 =	vld.idx.msk [tilespmem:v44+s12+$0x0], $0xffff;
	_ =	sdelay $0x1  }
0x218: {  	[tilespmem:s19+$0x360] =	vst v11  }
0x219: {  	[tilespmem:s19+$0x160] =	vst v14;
	v11 =	vld.idx.msk [tilespmem:v21+s12+$0x0], $0xffff  }
0x21a: {  	v24 =	vadd.s32 s18, v7;
	[tilespmem:s19+$0xFFFFFF60] =	vst v9;
	v10 =	vld.idx.msk [tilespmem:v22+s12+$0x0], $0xffff  }
0x21b: {  	v25 =	vadd.s32 s17, v7;
	v8 =	vld.idx.msk [tilespmem:v23+s12+$0x0], $0xffff;
	[tilespmem:s19+$0xFFFFFD60] =	vst v13  }
0x21c: {  	v26 =	vadd.s32 s16, v7;
	v13 =	vld.idx.msk [tilespmem:v42+s12+$0x0], $0xffff;
	_ =	sdelay $0x1  }
0x21d: {  	[tilespmem:s19+$0x370] =	vst v11  }
0x21e: {  	[tilespmem:s19+$0x170] =	vst v10;
	v11 =	vld.idx.msk [tilespmem:v24+s12+$0x0], $0xffff  }
0x21f: {  	v27 =	vadd.s32 s18, v6;
	[tilespmem:s19+$0xFFFFFF70] =	vst v8;
	v9 =	vld.idx.msk [tilespmem:v25+s12+$0x0], $0xffff  }
0x220: {  	v28 =	vadd.s32 s17, v6;
	v7 =	vld.idx.msk [tilespmem:v26+s12+$0x0], $0xffff;
	[tilespmem:s19+$0xFFFFFD70] =	vst v13  }
0x221: {  	v30 =	vadd.s32 s16, v6;
	v29 =	vld.idx.msk [tilespmem:v40+s12+$0x0], $0xffff;
	_ =	sdelay $0x1  }
0x222: {  	[tilespmem:s19+$0x380] =	vst v11  }
0x223: {  	[tilespmem:s19+$0x180] =	vst v9;
	v10 =	vld.idx.msk [tilespmem:v27+s12+$0x0], $0xffff  }
0x224: {  	v31 =	vadd.s32 s18, v5;
	[tilespmem:s19+$0xFFFFFF80] =	vst v7;
	v8 =	vld.idx.msk [tilespmem:v28+s12+$0x0], $0xffff  }
0x225: {  	v32 =	vadd.s32 s17, v5;
	v6 =	vld.idx.msk [tilespmem:v30+s12+$0x0], $0xffff;
	[tilespmem:s19+$0xFFFFFD80] =	vst v29  }
0x226: {  	v34 =	vadd.s32 s16, v5;
	v33 =	vld.idx.msk [tilespmem:v39+s12+$0x0], $0xffff;
	_ =	sdelay $0x1  }
0x227: {  	[tilespmem:s19+$0x390] =	vst v10  }
0x228: {  	[tilespmem:s19+$0x190] =	vst v8;
	v9 =	vld.idx.msk [tilespmem:v31+s12+$0x0], $0xffff  }
0x229: {  	v35 =	vadd.s32 s18, v4;
	[tilespmem:s19+$0xFFFFFF90] =	vst v6;
	v7 =	vld.idx.msk [tilespmem:v32+s12+$0x0], $0xffff  }
0x22a: {  	v36 =	vadd.s32 s17, v4;
	v5 =	vld.idx.msk [tilespmem:v34+s12+$0x0], $0xffff;
	[tilespmem:s19+$0xFFFFFD90] =	vst v33  }
0x22b: {  	v40 =	vadd.s32 s16, v4;
	v39 =	vld.idx.msk [tilespmem:v38+s12+$0x0], $0xffff;
	_ =	sdelay $0x1  }
0x22c: {  	[tilespmem:s19+$0x3A0] =	vst v9  }
0x22d: {  	[tilespmem:s19+$0x1A0] =	vst v7;
	v8 =	vld.idx.msk [tilespmem:v35+s12+$0x0], $0xffff  }
0x22e: {  	v42 =	vadd.s32 s18, v3;
	[tilespmem:s19+$0xFFFFFFA0] =	vst v5;
	v6 =	vld.idx.msk [tilespmem:v36+s12+$0x0], $0xffff  }
0x22f: {  	v44 =	vadd.s32 s17, v3;
	v4 =	vld.idx.msk [tilespmem:v40+s12+$0x0], $0xffff;
	[tilespmem:s19+$0xFFFFFDA0] =	vst v39  }
0x230: {  	v47 =	vadd.s32 s16, v3;
	v45 =	vld.idx.msk [tilespmem:v37+s12+$0x0], $0xffff;
	_ =	sdelay $0x1  }
0x231: {  	[tilespmem:s19+$0x3B0] =	vst v8  }
0x232: {  	[tilespmem:s19+$0x1B0] =	vst v6;
	v7 =	vld.idx.msk [tilespmem:v42+s12+$0x0], $0xffff  }
0x233: {  	v49 =	vadd.s32 s18, v2;
	[tilespmem:s19+$0xFFFFFFB0] =	vst v4;
	v5 =	vld.idx.msk [tilespmem:v44+s12+$0x0], $0xffff  }
0x234: {  	v50 =	vadd.s32 s17, v2;
	v3 =	vld.idx.msk [tilespmem:v47+s12+$0x0], $0xffff;
	[tilespmem:s19+$0xFFFFFDB0] =	vst v45  }
0x235: {  	v52 =	vadd.s32 s16, v2;
	v51 =	vld.idx.msk [tilespmem:v57+s12+$0x0], $0xffff;
	_ =	sdelay $0x1  }
0x236: {  	[tilespmem:s19+$0x3C0] =	vst v7  }
0x237: {  	[tilespmem:s19+$0x1C0] =	vst v5;
	v6 =	vld.idx.msk [tilespmem:v49+s12+$0x0], $0xffff  }
0x238: {  	v53 =	vadd.s32 s18, v1;
	[tilespmem:s19+$0xFFFFFFC0] =	vst v3;
	v4 =	vld.idx.msk [tilespmem:v50+s12+$0x0], $0xffff  }
0x239: {  	v54 =	vadd.s32 s17, v1;
	v2 =	vld.idx.msk [tilespmem:v52+s12+$0x0], $0xffff;
	[tilespmem:s19+$0xFFFFFDC0] =	vst v51  }
0x23a: {  	v56 =	vadd.s32 s16, v1;
	v55 =	vld.idx.msk [tilespmem:v46+s12+$0x0], $0xffff;
	_ =	sdelay $0x1  }
0x23b: {  	[tilespmem:s19+$0x3D0] =	vst v6  }
0x23c: {  	[tilespmem:s19+$0x1D0] =	vst v4;
	v5 =	vld.idx.msk [tilespmem:v53+s12+$0x0], $0xffff  }
0x23d: {  	v57 =	vadd.s32 s18, v0;
	[tilespmem:s19+$0xFFFFFFD0] =	vst v2;
	v3 =	vld.idx.msk [tilespmem:v54+s12+$0x0], $0xffff  }
0x23e: {  	v58 =	vadd.s32 s17, v0;
	v1 =	vld.idx.msk [tilespmem:v56+s12+$0x0], $0xffff;
	[tilespmem:s19+$0xFFFFFDD0] =	vst v55  }
0x23f: {  	v60 =	vadd.s32 s16, v0;
	v59 =	vld.idx.msk [tilespmem:v43+s12+$0x0], $0xffff;
	_ =	sdelay $0x1  }
0x240: {  	[tilespmem:s19+$0x3E0] =	vst v5  }
0x241: {  	[tilespmem:s19+$0x1E0] =	vst v3;
	v4 =	vld.idx.msk [tilespmem:v57+s12+$0x0], $0xffff  }
0x242: {  	[tilespmem:s19+$0xFFFFFFE0] =	vst v1;
	v2 =	vld.idx.msk [tilespmem:v58+s12+$0x0], $0xffff  }
0x243: {  	v0 =	vld.idx.msk [tilespmem:v60+s12+$0x0], $0xffff;
	[tilespmem:s19+$0xFFFFFDE0] =	vst v59  }
0x244: {  	v61 =	vld.idx.msk [tilespmem:v41+s12+$0x0], $0xffff  }
0x245: {  	[tilespmem:s15+$0xFFFFFDF0] =	vst v48  }
0x246: {  	[tilespmem:s19+$0x3F0] =	vst v4  }
0x247: {  	[tilespmem:s19+$0x1F0] =	vst v2  }
0x248: {  	[tilespmem:s19+$0xFFFFFFF0] =	vst v0  }
0x249: {  	[tilespmem:s19+$0xFFFFFDF0] =	vst v61  }
0x24a: {  	v0 =	vld [tilespmem:$0x0];
	_ =	sdelay $0x4  }
0x24b: {  	v0 =	vshll.u32 v0, $0xB  }
0x24c: {  	v0 =	vshra.s32 v0, $0x2  }
0x24d: {  	v0 =	vadd.s32 $0x2980, v0  }
0x24e: {  	(v2sf) =	vpush v0, $0x0;
	_ =	sdelay $0x1  }
0x24f: {  	(v2sf) =	vpush v0, $0x1;
	_ =	sdelay $0x1  }
0x250: {  	(v2sf) =	vpush v0, $0x2;
	_ =	sdelay $0x1  }
0x251: {  	(v2sf) =	vpush v0, $0x3;
	_ =	sdelay $0x1  }
0x252: {  	(v2sf) =	vpush v0, $0x4;
	_ =	sdelay $0x1  }
0x253: {  	(v2sf) =	vpush v0, $0x5;
	_ =	sdelay $0x1  }
0x254: {  	(v2sf) =	vpush v0, $0x6;
	_ =	sdelay $0x1  }
0x255: {  	(v2sf) =	vpush v0, $0x7  }
0x256: {  	s20 =	spop (v2sf)  }
0x257: {  	(v2sf) =	vpush v0, $0x8;
	[hbm4b:s5+s9] =	stream.strided.scatter [tilespmem:s20], [sflag:$0x1], $0x200, s10, s9, $0x38;
	[tilespmem:$0xF180] =	vst v63  }
0x258: {  	s22 =	rddreg [dreg:$0x6];
	s21 =	spop (v2sf)  }
0x259: {  	(v2sf) =	vpush v0, $0x9;
	[hbm4b:s22+s9] =	stream.strided.scatter [tilespmem:s21], [sflag:$0x1], $0x200, s10, s9, $0x38;
	[tilespmem:$0xF180] =	vst v63  }
0x25a: {  	s24 =	rddreg [dreg:$0x7];
	s23 =	spop (v2sf)  }
0x25b: {  	(v2sf) =	vpush v0, $0xA;
	[hbm4b:s24+s9] =	stream.strided.scatter [tilespmem:s23], [sflag:$0x1], $0x200, s10, s9, $0x38;
	[tilespmem:$0xF180] =	vst v63  }
0x25c: {  	s26 =	rddreg [dreg:$0x8];
	s25 =	spop (v2sf)  }
0x25d: {  	(v2sf) =	vpush v0, $0xB;
	[hbm4b:s26+s9] =	stream.strided.scatter [tilespmem:s25], [sflag:$0x1], $0x200, s10, s9, $0x38;
	[tilespmem:$0xF180] =	vst v63  }
0x25e: {  	s18 =	rddreg [dreg:$0x9];
	s17 =	spop (v2sf)  }
0x25f: {  	(v2sf) =	vpush v0, $0xC;
	[hbm4b:s18+s9] =	stream.strided.scatter [tilespmem:s17], [sflag:$0x1], $0x200, s10, s9, $0x38;
	[tilespmem:$0xF180] =	vst v63  }
0x260: {  	s20 =	rddreg [dreg:$0xa];
	s19 =	spop (v2sf)  }
0x261: {  	(v2sf) =	vpush v0, $0xD;
	[hbm4b:s20+s9] =	stream.strided.scatter [tilespmem:s19], [sflag:$0x1], $0x200, s10, s9, $0x38;
	[tilespmem:$0xF180] =	vst v63  }
0x262: {  	s22 =	rddreg [dreg:$0xb];
	s21 =	spop (v2sf)  }
0x263: {  	(v2sf) =	vpush v0, $0xE;
	[hbm4b:s22+s9] =	stream.strided.scatter [tilespmem:s21], [sflag:$0x1], $0x200, s10, s9, $0x38;
	[tilespmem:$0xF180] =	vst v63  }
0x264: {  	s24 =	rddreg [dreg:$0xc];
	s23 =	spop (v2sf)  }
0x265: {  	(v2sf) =	vpush v0, $0xF;
	[hbm4b:s24+s9] =	stream.strided.scatter [tilespmem:s23], [sflag:$0x1], $0x200, s10, s9, $0x38;
	[tilespmem:$0xF180] =	vst v63  }
0x266: {  	s26 =	rddreg [dreg:$0xd];
	s25 =	spop (v2sf)  }
0x267: {  	[hbm4b:s26+s9] =	stream.strided.scatter [tilespmem:s25], [sflag:$0x1], $0x200, s10, s9, $0x38;
	[tilespmem:$0xF180] =	vst v63  }
0x268: {  	s18 =	rddreg [dreg:$0xe];
	s17 =	spop (v2sf)  }
0x269: {  	[hbm4b:s18+s9] =	stream.strided.scatter [tilespmem:s17], [sflag:$0x1], $0x200, s10, s9, $0x38;
	[tilespmem:$0xF180] =	vst v63  }
0x26a: {  	s20 =	rddreg [dreg:$0xf];
	s19 =	spop (v2sf)  }
0x26b: {  	[hbm4b:s20+s9] =	stream.strided.scatter [tilespmem:s19], [sflag:$0x1], $0x200, s10, s9, $0x38;
	[tilespmem:$0xF180] =	vst v63  }
0x26c: {  	s22 =	rddreg [dreg:$0x10];
	s21 =	spop (v2sf)  }
0x26d: {  	[hbm4b:s22+s9] =	stream.strided.scatter [tilespmem:s21], [sflag:$0x1], $0x200, s10, s9, $0x38;
	[tilespmem:$0xF180] =	vst v63  }
0x26e: {  	s24 =	rddreg [dreg:$0x11];
	s23 =	spop (v2sf)  }
0x26f: {  	[hbm4b:s24+s9] =	stream.strided.scatter [tilespmem:s23], [sflag:$0x1], $0x200, s10, s9, $0x38;
	[tilespmem:$0xF180] =	vst v63  }
0x270: {  	s26 =	rddreg [dreg:$0x12];
	s25 =	spop (v2sf)  }
0x271: {  	[hbm4b:s26+s9] =	stream.strided.scatter [tilespmem:s25], [sflag:$0x1], $0x200, s10, s9, $0x38;
	[tilespmem:$0xF180] =	vst v63  }
0x272: {  	s18 =	rddreg [dreg:$0x13];
	s17 =	spop (v2sf)  }
0x273: {  	[hbm4b:s18+s9] =	stream.strided.scatter [tilespmem:s17], [sflag:$0x1], $0x200, s10, s9, $0x38;
	[tilespmem:$0xF180] =	vst v63  }
0x274: {  	s20 =	rddreg [dreg:$0x14];
	s19 =	spop (v2sf)  }
0x275: {  	[hbm4b:s20+s9] =	stream.strided.scatter [tilespmem:s19], [sflag:$0x1], $0x200, s10, s9, $0x38;
	[tilespmem:$0xF180] =	vst v63  }
0x276: {  	v62 =	vld [tilespmem:$0x10];
	_ =	sdelay $0x4  }
0x277: {  	v0 =	vshll.u32 v62, $0xB  }
0x278: {  	v0 =	vshra.s32 v0, $0x2  }
0x279: {  	v0 =	vadd.s32 $0x2980, v0  }
0x27a: {  	(v2sf) =	vpush v0, $0x0;
	_ =	sdelay $0x1  }
0x27b: {  	(v2sf) =	vpush v0, $0x1;
	_ =	sdelay $0x1  }
0x27c: {  	(v2sf) =	vpush v0, $0x2;
	_ =	sdelay $0x1  }
0x27d: {  	(v2sf) =	vpush v0, $0x3;
	_ =	sdelay $0x1  }
0x27e: {  	(v2sf) =	vpush v0, $0x4;
	_ =	sdelay $0x1  }
0x27f: {  	(v2sf) =	vpush v0, $0x5;
	_ =	sdelay $0x1  }
0x280: {  	(v2sf) =	vpush v0, $0x6;
	_ =	sdelay $0x1  }
0x281: {  	(v2sf) =	vpush v0, $0x7  }
0x282: {  	s22 =	rddreg [dreg:$0x15];
	s21 =	spop (v2sf)  }
0x283: {  	(v2sf) =	vpush v0, $0x8;
	[hbm4b:s22+s9] =	stream.strided.scatter [tilespmem:s21], [sflag:$0x1], $0x200, s10, s9, $0x38;
	[tilespmem:$0xF180] =	vst v63  }
0x284: {  	s24 =	rddreg [dreg:$0x16];
	s23 =	spop (v2sf)  }
0x285: {  	(v2sf) =	vpush v0, $0x9;
	[hbm4b:s24+s9] =	stream.strided.scatter [tilespmem:s23], [sflag:$0x1], $0x200, s10, s9, $0x38;
	[tilespmem:$0xF180] =	vst v63  }
0x286: {  	s26 =	rddreg [dreg:$0x17];
	s25 =	spop (v2sf)  }
0x287: {  	(v2sf) =	vpush v0, $0xA;
	[hbm4b:s26+s9] =	stream.strided.scatter [tilespmem:s25], [sflag:$0x1], $0x200, s10, s9, $0x38;
	[tilespmem:$0xF180] =	vst v63  }
0x288: {  	s18 =	rddreg [dreg:$0x18];
	s17 =	spop (v2sf)  }
0x289: {  	(v2sf) =	vpush v0, $0xB;
	[hbm4b:s18+s9] =	stream.strided.scatter [tilespmem:s17], [sflag:$0x1], $0x200, s10, s9, $0x38;
	[tilespmem:$0xF180] =	vst v63  }
0x28a: {  	s20 =	rddreg [dreg:$0x1a];
	s19 =	spop (v2sf)  }
0x28b: {  	(v2sf) =	vpush v0, $0xC;
	[hbm4b:s20+s9] =	stream.strided.scatter [tilespmem:s19], [sflag:$0x1], $0x200, s10, s9, $0x38;
	[tilespmem:$0xF180] =	vst v63  }
0x28c: {  	s21 =	spop (v2sf)  }
0x28d: {  	(v2sf) =	vpush v0, $0xD;
	[hbm4b:s28+s9] =	stream.strided.scatter [tilespmem:s21], [sflag:$0x1], $0x200, s10, s9, $0x38;
	[tilespmem:$0xF180] =	vst v63  }
0x28e: {  	s22 =	spop (v2sf)  }
0x28f: {  	(v2sf) =	vpush v0, $0xE;
	[hbm4b:s29+s9] =	stream.strided.scatter [tilespmem:s22], [sflag:$0x1], $0x200, s10, s9, $0x38;
	[tilespmem:$0xF180] =	vst v63  }
0x290: {  	s23 =	spop (v2sf)  }
0x291: {  	(v2sf) =	vpush v0, $0xF;
	[hbm4b:s30+s9] =	stream.strided.scatter [tilespmem:s23], [sflag:$0x1], $0x200, s10, s9, $0x38;
	[tilespmem:$0xF180] =	vst v63  }
0x292: {  	s24 =	spop (v2sf)  }
0x293: {  	[hbm4b:s31+s9] =	stream.strided.scatter [tilespmem:s24], [sflag:$0x1], $0x200, s10, s9, $0x38;
	[tilespmem:$0xF180] =	vst v63  }
0x294: {  	s25 =	spop (v2sf)  }
0x295: {  	[hbm4b:s0+s9] =	stream.strided.scatter [tilespmem:s25], [sflag:$0x1], $0x200, s10, s9, $0x38;
	[tilespmem:$0xF180] =	vst v63  }
0x296: {  	s26 =	spop (v2sf)  }
0x297: {  	[hbm4b:s2+s9] =	stream.strided.scatter [tilespmem:s26], [sflag:$0x1], $0x200, s10, s9, $0x38;
	[tilespmem:$0xF180] =	vst v63  }
0x298: {  	s16 =	spop (v2sf)  }
0x299: {  	[hbm4b:s1+s9] =	stream.strided.scatter [tilespmem:s16], [sflag:$0x1], $0x200, s10, s9, $0x38;
	[tilespmem:$0xF180] =	vst v63  }
0x29a: {  	s17 =	spop (v2sf)  }
0x29b: {  	[hbm4b:s4+s9] =	stream.strided.scatter [tilespmem:s17], [sflag:$0x1], $0x200, s10, s9, $0x38;
	[tilespmem:$0xF180] =	vst v63  }
0x29c: {  	s18 =	spop (v2sf)  }
0x29d: {  	[hbm4b:s6+s9] =	stream.strided.scatter [tilespmem:s18], [sflag:$0x1], $0x200, s10, s9, $0x38;
	[tilespmem:$0xF180] =	vst v63  }
0x29e: {  	s19 =	spop (v2sf)  }
0x29f: {  	[hbm4b:s7+s9] =	stream.strided.scatter [tilespmem:s19], [sflag:$0x1], $0x200, s10, s9, $0x38;
	[tilespmem:$0xF180] =	vst v63  }
0x2a0: {  	s15 =	simm.s32 $0x20;
	s20 =	spop (v2sf)  }
0x2a1: {  	[hbm4b:s8+s9] =	stream.strided.scatter [tilespmem:s20], [sflag:$0x1], $0x200, s10, s9, $0x38;
	[tilespmem:$0xF180] =	vst v63  }
0x2a2: {  	v63 =	vld [tilespmem:s15+$0x0];
	_ =	sdelay $0x4  }
0x2a3: {  	v0 =	vshll.u32 v63, $0xB  }
0x2a4: {  	v0 =	vshra.s32 v0, $0x2  }
0x2a5: {  	v0 =	vadd.s32 $0x2980, v0  }
0x2a6: {  	(v2sf) =	vpush v0, $0x0;
	_ =	sdelay $0x1  }
0x2a7: {  	(v2sf) =	vpush v0, $0x1;
	_ =	sdelay $0x1  }
0x2a8: {  	(v2sf) =	vpush v0, $0x2;
	_ =	sdelay $0x1  }
0x2a9: {  	(v2sf) =	vpush v0, $0x3;
	_ =	sdelay $0x1  }
0x2aa: {  	(v2sf) =	vpush v0, $0x4;
	_ =	sdelay $0x1  }
0x2ab: {  	(v2sf) =	vpush v0, $0x5;
	_ =	sdelay $0x1  }
0x2ac: {  	(v2sf) =	vpush v0, $0x6;
	_ =	sdelay $0x1  }
0x2ad: {  	s21 =	rddreg [dreg:$0x4];
	(v2sf) =	vpush v0, $0x7  }
0x2ae: {  	s16 =	sadd.s32 $0x0, s21;
	s22 =	spop (v2sf)  }
0x2af: {  	(v2sf) =	vpush v0, $0x8;
	[hbm4b:s16+s9] =	stream.strided.scatter [tilespmem:s22], [sflag:$0x1], $0x200, s10, s9, $0x38;
	[tilespmem:$0xF180] =	vst v63  }
0x2b0: {  	s23 =	sadd.s32 $0x10, s16;
	s24 =	spop (v2sf)  }
0x2b1: {  	(v2sf) =	vpush v0, $0x9;
	[hbm4b:s23+s9] =	stream.strided.scatter [tilespmem:s24], [sflag:$0x1], $0x200, s10, s9, $0x38;
	[tilespmem:$0xF180] =	vst v63  }
0x2b2: {  	s25 =	sadd.s32 $0x20, s16;
	s26 =	spop (v2sf)  }
0x2b3: {  	(v2sf) =	vpush v0, $0xA;
	[hbm4b:s25+s9] =	stream.strided.scatter [tilespmem:s26], [sflag:$0x1], $0x200, s10, s9, $0x38;
	[tilespmem:$0xF180] =	vst v63  }
0x2b4: {  	s19 =	sadd.s32 $0x30, s16;
	s20 =	spop (v2sf)  }
0x2b5: {  	(v2sf) =	vpush v0, $0xB;
	[hbm4b:s19+s9] =	stream.strided.scatter [tilespmem:s20], [sflag:$0x1], $0x200, s10, s9, $0x38;
	[tilespmem:$0xF180] =	vst v63  }
0x2b6: {  	s21 =	sadd.s32 $0x40, s16;
	s22 =	spop (v2sf)  }
0x2b7: {  	(v2sf) =	vpush v0, $0xC;
	[hbm4b:s21+s9] =	stream.strided.scatter [tilespmem:s22], [sflag:$0x1], $0x200, s10, s9, $0x38;
	[tilespmem:$0xF180] =	vst v63  }
0x2b8: {  	s23 =	sadd.s32 $0x50, s16;
	s24 =	spop (v2sf)  }
0x2b9: {  	(v2sf) =	vpush v0, $0xD;
	[hbm4b:s23+s9] =	stream.strided.scatter [tilespmem:s24], [sflag:$0x1], $0x200, s10, s9, $0x38;
	[tilespmem:$0xF180] =	vst v63  }
0x2ba: {  	s25 =	sadd.s32 $0x60, s16;
	s26 =	spop (v2sf)  }
0x2bb: {  	(v2sf) =	vpush v0, $0xE;
	[hbm4b:s25+s9] =	stream.strided.scatter [tilespmem:s26], [sflag:$0x1], $0x200, s10, s9, $0x38;
	[tilespmem:$0xF180] =	vst v63  }
0x2bc: {  	s19 =	sadd.s32 $0x70, s16;
	s20 =	spop (v2sf)  }
0x2bd: {  	(v2sf) =	vpush v0, $0xF;
	[hbm4b:s19+s9] =	stream.strided.scatter [tilespmem:s20], [sflag:$0x1], $0x200, s10, s9, $0x38;
	[tilespmem:$0xF180] =	vst v63  }
0x2be: {  	s21 =	sadd.s32 $0x200, s16;
	s22 =	spop (v2sf)  }
0x2bf: {  	[hbm4b:s21+s9] =	stream.strided.scatter [tilespmem:s22], [sflag:$0x1], $0x200, s10, s9, $0x38;
	[tilespmem:$0xF180] =	vst v63  }
0x2c0: {  	s23 =	sadd.s32 $0x210, s16;
	s24 =	spop (v2sf)  }
0x2c1: {  	[hbm4b:s23+s9] =	stream.strided.scatter [tilespmem:s24], [sflag:$0x1], $0x200, s10, s9, $0x38;
	[tilespmem:$0xF180] =	vst v63  }
0x2c2: {  	s25 =	sadd.s32 $0x220, s16;
	s26 =	spop (v2sf)  }
0x2c3: {  	[hbm4b:s25+s9] =	stream.strided.scatter [tilespmem:s26], [sflag:$0x1], $0x200, s10, s9, $0x38;
	[tilespmem:$0xF180] =	vst v63  }
0x2c4: {  	s18 =	sadd.s32 $0x230, s16;
	s19 =	spop (v2sf)  }
0x2c5: {  	[hbm4b:s18+s9] =	stream.strided.scatter [tilespmem:s19], [sflag:$0x1], $0x200, s10, s9, $0x38;
	[tilespmem:$0xF180] =	vst v63  }
0x2c6: {  	s20 =	sadd.s32 $0x240, s16;
	s21 =	spop (v2sf)  }
0x2c7: {  	[hbm4b:s20+s9] =	stream.strided.scatter [tilespmem:s21], [sflag:$0x1], $0x200, s10, s9, $0x38;
	[tilespmem:$0xF180] =	vst v63  }
0x2c8: {  	s22 =	sadd.s32 $0x250, s16;
	s23 =	spop (v2sf)  }
0x2c9: {  	[hbm4b:s22+s9] =	stream.strided.scatter [tilespmem:s23], [sflag:$0x1], $0x200, s10, s9, $0x38;
	[tilespmem:$0xF180] =	vst v63  }
0x2ca: {  	s24 =	sadd.s32 $0x260, s16;
	s25 =	spop (v2sf)  }
0x2cb: {  	[hbm4b:s24+s9] =	stream.strided.scatter [tilespmem:s25], [sflag:$0x1], $0x200, s10, s9, $0x38;
	[tilespmem:$0xF180] =	vst v63  }
0x2cc: {  	s16 =	sadd.s32 $0x270, s16;
	s26 =	spop (v2sf)  }
0x2cd: {  	[hbm4b:s16+s9] =	stream.strided.scatter [tilespmem:s26], [sflag:$0x1], $0x200, s10, s9, $0x38;
	[tilespmem:$0xF180] =	vst v63  }
0x2ce: {  	_ =	swait.ge [sflag:s13], $0x200  }
0x2cf: {  	[sflag:s13] =	ssyncset.done $0x0  }
0x2d0: {  	[sflag:s13] =	ssyncadd.s32 $0xFFFFFE00  }
0x2d1: {  	_ =	swait.ge [sflag:s13], $0x200  }
0x2d2: {  	[sflag:s13] =	ssyncset.done $0x0  }
0x2d3: {  	[sflag:s13] =	ssyncadd.s32 $0xFFFFFE00  }
0x2d4: {  	_ =	swait.ge [sflag:s13], $0x200  }
0x2d5: {  	[sflag:s13] =	ssyncset.done $0x0  }
0x2d6: {  	[sflag:s13] =	ssyncadd.s32 $0xFFFFFE00  }
0x2d7: {  	_ =	swait.ge [sflag:s13], $0x200  }
0x2d8: {  	[sflag:s13] =	ssyncset.done $0x0  }
0x2d9: {  	[sflag:s13] =	ssyncadd.s32 $0xFFFFFE00  }
0x2da: {  	_ =	swait.ge [sflag:s13], $0x200  }
0x2db: {  	[sflag:s13] =	ssyncset.done $0x0  }
0x2dc: {  	[sflag:s13] =	ssyncadd.s32 $0xFFFFFE00  }
0x2dd: {  	_ =	swait.ge [sflag:s13], $0x200  }
0x2de: {  	[sflag:s13] =	ssyncset.done $0x0  }
0x2df: {  	[sflag:s13] =	ssyncadd.s32 $0xFFFFFE00  }
0x2e0: {  	_ =	swait.ge [sflag:s13], $0x200  }
0x2e1: {  	[sflag:s13] =	ssyncset.done $0x0  }
0x2e2: {  	[sflag:s13] =	ssyncadd.s32 $0xFFFFFE00  }
0x2e3: {  	_ =	swait.ge [sflag:s13], $0x200  }
0x2e4: {  	[sflag:s13] =	ssyncset.done $0x0  }
0x2e5: {  	[sflag:s13] =	ssyncadd.s32 $0xFFFFFE00  }
0x2e6: {  	_ =	swait.ge [sflag:s13], $0x200  }
0x2e7: {  	[sflag:s13] =	ssyncset.done $0x0  }
0x2e8: {  	[sflag:s13] =	ssyncadd.s32 $0xFFFFFE00  }
0x2e9: {  	_ =	swait.ge [sflag:s13], $0x200  }
0x2ea: {  	[sflag:s13] =	ssyncset.done $0x0  }
0x2eb: {  	[sflag:s13] =	ssyncadd.s32 $0xFFFFFE00  }
0x2ec: {  	_ =	swait.ge [sflag:s13], $0x200  }
0x2ed: {  	[sflag:s13] =	ssyncset.done $0x0  }
0x2ee: {  	[sflag:s13] =	ssyncadd.s32 $0xFFFFFE00  }
0x2ef: {  	_ =	swait.ge [sflag:s13], $0x200  }
0x2f0: {  	[sflag:s13] =	ssyncset.done $0x0  }
0x2f1: {  	[sflag:s13] =	ssyncadd.s32 $0xFFFFFE00  }
0x2f2: {  	_ =	swait.ge [sflag:s13], $0x200  }
0x2f3: {  	[sflag:s13] =	ssyncset.done $0x0  }
0x2f4: {  	[sflag:s13] =	ssyncadd.s32 $0xFFFFFE00  }
0x2f5: {  	_ =	swait.ge [sflag:s13], $0x200  }
0x2f6: {  	[sflag:s13] =	ssyncset.done $0x0  }
0x2f7: {  	[sflag:s13] =	ssyncadd.s32 $0xFFFFFE00  }
0x2f8: {  	_ =	swait.ge [sflag:s13], $0x200  }
0x2f9: {  	[sflag:s13] =	ssyncset.done $0x0  }
0x2fa: {  	[sflag:s13] =	ssyncadd.s32 $0xFFFFFE00  }
0x2fb: {  	_ =	swait.ge [sflag:s13], $0x200  }
0x2fc: {  	s16 =	simm.s32 $0x400;
	[sflag:s13] =	ssyncset.done $0x0  }
.LBB2_4:
0x2fd: {  	[sflag:s13] =	ssyncadd.s32 $0xFFFFFE00;
	s15 =	sadd.s32 $0x10, s15  }
0x2fe: {  	v0 =	vld [tilespmem:s15+$0x0];
	_ =	sdelay $0x4  }
0x2ff: {  	v0 =	vshll.u32 v0, $0xB  }
0x300: {  	v0 =	vshra.s32 v0, $0x2  }
0x301: {  	v0 =	vadd.s32 $0x2980, v0  }
0x302: {  	(v2sf) =	vpush v0, $0x0;
	_ =	sdelay $0x1  }
0x303: {  	(v2sf) =	vpush v0, $0x1;
	_ =	sdelay $0x1  }
0x304: {  	(v2sf) =	vpush v0, $0x2;
	_ =	sdelay $0x1  }
0x305: {  	(v2sf) =	vpush v0, $0x3;
	_ =	sdelay $0x1  }
0x306: {  	(v2sf) =	vpush v0, $0x4;
	_ =	sdelay $0x1  }
0x307: {  	(v2sf) =	vpush v0, $0x5;
	_ =	sdelay $0x1  }
0x308: {  	(v2sf) =	vpush v0, $0x6;
	_ =	sdelay $0x1  }
0x309: {  	s17 =	smov.u32 s16;
	s18 =	rddreg [dreg:$0x4];
	(v2sf) =	vpush v0, $0x7  }
0x30a: {  	s17 =	sadd.s32 s17, s18;
	s21 =	spop (v2sf)  }
0x30b: {  	(v2sf) =	vpush v0, $0x8;
	[hbm4b:s17+s9] =	stream.strided.scatter [tilespmem:s21], [sflag:$0x1], $0x200, s10, s9, $0x38;
	[tilespmem:$0xF180] =	vst v63  }
0x30c: {  	s22 =	sadd.s32 $0x10, s17;
	s19 =	spop (v2sf)  }
0x30d: {  	(v2sf) =	vpush v0, $0x9;
	[hbm4b:s22+s9] =	stream.strided.scatter [tilespmem:s19], [sflag:$0x1], $0x200, s10, s9, $0x38;
	[tilespmem:$0xF180] =	vst v63  }
0x30e: {  	s23 =	sadd.s32 $0x20, s17;
	s24 =	spop (v2sf)  }
0x30f: {  	(v2sf) =	vpush v0, $0xA;
	[hbm4b:s23+s9] =	stream.strided.scatter [tilespmem:s24], [sflag:$0x1], $0x200, s10, s9, $0x38;
	[tilespmem:$0xF180] =	vst v63  }
0x310: {  	s25 =	sadd.s32 $0x30, s17;
	s26 =	spop (v2sf)  }
0x311: {  	(v2sf) =	vpush v0, $0xB;
	[hbm4b:s25+s9] =	stream.strided.scatter [tilespmem:s26], [sflag:$0x1], $0x200, s10, s9, $0x38;
	[tilespmem:$0xF180] =	vst v63  }
0x312: {  	s19 =	sadd.s32 $0x40, s17;
	s20 =	spop (v2sf)  }
0x313: {  	(v2sf) =	vpush v0, $0xC;
	[hbm4b:s19+s9] =	stream.strided.scatter [tilespmem:s20], [sflag:$0x1], $0x200, s10, s9, $0x38;
	[tilespmem:$0xF180] =	vst v63  }
0x314: {  	s21 =	sadd.s32 $0x50, s17;
	s22 =	spop (v2sf)  }
0x315: {  	(v2sf) =	vpush v0, $0xD;
	[hbm4b:s21+s9] =	stream.strided.scatter [tilespmem:s22], [sflag:$0x1], $0x200, s10, s9, $0x38;
	[tilespmem:$0xF180] =	vst v63  }
0x316: {  	s23 =	sadd.s32 $0x60, s17;
	s24 =	spop (v2sf)  }
0x317: {  	(v2sf) =	vpush v0, $0xE;
	[hbm4b:s23+s9] =	stream.strided.scatter [tilespmem:s24], [sflag:$0x1], $0x200, s10, s9, $0x38;
	[tilespmem:$0xF180] =	vst v63  }
0x318: {  	s25 =	sadd.s32 $0x70, s17;
	s26 =	spop (v2sf)  }
0x319: {  	(v2sf) =	vpush v0, $0xF;
	[hbm4b:s25+s9] =	stream.strided.scatter [tilespmem:s26], [sflag:$0x1], $0x200, s10, s9, $0x38;
	[tilespmem:$0xF180] =	vst v63  }
0x31a: {  	s19 =	sadd.s32 $0x200, s17;
	s20 =	spop (v2sf)  }
0x31b: {  	[hbm4b:s19+s9] =	stream.strided.scatter [tilespmem:s20], [sflag:$0x1], $0x200, s10, s9, $0x38;
	[tilespmem:$0xF180] =	vst v63  }
0x31c: {  	s21 =	sadd.s32 $0x210, s17;
	s22 =	spop (v2sf)  }
0x31d: {  	[hbm4b:s21+s9] =	stream.strided.scatter [tilespmem:s22], [sflag:$0x1], $0x200, s10, s9, $0x38;
	[tilespmem:$0xF180] =	vst v63  }
0x31e: {  	s23 =	sadd.s32 $0x220, s17;
	s24 =	spop (v2sf)  }
0x31f: {  	[hbm4b:s23+s9] =	stream.strided.scatter [tilespmem:s24], [sflag:$0x1], $0x200, s10, s9, $0x38;
	[tilespmem:$0xF180] =	vst v63  }
0x320: {  	s25 =	sadd.s32 $0x230, s17;
	s26 =	spop (v2sf)  }
0x321: {  	[hbm4b:s25+s9] =	stream.strided.scatter [tilespmem:s26], [sflag:$0x1], $0x200, s10, s9, $0x38;
	[tilespmem:$0xF180] =	vst v63  }
0x322: {  	s20 =	sadd.s32 $0x240, s17;
	s21 =	spop (v2sf)  }
0x323: {  	[hbm4b:s20+s9] =	stream.strided.scatter [tilespmem:s21], [sflag:$0x1], $0x200, s10, s9, $0x38;
	[tilespmem:$0xF180] =	vst v63  }
0x324: {  	s22 =	sadd.s32 $0x250, s17;
	s23 =	spop (v2sf)  }
0x325: {  	[hbm4b:s22+s9] =	stream.strided.scatter [tilespmem:s23], [sflag:$0x1], $0x200, s10, s9, $0x38;
	[tilespmem:$0xF180] =	vst v63  }
0x326: {  	s24 =	sadd.s32 $0x260, s17;
	s25 =	spop (v2sf)  }
0x327: {  	[hbm4b:s24+s9] =	stream.strided.scatter [tilespmem:s25], [sflag:$0x1], $0x200, s10, s9, $0x38;
	[tilespmem:$0xF180] =	vst v63  }
0x328: {  	s17 =	sadd.s32 $0x270, s17;
	s26 =	spop (v2sf)  }
0x329: {  	[hbm4b:s17+s9] =	stream.strided.scatter [tilespmem:s26], [sflag:$0x1], $0x200, s10, s9, $0x38;
	[tilespmem:$0xF180] =	vst v63  }
0x32a: {  	_ =	swait.ge [sflag:s13], $0x200  }
0x32b: {  	[sflag:s13] =	ssyncset.done $0x0  }
0x32c: {  	[sflag:s13] =	ssyncadd.s32 $0xFFFFFE00  }
0x32d: {  	_ =	swait.ge [sflag:s13], $0x200  }
0x32e: {  	[sflag:s13] =	ssyncset.done $0x0  }
0x32f: {  	[sflag:s13] =	ssyncadd.s32 $0xFFFFFE00  }
0x330: {  	_ =	swait.ge [sflag:s13], $0x200  }
0x331: {  	[sflag:s13] =	ssyncset.done $0x0  }
0x332: {  	[sflag:s13] =	ssyncadd.s32 $0xFFFFFE00  }
0x333: {  	_ =	swait.ge [sflag:s13], $0x200  }
0x334: {  	[sflag:s13] =	ssyncset.done $0x0  }
0x335: {  	[sflag:s13] =	ssyncadd.s32 $0xFFFFFE00  }
0x336: {  	_ =	swait.ge [sflag:s13], $0x200  }
0x337: {  	[sflag:s13] =	ssyncset.done $0x0  }
0x338: {  	[sflag:s13] =	ssyncadd.s32 $0xFFFFFE00  }
0x339: {  	_ =	swait.ge [sflag:s13], $0x200  }
0x33a: {  	[sflag:s13] =	ssyncset.done $0x0  }
0x33b: {  	[sflag:s13] =	ssyncadd.s32 $0xFFFFFE00  }
0x33c: {  	_ =	swait.ge [sflag:s13], $0x200  }
0x33d: {  	[sflag:s13] =	ssyncset.done $0x0  }
0x33e: {  	[sflag:s13] =	ssyncadd.s32 $0xFFFFFE00  }
0x33f: {  	_ =	swait.ge [sflag:s13], $0x200  }
0x340: {  	[sflag:s13] =	ssyncset.done $0x0  }
0x341: {  	[sflag:s13] =	ssyncadd.s32 $0xFFFFFE00  }
0x342: {  	_ =	swait.ge [sflag:s13], $0x200  }
0x343: {  	[sflag:s13] =	ssyncset.done $0x0  }
0x344: {  	[sflag:s13] =	ssyncadd.s32 $0xFFFFFE00  }
0x345: {  	_ =	swait.ge [sflag:s13], $0x200  }
0x346: {  	[sflag:s13] =	ssyncset.done $0x0  }
0x347: {  	[sflag:s13] =	ssyncadd.s32 $0xFFFFFE00  }
0x348: {  	_ =	swait.ge [sflag:s13], $0x200  }
0x349: {  	[sflag:s13] =	ssyncset.done $0x0  }
0x34a: {  	[sflag:s13] =	ssyncadd.s32 $0xFFFFFE00  }
0x34b: {  	_ =	swait.ge [sflag:s13], $0x200  }
0x34c: {  	[sflag:s13] =	ssyncset.done $0x0  }
0x34d: {  	[sflag:s13] =	ssyncadd.s32 $0xFFFFFE00  }
0x34e: {  	_ =	swait.ge [sflag:s13], $0x200  }
0x34f: {  	[sflag:s13] =	ssyncset.done $0x0  }
0x350: {  	[sflag:s13] =	ssyncadd.s32 $0xFFFFFE00  }
0x351: {  	_ =	swait.ge [sflag:s13], $0x200  }
0x352: {  	[sflag:s13] =	ssyncset.done $0x0  }
0x353: {  	p0 =	sne.s32 s16, $0x7400;
	[sflag:s13] =	ssyncadd.s32 $0xFFFFFE00  }
.Ltmp1:
0x354: {  	_ =	swait.ge [sflag:s13], $0x200;
	(pc) =	sbr.rel @p0 .LBB2_4-.Ltmp1, $4  }
0x355: {  	[sflag:s13] =	ssyncset.done $0x0  }
0x356: {  	[sflag:s13] =	ssyncadd.s32 $0xFFFFFE00  }
0x357: {  	_ =	swait.ge [sflag:s13], $0x200  }
0x358: {  	s16 =	sadd.s32 $0x400, s16;
	[sflag:s13] =	ssyncset.done $0x0  }
0x359: {  	[sflag:s13] =	ssyncadd.s32 $0xFFFFFE00  }
0x35a: {  	_ =	swait.ge [sflag:s13], $0x200  }
0x35b: {  	[sflag:s13] =	ssyncset.done $0x0  }
0x35c: {  	[sflag:s13] =	ssyncadd.s32 $0xFFFFFE00  }
0x35d: {  	_ =	swait.ge [sflag:s13], $0x200  }
0x35e: {  	[sflag:s13] =	ssyncset.done $0x0  }
0x35f: {  	[sflag:s13] =	ssyncadd.s32 $0xFFFFFE00  }
0x360: {  	_ =	swait.ge [sflag:s13], $0x200  }
0x361: {  	[sflag:s13] =	ssyncset.done $0x0  }
0x362: {  	[sflag:s13] =	ssyncadd.s32 $0xFFFFFE00  }
0x363: {  	_ =	swait.ge [sflag:s13], $0x200  }
0x364: {  	[sflag:s13] =	ssyncset.done $0x0  }
0x365: {  	[sflag:s13] =	ssyncadd.s32 $0xFFFFFE00  }
0x366: {  	_ =	swait.ge [sflag:s13], $0x200  }
0x367: {  	[sflag:s13] =	ssyncset.done $0x0  }
0x368: {  	[sflag:s13] =	ssyncadd.s32 $0xFFFFFE00  }
0x369: {  	_ =	swait.ge [sflag:s13], $0x200  }
0x36a: {  	[sflag:s13] =	ssyncset.done $0x0  }
0x36b: {  	[sflag:s13] =	ssyncadd.s32 $0xFFFFFE00  }
0x36c: {  	_ =	swait.ge [sflag:s13], $0x200  }
0x36d: {  	[sflag:s13] =	ssyncset.done $0x0  }
0x36e: {  	[sflag:s13] =	ssyncadd.s32 $0xFFFFFE00  }
0x36f: {  	_ =	swait.ge [sflag:s13], $0x200  }
0x370: {  	[sflag:s13] =	ssyncset.done $0x0  }
0x371: {  	[sflag:s13] =	ssyncadd.s32 $0xFFFFFE00  }
0x372: {  	_ =	swait.ge [sflag:s13], $0x200  }
0x373: {  	[sflag:s13] =	ssyncset.done $0x0  }
0x374: {  	[sflag:s13] =	ssyncadd.s32 $0xFFFFFE00  }
0x375: {  	_ =	swait.ge [sflag:s13], $0x200  }
0x376: {  	[sflag:s13] =	ssyncset.done $0x0  }
0x377: {  	[sflag:s13] =	ssyncadd.s32 $0xFFFFFE00  }
0x378: {  	_ =	swait.ge [sflag:s13], $0x200  }
0x379: {  	[sflag:s13] =	ssyncset.done $0x0  }
0x37a: {  	[sflag:s13] =	ssyncadd.s32 $0xFFFFFE00  }
0x37b: {  	_ =	swait.ge [sflag:s13], $0x200  }
0x37c: {  	[sflag:s13] =	ssyncset.done $0x0  }
0x37d: {  	[sflag:s13] =	ssyncadd.s32 $0xFFFFFE00  }
0x37e: {  	_ =	swait.ge [sflag:s13], $0x200  }
0x37f: {  	[sflag:s13] =	ssyncset.done $0x0  }
0x380: {  	[sflag:s13] =	ssyncadd.s32 $0xFFFFFE00  }
0x381: {  	_ =	swait.ge [sflag:s13], $0x200  }
0x382: {  	[sflag:s13] =	ssyncset.done $0x0  }
0x383: {  	[sflag:s13] =	ssyncadd.s32 $0xFFFFFE00  }
0x384: {  	_ =	swait.ge [sflag:s13], $0x200  }
0x385: {  	[sflag:s13] =	ssyncset.done $0x0  }
0x386: {  	[sflag:s13] =	ssyncadd.s32 $0xFFFFFE00  }
0x387: {  	_ =	swait.ge [sflag:s13], $0x200  }
0x388: {  	[sflag:s13] =	ssyncset.done $0x0  }
0x389: {  	[sflag:s13] =	ssyncadd.s32 $0xFFFFFE00  }
0x38a: {  	_ =	swait.ge [sflag:s13], $0x200  }
0x38b: {  	[sflag:s13] =	ssyncset.done $0x0  }
0x38c: {  	[sflag:s13] =	ssyncadd.s32 $0xFFFFFE00  }
0x38d: {  	_ =	swait.ge [sflag:s13], $0x200  }
0x38e: {  	[sflag:s13] =	ssyncset.done $0x0  }
0x38f: {  	[sflag:s13] =	ssyncadd.s32 $0xFFFFFE00  }
0x390: {  	_ =	swait.ge [sflag:s13], $0x200  }
0x391: {  	[sflag:s13] =	ssyncset.done $0x0  }
0x392: {  	[sflag:s13] =	ssyncadd.s32 $0xFFFFFE00  }
0x393: {  	_ =	swait.ge [sflag:s13], $0x200  }
0x394: {  	[sflag:s13] =	ssyncset.done $0x0  }
0x395: {  	[sflag:s13] =	ssyncadd.s32 $0xFFFFFE00  }
0x396: {  	_ =	swait.ge [sflag:s13], $0x200  }
0x397: {  	[sflag:s13] =	ssyncset.done $0x0  }
0x398: {  	[sflag:s13] =	ssyncadd.s32 $0xFFFFFE00  }
0x399: {  	_ =	swait.ge [sflag:s13], $0x200  }
0x39a: {  	[sflag:s13] =	ssyncset.done $0x0  }
0x39b: {  	[sflag:s13] =	ssyncadd.s32 $0xFFFFFE00  }
0x39c: {  	_ =	swait.ge [sflag:s13], $0x200  }
0x39d: {  	[sflag:s13] =	ssyncset.done $0x0  }
0x39e: {  	[sflag:s13] =	ssyncadd.s32 $0xFFFFFE00  }
0x39f: {  	_ =	swait.ge [sflag:s13], $0x200  }
0x3a0: {  	[sflag:s13] =	ssyncset.done $0x0  }
0x3a1: {  	[sflag:s13] =	ssyncadd.s32 $0xFFFFFE00  }
0x3a2: {  	_ =	swait.ge [sflag:s13], $0x200  }
0x3a3: {  	[sflag:s13] =	ssyncset.done $0x0  }
0x3a4: {  	[sflag:s13] =	ssyncadd.s32 $0xFFFFFE00  }
0x3a5: {  	_ =	swait.ge [sflag:s13], $0x200  }
0x3a6: {  	[sflag:s13] =	ssyncset.done $0x0  }
0x3a7: {  	[sflag:s13] =	ssyncadd.s32 $0xFFFFFE00  }
0x3a8: {  	_ =	swait.ge [sflag:s13], $0x200  }
0x3a9: {  	[sflag:s13] =	ssyncset.done $0x0  }
0x3aa: {  	[sflag:s13] =	ssyncadd.s32 $0xFFFFFE00  }
0x3ab: {  	_ =	swait.ge [sflag:s13], $0x200  }
0x3ac: {  	[sflag:s13] =	ssyncset.done $0x0  }
0x3ad: {  	[sflag:s13] =	ssyncadd.s32 $0xFFFFFE00  }
0x3ae: {  	_ =	swait.ge [sflag:s13], $0x200  }
0x3af: {  	[sflag:s13] =	ssyncset.done $0x0  }
0x3b0: {  	[sflag:s13] =	ssyncadd.s32 $0xFFFFFE00  }
0x3b1: {  	_ =	swait.ge [sflag:s13], $0x200  }
0x3b2: {  	[sflag:s13] =	ssyncset.done $0x0  }
0x3b3: {  	[sflag:s13] =	ssyncadd.s32 $0xFFFFFE00  }
0x3b4: {  	_ =	swait.ge [sflag:s13], $0x200  }
0x3b5: {  	[sflag:s13] =	ssyncset.done $0x0  }
0x3b6: {  	[sflag:s13] =	ssyncadd.s32 $0xFFFFFE00  }
0x3b7: {  	_ =	swait.ge [sflag:s13], $0x200  }
0x3b8: {  	s14 =	sadd.s32 $0x1, s14;
	s15 =	rddreg [dreg:$0x19]  }
0x3b9: {  	p0 =	sne.s32 s14, s15  }
.Ltmp2:
0x3ba: {  	_ = 	snop;
	(pc) =	sbr.rel @p0 .LBB2_1-.Ltmp2, $3  }
0x3bb: {  	_ =	sdelay $0x1  }
0x3bc: {  	[sflag:s13] =	ssyncset.done $0x0  }
0x3bd: {  	[sflag:s13] =	ssyncadd.s32 $0xFFFFFE00  }
0x3be: {  	_ =	sfence.sel $0x180000  }
0x3bf: {  	[bflag:$0x0] =	sbarrier.arrive $0xFFFF  }
0x3c0: {  	_ =	strace $0x90000047  }
0x3c1: {  	s0 =	stileid.u32;
	[bflag:$0x2] =	sbarrier.arrive $0xFFFF  }
0x3c2: {  	p0 =	sne.s32 s0, $0x0;
	s0 =	rddreg [dreg:$0x3]  }
0x3c3: {  	s0 =	sadd.s32 @!p0 $0x100000, s0  }
0x3c4: {  	[sflag:s0] =	ssyncadd.tile.s32 @!p0 $0x1;
	_ =	shalt  }
.Lfunc_end2:
_tile_overlayer_lowered:
.L_overlay_start_2:
0x3c5: {  	(tag) =	ssettag $0x2  }
0x3c6: {  	s0 =	rddreg [dreg:$0x0];
	s2 =	stileid.u32  }
0x3c7: {  	s1 =	rddreg [dreg:$0x1];
	p0 =	sne.s32 s2, $0x0  }
0x3c8: {  	s3 =	rddreg [dreg:$0x2];
	[bflag:$0x3] =	sbarrier.arrive $0xFFFF;
	s2 =	simm.s32 @!p0 $0x1C02  }
0x3c9: {  	[timem:s3], [sflag:s2] =	dma.local @!p0 [hbm:s0], s1  }
0x3ca: {  	s0 =	simm.s32 @!p0 $0x2  }
0x3cb: {  	_ =	swait.ge @!p0 [sflag:s0], s1  }
0x3cc: {  	s1 =	ssub.s32 @!p0 $0x0, s1;
	[sflag:s0] =	ssyncset.done @!p0 $0x0  }
0x3cd: {  	[sflag:s0] =	ssyncadd.s32 @!p0 s1  }
0x3ce: {  	[bflag:$0x3] =	sbarrier.arrive $0xFFFF  }
0x3cf: {  	_ =	shalt  }

</sc_bundles>
